<compile_context>
chip_gen: v7x
topology: tpu7x:2x2x1
jax: 0.10.2.dev20260603
libtpu: 0.0.44.dev20260713+nightly
codegen_flags: <defaults>
</compile_context>

<pallas_src>
import functools

import jax
import jax.numpy as jnp
from jax import lax
from jax.experimental import pallas as pl
from jax.experimental.pallas import tpu as pltpu
from jax.experimental.pallas import tpu_sc as plsc

NE = 8
DM = 768
DF = 3072
T = 2048
BM = 256
G = 23
R = 6144
NC = 2
NS = 16
NW = NC * NS
AUX_COEF = 0.01
Z_COEF = 0.001


def _router_body(x_ref, rw_ref, r0_ref, r1_ref, wp0_ref, wp1_ref,
                 counts_ref, aux_ref, z_ref):
    x = x_ref[...]
    rw = rw_ref[...]
    l = lax.dot_general(x, rw, (((1,), (1,)), ((), ())),
                        preferred_element_type=jnp.float32)
    iota_e = lax.broadcasted_iota(jnp.int32, (T, NE), 1)
    m1 = jnp.max(l, axis=1, keepdims=True)
    i1 = jnp.min(jnp.where(l == m1, iota_e, NE), axis=1, keepdims=True)
    one1 = (iota_e == i1)
    lm = jnp.where(one1, -jnp.inf, l)
    m2 = jnp.max(lm, axis=1, keepdims=True)
    i2 = jnp.min(jnp.where(lm == m2, iota_e, NE), axis=1, keepdims=True)
    one2 = (iota_e == i2)
    w0 = 1.0 / (1.0 + jnp.exp(m2 - m1))
    w1v = 1.0 - w0
    A = one1.astype(jnp.float32) + one2.astype(jnp.float32)
    r_i = lax.broadcasted_iota(jnp.int32, (T, T), 0)
    c_i = lax.broadcasted_iota(jnp.int32, (T, T), 1)
    tri = (c_i < r_i).astype(jnp.float32)
    S = lax.dot_general(tri, A, (((1,), (0,)), ((), ())),
                        preferred_element_type=jnp.float32)
    counts = jnp.sum(A, axis=0, keepdims=True)
    pc = jnp.ceil(counts * (1.0 / BM)) * BM
    e_r = lax.broadcasted_iota(jnp.int32, (NE, NE), 0)
    e_c = lax.broadcasted_iota(jnp.int32, (NE, NE), 1)
    tri8 = (e_r < e_c).astype(jnp.float32)
    off = lax.dot_general(pc, tri8, (((1,), (0,)), ((), ())),
                          preferred_element_type=jnp.float32)
    off0 = jnp.sum(off * one1, axis=1, keepdims=True)
    off1 = jnp.sum(off * one2, axis=1, keepdims=True)
    pos0 = jnp.sum(S * one1, axis=1, keepdims=True)
    pos1 = jnp.sum(S * one2, axis=1, keepdims=True)
    row0 = (off0 + pos0).astype(jnp.int32)
    row1 = (off1 + pos1).astype(jnp.int32)
    r0_ref[...] = row0
    r1_ref[...] = row1
    wp0_ref[...] = w0
    wp1_ref[...] = w1v
    counts_ref[...] = counts
    p = jnp.exp(l - m1)
    p = p / jnp.sum(p, axis=1, keepdims=True)
    imp = jnp.mean(p, axis=0, keepdims=True)
    load = jnp.mean(one1.astype(jnp.float32), axis=0, keepdims=True)
    aux_ref[...] = (NE * AUX_COEF) * jnp.sum(imp * load, keepdims=True).reshape(1, 1)
    z_ref[...] = Z_COEF * jnp.mean(l * l, keepdims=True).reshape(1, 1)


def _router(x2, rw):
    return pl.pallas_call(
        _router_body,
        out_shape=[
            jax.ShapeDtypeStruct((T, 1), jnp.int32),
            jax.ShapeDtypeStruct((T, 1), jnp.int32),
            jax.ShapeDtypeStruct((T, 1), jnp.float32),
            jax.ShapeDtypeStruct((T, 1), jnp.float32),
            jax.ShapeDtypeStruct((1, NE), jnp.float32),
            jax.ShapeDtypeStruct((1, 1), jnp.float32),
            jax.ShapeDtypeStruct((1, 1), jnp.float32),
        ],
        interpret=False,
    )(x2, rw)


NF = 1
DFC = DF // NF


def _ffn_body(be_ref, act_ref, xg_ref, w1_ref, w3_ref, w2_ref, wr_ref, y_ref):
    j = pl.program_id(0)
    f = pl.program_id(1)

    @pl.when(act_ref[j] > 0)
    def _():
        xb = xg_ref[...]
        g = lax.dot_general(xb, w1_ref[0], (((1,), (0,)), ((), ())),
                            preferred_element_type=jnp.float32)
        u = lax.dot_general(xb, w3_ref[0], (((1,), (0,)), ((), ())),
                            preferred_element_type=jnp.float32)
        h = (g * jax.nn.sigmoid(g)) * u
        y = lax.dot_general(h, w2_ref[0], (((1,), (0,)), ((), ())),
                            preferred_element_type=jnp.float32)
        y = y * wr_ref[...]

        @pl.when(f == 0)
        def _():
            y_ref[...] = y

        @pl.when(f > 0)
        def _():
            y_ref[...] += y


def _ffn(be, act, xg, w1, w3, w2, wr):
    grid_spec = pltpu.PrefetchScalarGridSpec(
        num_scalar_prefetch=2,
        grid=(G, NF),
        in_specs=[
            pl.BlockSpec((BM, DM), lambda j, f, be, act: (j, 0)),
            pl.BlockSpec((1, DM, DFC), lambda j, f, be, act: (be[j], 0, f)),
            pl.BlockSpec((1, DM, DFC), lambda j, f, be, act: (be[j], 0, f)),
            pl.BlockSpec((1, DFC, DM), lambda j, f, be, act: (be[j], f, 0)),
            pl.BlockSpec((BM, 1), lambda j, f, be, act: (j, 0)),
        ],
        out_specs=pl.BlockSpec((BM, DM), lambda j, f, be, act: (j, 0)),
    )
    return pl.pallas_call(
        _ffn_body,
        grid_spec=grid_spec,
        out_shape=jax.ShapeDtypeStruct((R, DM), jnp.float32),
        compiler_params=pltpu.CompilerParams(
            dimension_semantics=("arbitrary", "arbitrary"),
            vmem_limit_bytes=100 * 1024 * 1024),
        interpret=False,
    )(be, act, xg, w1, w3, w2, wr)


_SC_MESH = plsc.VectorSubcoreMesh(core_axis_name="c", subcore_axis_name="s")
_RPW = R // NW
_TPW = T // NW


@functools.partial(
    pl.kernel,
    mesh=_SC_MESH,
    out_type=[
        jax.ShapeDtypeStruct((R, DM), jnp.float32),
        jax.ShapeDtypeStruct((R,), jnp.float32),
    ],
    scratch_types=[
        pltpu.VMEM((T,), jnp.int32),
        pltpu.VMEM((T,), jnp.int32),
        pltpu.VMEM((T,), jnp.float32),
        pltpu.VMEM((T,), jnp.float32),
        pltpu.VMEM((R,), jnp.float32),
        pltpu.VMEM((_TPW,), jnp.int32),
        pltpu.VMEM((_TPW,), jnp.int32),
        pltpu.VMEM((_TPW, DM), jnp.float32),
        pltpu.SemaphoreType.DMA,
        pltpu.SemaphoreType.DMA,
        pltpu.SemaphoreType.DMA,
        pltpu.SemaphoreType.DMA,
        pltpu.SemaphoreType.DMA,
        pltpu.SemaphoreType.DMA,
        pltpu.SemaphoreType.DMA,
    ],
    compiler_params=pltpu.CompilerParams(needs_layout_passes=False),
)
def _sc_dispatch(r0_h, r1_h, w0_h, w1_h, x_h, xg_h, wrow_h,
                 r0full, r1full, w0full, w1full, warr,
                 ir0, ir1, xbuf, sl, s0, s1, sa, sb, sc2, sd):
    wid = lax.axis_index("s") * NC + lax.axis_index("c")
    tb = wid * _TPW
    with jax.named_scope("disp_scatter"):
        cx = pltpu.async_copy(x_h.at[pl.ds(tb, _TPW)], xbuf, sl)
        pltpu.sync_copy(r0_h.at[pl.ds(tb, _TPW)], ir0)
        pltpu.sync_copy(r1_h.at[pl.ds(tb, _TPW)], ir1)
        cx.wait()
        c0 = pltpu.async_copy(xbuf, xg_h.at[ir0], s0)
        c1 = pltpu.async_copy(xbuf, xg_h.at[ir1], s1)

    with jax.named_scope("disp_wrow"):
        @pl.when(wid == 0)
        def _():
            la = pltpu.async_copy(r0_h, r0full, sa)
            lb = pltpu.async_copy(r1_h, r1full, sb)
            lc = pltpu.async_copy(w0_h, w0full, sc2)
            ld = pltpu.async_copy(w1_h, w1full, sd)
            la.wait()
            lb.wait()
            lc.wait()
            ld.wait()

            def scat(i, _):
                idx0 = r0full[pl.ds(i * 16, 16)]
                plsc.store_scatter(warr, [idx0], w0full[pl.ds(i * 16, 16)])
                idx1 = r1full[pl.ds(i * 16, 16)]
                plsc.store_scatter(warr, [idx1], w1full[pl.ds(i * 16, 16)])
                return ()
            lax.fori_loop(0, T // 16, scat, ())
            pltpu.sync_copy(warr, wrow_h)

    with jax.named_scope("disp_drain"):
        c0.wait()
        c1.wait()


@functools.partial(
    pl.kernel,
    mesh=_SC_MESH,
    out_type=jax.ShapeDtypeStruct((T, DM), jnp.float32),
    scratch_types=[
        pltpu.VMEM((_TPW // 2,), jnp.int32),
        pltpu.VMEM((_TPW // 2,), jnp.int32),
        pltpu.VMEM((_TPW // 2,), jnp.int32),
        pltpu.VMEM((_TPW // 2,), jnp.int32),
        pltpu.VMEM((_TPW, DM), jnp.float32),
        pltpu.VMEM((_TPW, DM), jnp.float32),
        pltpu.SemaphoreType.DMA,
        pltpu.SemaphoreType.DMA,
        pltpu.SemaphoreType.DMA,
        pltpu.SemaphoreType.DMA,
        pltpu.SemaphoreType.DMA,
        pltpu.SemaphoreType.DMA,
    ],
    compiler_params=pltpu.CompilerParams(needs_layout_passes=False),
)
def _sc_combine(y_h, r0_h, r1_h, out_h, i0a, i1a, i0b, i1b, A, B,
                s0, s1, s2, s3, sw0, sw1):
    wid = lax.axis_index("s") * NC + lax.axis_index("c")
    base = wid * _TPW
    half = _TPW // 2
    pltpu.sync_copy(r0_h.at[pl.ds(base, half)], i0a)
    pltpu.sync_copy(r1_h.at[pl.ds(base, half)], i1a)
    pltpu.sync_copy(r0_h.at[pl.ds(base + half, half)], i0b)
    pltpu.sync_copy(r1_h.at[pl.ds(base + half, half)], i1b)
    ga0 = pltpu.async_copy(y_h.at[i0a], A.at[pl.ds(0, half)], s0)
    gb0 = pltpu.async_copy(y_h.at[i1a], B.at[pl.ds(0, half)], s1)
    ga1 = pltpu.async_copy(y_h.at[i0b], A.at[pl.ds(half, half)], s2)
    gb1 = pltpu.async_copy(y_h.at[i1b], B.at[pl.ds(half, half)], s3)

    def addcol(lo):
        def body(jv, _):
            col = pl.ds(jv * 16, 16)
            for irow in range(lo, lo + half):
                A[irow, col] = A[irow, col] + B[irow, col]
            return ()
        lax.fori_loop(0, DM // 16, body, ())

    ga0.wait()
    gb0.wait()
    addcol(0)
    w0 = pltpu.async_copy(A.at[pl.ds(0, half)],
                          out_h.at[pl.ds(base, half)], sw0)
    ga1.wait()
    gb1.wait()
    addcol(half)
    w1 = pltpu.async_copy(A.at[pl.ds(half, half)],
                          out_h.at[pl.ds(base + half, half)], sw1)
    w0.wait()
    w1.wait()


def kernel(x, router_w, w1, w2, w3):
    b, s, d = x.shape
    x2 = x.reshape(s * b, d)
    r02, r12, wp02, wp12, counts, aux, z = _router(x2, router_w)
    r0 = r02.reshape(T)
    r1 = r12.reshape(T)
    c = counts[0]
    nb = jnp.ceil(c * (1.0 / BM)).astype(jnp.int32)
    nbc = jnp.cumsum(nb)
    total = nbc[-1]
    jj = jnp.arange(G, dtype=jnp.int32)
    act = (jj < total).astype(jnp.int32)
    jcl = jnp.minimum(jj, total - 1)
    be = jnp.sum((nbc[None, :] <= jcl[:, None]).astype(jnp.int32), axis=1)
    be = jnp.minimum(be, NE - 1)
    xg, w_row = _sc_dispatch(r0, r1, wp02.reshape(T), wp12.reshape(T), x2)
    y = _ffn(be, act, xg, w1, w3, w2, w_row[:, None])
    out = _sc_combine(y, r0, r1)
    return out.reshape(b, s, d), aux.reshape(()), z.reshape(())

# --- scband reference (transcript-rebuilt; emitter-appended) ---
"""Pipeline reference for scband-mo-elayer-62654982914897 (READ-ONLY COPY).

The authoritative reference and input builder live on the scoring server;
editing this copy changes nothing except your own understanding.
"""

import jax, jax.numpy as jnp
import numpy as np

N_EXPERTS = 8
TOP_K = 2
D_MODEL = 768
D_FF = 3072
BATCH = 1
SEQ = 2048
AUX_COEF = 0.01
Z_COEF = 0.001
INIT_STD = 0.02
N_LAYERS = 24


def setup_inputs(seed: int = 0) -> dict:
    key = jax.random.key(seed)
    k1, k2, k3, k4, k5 = jax.random.split(key, 5)
    x = jax.random.normal(k1, (BATCH, SEQ, D_MODEL), dtype=jnp.float32)
    router_w = jax.random.normal(k2, (N_EXPERTS, D_MODEL), dtype=jnp.float32) * (1.0 / np.sqrt(D_MODEL))
    std_out = INIT_STD / np.sqrt(2 * N_LAYERS)  # scale_init_by_depth=True
    w1 = jax.random.normal(k3, (N_EXPERTS, D_MODEL, D_FF), dtype=jnp.float32) * INIT_STD
    w2 = jax.random.normal(k4, (N_EXPERTS, D_FF, D_MODEL), dtype=jnp.float32) * std_out
    w3 = jax.random.normal(k5, (N_EXPERTS, D_MODEL, D_FF), dtype=jnp.float32) * INIT_STD
    return {"x": x, "router_w": router_w, "w1": w1, "w2": w2, "w3": w3}


def reference(x, router_w, w1, w2, w3):
    # Eval mode: no routing noise, no capacity-based token dropping.
    b, s, d = x.shape
    x_flat = x.reshape(-1, d)
    n_tokens = x_flat.shape[0]
    router_logits = x_flat @ router_w.T
    routing_weights = jax.nn.softmax(router_logits.astype(jnp.float32), axis=-1)
    topk_weights, topk_indices = jax.lax.top_k(routing_weights, TOP_K)
    topk_weights = topk_weights / jnp.sum(topk_weights, axis=-1, keepdims=True)
    # combine[t, e] = normalized routing weight of expert e for token t (0 if not in top-k)
    combine = jnp.sum(jax.nn.one_hot(topk_indices, N_EXPERTS, dtype=jnp.float32) * topk_weights[..., None], axis=1)
    # Dense equivalent of the per-expert dispatch loop (same math):
    gate_out = jax.nn.silu(jnp.einsum('td,edf->tef', x_flat, w1))
    up_out = jnp.einsum('td,edf->tef', x_flat, w3)
    expert_out = jnp.einsum('tef,efd->ted', gate_out * up_out, w2)
    outputs = jnp.einsum('te,ted->td', combine.astype(x_flat.dtype), expert_out)
    # Load-balancing aux loss (Switch style)
    probs = jax.nn.softmax(router_logits, axis=-1)
    importance = probs.mean(axis=0)
    top1_expert = topk_indices[:, 0]
    load = jnp.zeros((N_EXPERTS,), dtype=jnp.float32).at[top1_expert].add(1.0) / n_tokens
    aux_loss = N_EXPERTS * jnp.sum(importance * load) * AUX_COEF
    z_loss = jnp.mean(router_logits.astype(jnp.float32) ** 2) * Z_COEF
    return outputs.reshape(b, s, d), aux_loss, z_loss

if __name__ == "__main__":
    import jax
    _d = setup_inputs()
    print(jax.jit(kernel)(*tuple(_d.values())))

</pallas_src>

<mosaic_0001>
#map = affine_map<(d0, d1) -> (0)>
#map1 = affine_map<(d0, d1) -> (0, 0)>
module attributes {stable_mosaic.version = 14 : i64} {
  func.func @_sc_dispatch(%arg0: i32, %arg1: i32, %arg2: memref<2048xi32, #tpu.memory_space<hbm>>, %arg3: memref<2048xi32, #tpu.memory_space<hbm>>, %arg4: memref<2048xf32, #tpu.memory_space<hbm>>, %arg5: memref<2048xf32, #tpu.memory_space<hbm>>, %arg6: memref<2048x768xf32, #tpu.memory_space<hbm>>, %arg7: memref<6144x768xf32, #tpu.memory_space<hbm>>, %arg8: memref<6144xf32, #tpu.memory_space<hbm>>, %arg9: memref<2048xi32, #tpu.memory_space<vmem>>, %arg10: memref<2048xi32, #tpu.memory_space<vmem>>, %arg11: memref<2048xf32, #tpu.memory_space<vmem>>, %arg12: memref<2048xf32, #tpu.memory_space<vmem>>, %arg13: memref<6144xf32, #tpu.memory_space<vmem>>, %arg14: memref<64xi32, #tpu.memory_space<vmem>>, %arg15: memref<64xi32, #tpu.memory_space<vmem>>, %arg16: memref<64x768xf32, #tpu.memory_space<vmem>>, %arg17: memref<!tpu.dma_semaphore, #tpu.memory_space<semaphore_mem>>, %arg18: memref<!tpu.dma_semaphore, #tpu.memory_space<semaphore_mem>>, %arg19: memref<!tpu.dma_semaphore, #tpu.memory_space<semaphore_mem>>, %arg20: memref<!tpu.dma_semaphore, #tpu.memory_space<semaphore_mem>>, %arg21: memref<!tpu.dma_semaphore, #tpu.memory_space<semaphore_mem>>, %arg22: memref<!tpu.dma_semaphore, #tpu.memory_space<semaphore_mem>>, %arg23: memref<!tpu.dma_semaphore, #tpu.memory_space<semaphore_mem>>) attributes {dimension_semantics = [#tpu.dimension_semantics<core_parallel>, #tpu.dimension_semantics<subcore_parallel>], iteration_bounds = array<i64: 2, 16>, scalar_prefetch = 0 : i64, scratch_operands = 15 : i64, tpu.core_type = #tpu.core_type<sc_vector_subcore>, window_params = [{transform_indices = #map}, {transform_indices = #map}, {transform_indices = #map}, {transform_indices = #map}, {transform_indices = #map1}, {transform_indices = #map1}, {transform_indices = #map}]} {
    %mul3A = arith.constant 2 : i32
    %mul3A_0 = arith.muli %arg1, %mul3A : i32
    %add3A = arith.addi %mul3A_0, %arg0 : i32
    %mul3A_1 = arith.constant 64 : i32
    %mul3A_2 = arith.muli %add3A, %mul3A_1 : i32
    "tpu.trace_start"() <{level = 10 : i32, message = "disp_scatter"}> : () -> ()
    %dma_start3A = arith.constant 0 : i32
    %dma_start3A_3 = tpu.memref_slice %arg6[%mul3A_2, %dma_start3A] : memref<2048x768xf32, #tpu.memory_space<hbm>> -> memref<64x768xf32, #tpu.memory_space<hbm>>
    %dma_start3A_4 = arith.constant 0 : i32
    %dma_start3A_5 = tpu.memref_slice %arg6[%mul3A_2, %dma_start3A_4] : memref<2048x768xf32, #tpu.memory_space<hbm>> -> memref<64x768xf32, #tpu.memory_space<hbm>>
    tpu.enqueue_dma source(%dma_start3A_5 : memref<64x768xf32, #tpu.memory_space<hbm>>) target(%arg16 : memref<64x768xf32, #tpu.memory_space<vmem>>) target_semaphore(%arg17 : memref<!tpu.dma_semaphore, #tpu.memory_space<semaphore_mem>>)
    "tpu.region"() ({
      %run_scoped3A = tpu.sem_alloc : memref<!tpu.dma_semaphore, #tpu.memory_space<semaphore_mem>>
      %dma_start3A_23 = tpu.memref_slice %arg2[%mul3A_2] : memref<2048xi32, #tpu.memory_space<hbm>> -> memref<64xi32, #tpu.memory_space<hbm>>
      %dma_start3A_24 = tpu.memref_slice %arg2[%mul3A_2] : memref<2048xi32, #tpu.memory_space<hbm>> -> memref<64xi32, #tpu.memory_space<hbm>>
      tpu.enqueue_dma source(%dma_start3A_24 : memref<64xi32, #tpu.memory_space<hbm>>) target(%arg14 : memref<64xi32, #tpu.memory_space<vmem>>) target_semaphore(%run_scoped3A : memref<!tpu.dma_semaphore, #tpu.memory_space<semaphore_mem>>)
      %dma_wait3A_25 = tpu.memref_slice %arg2[%mul3A_2] : memref<2048xi32, #tpu.memory_space<hbm>> -> memref<64xi32, #tpu.memory_space<hbm>>
      %dma_wait3A_26 = tpu.memref_slice %arg2[%mul3A_2] : memref<2048xi32, #tpu.memory_space<hbm>> -> memref<64xi32, #tpu.memory_space<hbm>>
      tpu.wait_dma2 semaphore(%run_scoped3A : memref<!tpu.dma_semaphore, #tpu.memory_space<semaphore_mem>>) src(%dma_wait3A_26 : memref<64xi32, #tpu.memory_space<hbm>>) dst(%arg14 : memref<64xi32, #tpu.memory_space<vmem>>)
      tpu.yield
    }) : () -> ()
    "tpu.region"() ({
      %run_scoped3A = tpu.sem_alloc : memref<!tpu.dma_semaphore, #tpu.memory_space<semaphore_mem>>
      %dma_start3A_23 = tpu.memref_slice %arg3[%mul3A_2] : memref<2048xi32, #tpu.memory_space<hbm>> -> memref<64xi32, #tpu.memory_space<hbm>>
      %dma_start3A_24 = tpu.memref_slice %arg3[%mul3A_2] : memref<2048xi32, #tpu.memory_space<hbm>> -> memref<64xi32, #tpu.memory_space<hbm>>
      tpu.enqueue_dma source(%dma_start3A_24 : memref<64xi32, #tpu.memory_space<hbm>>) target(%arg15 : memref<64xi32, #tpu.memory_space<vmem>>) target_semaphore(%run_scoped3A : memref<!tpu.dma_semaphore, #tpu.memory_space<semaphore_mem>>)
      %dma_wait3A_25 = tpu.memref_slice %arg3[%mul3A_2] : memref<2048xi32, #tpu.memory_space<hbm>> -> memref<64xi32, #tpu.memory_space<hbm>>
      %dma_wait3A_26 = tpu.memref_slice %arg3[%mul3A_2] : memref<2048xi32, #tpu.memory_space<hbm>> -> memref<64xi32, #tpu.memory_space<hbm>>
      tpu.wait_dma2 semaphore(%run_scoped3A : memref<!tpu.dma_semaphore, #tpu.memory_space<semaphore_mem>>) src(%dma_wait3A_26 : memref<64xi32, #tpu.memory_space<hbm>>) dst(%arg15 : memref<64xi32, #tpu.memory_space<vmem>>)
      tpu.yield
    }) : () -> ()
    %dma_wait3A = arith.constant 0 : i32
    %dma_wait3A_6 = tpu.memref_slice %arg6[%mul3A_2, %dma_wait3A] : memref<2048x768xf32, #tpu.memory_space<hbm>> -> memref<64x768xf32, #tpu.memory_space<hbm>>
    %dma_wait3A_7 = arith.constant 0 : i32
    %dma_wait3A_8 = tpu.memref_slice %arg6[%mul3A_2, %dma_wait3A_7] : memref<2048x768xf32, #tpu.memory_space<hbm>> -> memref<64x768xf32, #tpu.memory_space<hbm>>
    tpu.wait_dma2 semaphore(%arg17 : memref<!tpu.dma_semaphore, #tpu.memory_space<semaphore_mem>>) src(%dma_wait3A_8 : memref<64x768xf32, #tpu.memory_space<hbm>>) dst(%arg16 : memref<64x768xf32, #tpu.memory_space<vmem>>)
    %dma_start3A_9 = arith.constant 0 : i32
    %dma_start3A_10 = arith.constant 0 : i32
    %dma_start3A_11 = tpu.memref_slice %arg7[%dma_start3A_9, %dma_start3A_10] : memref<6144x768xf32, #tpu.memory_space<hbm>> -> memref<6144x768xf32, #tpu.memory_space<hbm>>
    tpu.enqueue_indirect_dma source(%arg16 : memref<64x768xf32, #tpu.memory_space<vmem>>) target(%dma_start3A_11 : memref<6144x768xf32, #tpu.memory_space<hbm>>) offsets(%arg14 : memref<64xi32, #tpu.memory_space<vmem>>) semaphore(%arg18 : memref<!tpu.dma_semaphore, #tpu.memory_space<semaphore_mem>>)
    %dma_start3A_12 = arith.constant 0 : i32
    %dma_start3A_13 = arith.constant 0 : i32
    %dma_start3A_14 = tpu.memref_slice %arg7[%dma_start3A_12, %dma_start3A_13] : memref<6144x768xf32, #tpu.memory_space<hbm>> -> memref<6144x768xf32, #tpu.memory_space<hbm>>
    tpu.enqueue_indirect_dma source(%arg16 : memref<64x768xf32, #tpu.memory_space<vmem>>) target(%dma_start3A_14 : memref<6144x768xf32, #tpu.memory_space<hbm>>) offsets(%arg15 : memref<64xi32, #tpu.memory_space<vmem>>) semaphore(%arg19 : memref<!tpu.dma_semaphore, #tpu.memory_space<semaphore_mem>>)
    %eq3A = arith.constant 0 : i32
    "tpu.trace_stop"() : () -> ()
    "tpu.trace_start"() <{level = 10 : i32, message = "disp_wrow"}> : () -> ()
    %eq3A_15 = arith.cmpi eq, %add3A, %eq3A : i32
    %convert_element_type3A = arith.extui %eq3A_15 : i1 to i32
    %cond3A = arith.constant 0 : i32
    %cond3A_16 = arith.cmpi ne, %convert_element_type3A, %cond3A : i32
    scf.if %cond3A_16 {
      tpu.enqueue_dma source(%arg2 : memref<2048xi32, #tpu.memory_space<hbm>>) target(%arg9 : memref<2048xi32, #tpu.memory_space<vmem>>) target_semaphore(%arg20 : memref<!tpu.dma_semaphore, #tpu.memory_space<semaphore_mem>>)
      tpu.enqueue_dma source(%arg3 : memref<2048xi32, #tpu.memory_space<hbm>>) target(%arg10 : memref<2048xi32, #tpu.memory_space<vmem>>) target_semaphore(%arg21 : memref<!tpu.dma_semaphore, #tpu.memory_space<semaphore_mem>>)
      tpu.enqueue_dma source(%arg4 : memref<2048xf32, #tpu.memory_space<hbm>>) target(%arg11 : memref<2048xf32, #tpu.memory_space<vmem>>) target_semaphore(%arg22 : memref<!tpu.dma_semaphore, #tpu.memory_space<semaphore_mem>>)
      tpu.enqueue_dma source(%arg5 : memref<2048xf32, #tpu.memory_space<hbm>>) target(%arg12 : memref<2048xf32, #tpu.memory_space<vmem>>) target_semaphore(%arg23 : memref<!tpu.dma_semaphore, #tpu.memory_space<semaphore_mem>>)
      tpu.wait_dma2 semaphore(%arg20 : memref<!tpu.dma_semaphore, #tpu.memory_space<semaphore_mem>>) src(%arg2 : memref<2048xi32, #tpu.memory_space<hbm>>) dst(%arg9 : memref<2048xi32, #tpu.memory_space<vmem>>)
      tpu.wait_dma2 semaphore(%arg21 : memref<!tpu.dma_semaphore, #tpu.memory_space<semaphore_mem>>) src(%arg3 : memref<2048xi32, #tpu.memory_space<hbm>>) dst(%arg10 : memref<2048xi32, #tpu.memory_space<vmem>>)
      tpu.wait_dma2 semaphore(%arg22 : memref<!tpu.dma_semaphore, #tpu.memory_space<semaphore_mem>>) src(%arg4 : memref<2048xf32, #tpu.memory_space<hbm>>) dst(%arg11 : memref<2048xf32, #tpu.memory_space<vmem>>)
      tpu.wait_dma2 semaphore(%arg23 : memref<!tpu.dma_semaphore, #tpu.memory_space<semaphore_mem>>) src(%arg5 : memref<2048xf32, #tpu.memory_space<hbm>>) dst(%arg12 : memref<2048xf32, #tpu.memory_space<vmem>>)
      %scan3A = arith.constant 0 : i32
      %scan3A_23 = arith.constant 128 : i32
      %scan3A_24 = arith.addi %scan3A, %scan3A_23 : i32
      %scan3A_25 = arith.constant 1 : i32
      scf.for %scan3A_27 = %scan3A to %scan3A_24 step %scan3A_25  : i32 {
        %mul3A_28 = arith.constant 16 : i32
        %mul3A_29 = arith.muli %scan3A_27, %mul3A_28 : i32
        %get3A = arith.index_cast %mul3A_29 : i32 to index
        %get3A_30 = tpu.vector_load %arg9[%get3A] {strides = array<i32>} : memref<2048xi32, #tpu.memory_space<vmem>>, vector<16xi32>,
        %mul3A_31 = arith.constant 16 : i32
        %mul3A_32 = arith.muli %scan3A_27, %mul3A_31 : i32
        %get3A_33 = arith.index_cast %mul3A_32 : i32 to index
        %get3A_34 = tpu.vector_load %arg11[%get3A_33] {strides = array<i32>} : memref<2048xf32, #tpu.memory_space<vmem>>, vector<16xf32>,
        tpu.vector_store_idx %arg13[%get3A_30], %get3A_34 : memref<6144xf32, #tpu.memory_space<vmem>>[vector<16xi32>], vector<16xf32>,
        %mul3A_35 = arith.constant 16 : i32
        %mul3A_36 = arith.muli %scan3A_27, %mul3A_35 : i32
        %get3A_37 = arith.index_cast %mul3A_36 : i32 to index
        %get3A_38 = tpu.vector_load %arg10[%get3A_37] {strides = array<i32>} : memref<2048xi32, #tpu.memory_space<vmem>>, vector<16xi32>,
        %mul3A_39 = arith.constant 16 : i32
        %mul3A_40 = arith.muli %scan3A_27, %mul3A_39 : i32
        %get3A_41 = arith.index_cast %mul3A_40 : i32 to index
        %get3A_42 = tpu.vector_load %arg12[%get3A_41] {strides = array<i32>} : memref<2048xf32, #tpu.memory_space<vmem>>, vector<16xf32>,
        tpu.vector_store_idx %arg13[%get3A_38], %get3A_42 : memref<6144xf32, #tpu.memory_space<vmem>>[vector<16xi32>], vector<16xf32>,
      }
      %scan3A_26 = arith.constant 128 : i32
      "tpu.region"() ({
        %run_scoped3A = tpu.sem_alloc : memref<!tpu.dma_semaphore, #tpu.memory_space<semaphore_mem>>
        tpu.enqueue_dma source(%arg13 : memref<6144xf32, #tpu.memory_space<vmem>>) target(%arg8 : memref<6144xf32, #tpu.memory_space<hbm>>) target_semaphore(%run_scoped3A : memref<!tpu.dma_semaphore, #tpu.memory_space<semaphore_mem>>)
        tpu.wait_dma2 semaphore(%run_scoped3A : memref<!tpu.dma_semaphore, #tpu.memory_space<semaphore_mem>>) src(%arg13 : memref<6144xf32, #tpu.memory_space<vmem>>) dst(%arg8 : memref<6144xf32, #tpu.memory_space<hbm>>)
        tpu.yield
      }) : () -> ()
    } else {
    }
    "tpu.trace_stop"() : () -> ()
    "tpu.trace_start"() <{level = 10 : i32, message = "disp_drain"}> : () -> ()
    %dma_wait3A_17 = arith.constant 0 : i32
    %dma_wait3A_18 = arith.constant 0 : i32
    %dma_wait3A_19 = tpu.memref_slice %arg7[%dma_wait3A_17, %dma_wait3A_18] : memref<6144x768xf32, #tpu.memory_space<hbm>> -> memref<6144x768xf32, #tpu.memory_space<hbm>>
    tpu.wait_indirect_dma semaphore(%arg18 : memref<!tpu.dma_semaphore, #tpu.memory_space<semaphore_mem>>) src(%arg16 : memref<64x768xf32, #tpu.memory_space<vmem>>) dst(%dma_wait3A_19 : memref<6144x768xf32, #tpu.memory_space<hbm>>)
    %dma_wait3A_20 = arith.constant 0 : i32
    %dma_wait3A_21 = arith.constant 0 : i32
    %dma_wait3A_22 = tpu.memref_slice %arg7[%dma_wait3A_20, %dma_wait3A_21] : memref<6144x768xf32, #tpu.memory_space<hbm>> -> memref<6144x768xf32, #tpu.memory_space<hbm>>
    tpu.wait_indirect_dma semaphore(%arg19 : memref<!tpu.dma_semaphore, #tpu.memory_space<semaphore_mem>>) src(%arg16 : memref<64x768xf32, #tpu.memory_space<vmem>>) dst(%dma_wait3A_22 : memref<6144x768xf32, #tpu.memory_space<hbm>>)
    "tpu.trace_stop"() : () -> ()
    return
  }
}

#map = affine_map<(d0, d1) -> (0, 0)>
#map1 = affine_map<(d0, d1) -> (0)>
module attributes {stable_mosaic.version = 14 : i64} {
  func.func @_sc_combine(%arg0: i32, %arg1: i32, %arg2: memref<6144x768xf32, #tpu.memory_space<hbm>>, %arg3: memref<2048xi32, #tpu.memory_space<hbm>>, %arg4: memref<2048xi32, #tpu.memory_space<hbm>>, %arg5: memref<2048x768xf32, #tpu.memory_space<hbm>>, %arg6: memref<32xi32, #tpu.memory_space<vmem>>, %arg7: memref<32xi32, #tpu.memory_space<vmem>>, %arg8: memref<32xi32, #tpu.memory_space<vmem>>, %arg9: memref<32xi32, #tpu.memory_space<vmem>>, %arg10: memref<64x768xf32, #tpu.memory_space<vmem>>, %arg11: memref<64x768xf32, #tpu.memory_space<vmem>>, %arg12: memref<!tpu.dma_semaphore, #tpu.memory_space<semaphore_mem>>, %arg13: memref<!tpu.dma_semaphore, #tpu.memory_space<semaphore_mem>>, %arg14: memref<!tpu.dma_semaphore, #tpu.memory_space<semaphore_mem>>, %arg15: memref<!tpu.dma_semaphore, #tpu.memory_space<semaphore_mem>>, %arg16: memref<!tpu.dma_semaphore, #tpu.memory_space<semaphore_mem>>, %arg17: memref<!tpu.dma_semaphore, #tpu.memory_space<semaphore_mem>>) attributes {dimension_semantics = [#tpu.dimension_semantics<core_parallel>, #tpu.dimension_semantics<subcore_parallel>], iteration_bounds = array<i64: 2, 16>, scalar_prefetch = 0 : i64, scratch_operands = 12 : i64, tpu.core_type = #tpu.core_type<sc_vector_subcore>, window_params = [{transform_indices = #map}, {transform_indices = #map1}, {transform_indices = #map1}, {transform_indices = #map}]} {
    %mul3A = arith.constant 2 : i32
    %mul3A_0 = arith.muli %arg1, %mul3A : i32
    %add3A = arith.addi %mul3A_0, %arg0 : i32
    %mul3A_1 = arith.constant 64 : i32
    %mul3A_2 = arith.muli %add3A, %mul3A_1 : i32
    "tpu.region"() ({
      %run_scoped3A = tpu.sem_alloc : memref<!tpu.dma_semaphore, #tpu.memory_space<semaphore_mem>>
      %dma_start3A_104 = tpu.memref_slice %arg3[%mul3A_2] : memref<2048xi32, #tpu.memory_space<hbm>> -> memref<32xi32, #tpu.memory_space<hbm>>
      %dma_start3A_105 = tpu.memref_slice %arg3[%mul3A_2] : memref<2048xi32, #tpu.memory_space<hbm>> -> memref<32xi32, #tpu.memory_space<hbm>>
      tpu.enqueue_dma source(%dma_start3A_105 : memref<32xi32, #tpu.memory_space<hbm>>) target(%arg6 : memref<32xi32, #tpu.memory_space<vmem>>) target_semaphore(%run_scoped3A : memref<!tpu.dma_semaphore, #tpu.memory_space<semaphore_mem>>)
      %dma_wait3A_106 = tpu.memref_slice %arg3[%mul3A_2] : memref<2048xi32, #tpu.memory_space<hbm>> -> memref<32xi32, #tpu.memory_space<hbm>>
      %dma_wait3A_107 = tpu.memref_slice %arg3[%mul3A_2] : memref<2048xi32, #tpu.memory_space<hbm>> -> memref<32xi32, #tpu.memory_space<hbm>>
      tpu.wait_dma2 semaphore(%run_scoped3A : memref<!tpu.dma_semaphore, #tpu.memory_space<semaphore_mem>>) src(%dma_wait3A_107 : memref<32xi32, #tpu.memory_space<hbm>>) dst(%arg6 : memref<32xi32, #tpu.memory_space<vmem>>)
      tpu.yield
    }) : () -> ()
    "tpu.region"() ({
      %run_scoped3A = tpu.sem_alloc : memref<!tpu.dma_semaphore, #tpu.memory_space<semaphore_mem>>
      %dma_start3A_104 = tpu.memref_slice %arg4[%mul3A_2] : memref<2048xi32, #tpu.memory_space<hbm>> -> memref<32xi32, #tpu.memory_space<hbm>>
      %dma_start3A_105 = tpu.memref_slice %arg4[%mul3A_2] : memref<2048xi32, #tpu.memory_space<hbm>> -> memref<32xi32, #tpu.memory_space<hbm>>
      tpu.enqueue_dma source(%dma_start3A_105 : memref<32xi32, #tpu.memory_space<hbm>>) target(%arg7 : memref<32xi32, #tpu.memory_space<vmem>>) target_semaphore(%run_scoped3A : memref<!tpu.dma_semaphore, #tpu.memory_space<semaphore_mem>>)
      %dma_wait3A_106 = tpu.memref_slice %arg4[%mul3A_2] : memref<2048xi32, #tpu.memory_space<hbm>> -> memref<32xi32, #tpu.memory_space<hbm>>
      %dma_wait3A_107 = tpu.memref_slice %arg4[%mul3A_2] : memref<2048xi32, #tpu.memory_space<hbm>> -> memref<32xi32, #tpu.memory_space<hbm>>
      tpu.wait_dma2 semaphore(%run_scoped3A : memref<!tpu.dma_semaphore, #tpu.memory_space<semaphore_mem>>) src(%dma_wait3A_107 : memref<32xi32, #tpu.memory_space<hbm>>) dst(%arg7 : memref<32xi32, #tpu.memory_space<vmem>>)
      tpu.yield
    }) : () -> ()
    %add3A_3 = arith.constant 32 : i32
    %add3A_4 = arith.addi %mul3A_2, %add3A_3 : i32
    "tpu.region"() ({
      %run_scoped3A = tpu.sem_alloc : memref<!tpu.dma_semaphore, #tpu.memory_space<semaphore_mem>>
      %dma_start3A_104 = tpu.memref_slice %arg3[%add3A_4] : memref<2048xi32, #tpu.memory_space<hbm>> -> memref<32xi32, #tpu.memory_space<hbm>>
      %dma_start3A_105 = tpu.memref_slice %arg3[%add3A_4] : memref<2048xi32, #tpu.memory_space<hbm>> -> memref<32xi32, #tpu.memory_space<hbm>>
      tpu.enqueue_dma source(%dma_start3A_105 : memref<32xi32, #tpu.memory_space<hbm>>) target(%arg8 : memref<32xi32, #tpu.memory_space<vmem>>) target_semaphore(%run_scoped3A : memref<!tpu.dma_semaphore, #tpu.memory_space<semaphore_mem>>)
      %dma_wait3A_106 = tpu.memref_slice %arg3[%add3A_4] : memref<2048xi32, #tpu.memory_space<hbm>> -> memref<32xi32, #tpu.memory_space<hbm>>
      %dma_wait3A_107 = tpu.memref_slice %arg3[%add3A_4] : memref<2048xi32, #tpu.memory_space<hbm>> -> memref<32xi32, #tpu.memory_space<hbm>>
      tpu.wait_dma2 semaphore(%run_scoped3A : memref<!tpu.dma_semaphore, #tpu.memory_space<semaphore_mem>>) src(%dma_wait3A_107 : memref<32xi32, #tpu.memory_space<hbm>>) dst(%arg8 : memref<32xi32, #tpu.memory_space<vmem>>)
      tpu.yield
    }) : () -> ()
    %add3A_5 = arith.constant 32 : i32
    %add3A_6 = arith.addi %mul3A_2, %add3A_5 : i32
    "tpu.region"() ({
      %run_scoped3A = tpu.sem_alloc : memref<!tpu.dma_semaphore, #tpu.memory_space<semaphore_mem>>
      %dma_start3A_104 = tpu.memref_slice %arg4[%add3A_6] : memref<2048xi32, #tpu.memory_space<hbm>> -> memref<32xi32, #tpu.memory_space<hbm>>
      %dma_start3A_105 = tpu.memref_slice %arg4[%add3A_6] : memref<2048xi32, #tpu.memory_space<hbm>> -> memref<32xi32, #tpu.memory_space<hbm>>
      tpu.enqueue_dma source(%dma_start3A_105 : memref<32xi32, #tpu.memory_space<hbm>>) target(%arg9 : memref<32xi32, #tpu.memory_space<vmem>>) target_semaphore(%run_scoped3A : memref<!tpu.dma_semaphore, #tpu.memory_space<semaphore_mem>>)
      %dma_wait3A_106 = tpu.memref_slice %arg4[%add3A_6] : memref<2048xi32, #tpu.memory_space<hbm>> -> memref<32xi32, #tpu.memory_space<hbm>>
      %dma_wait3A_107 = tpu.memref_slice %arg4[%add3A_6] : memref<2048xi32, #tpu.memory_space<hbm>> -> memref<32xi32, #tpu.memory_space<hbm>>
      tpu.wait_dma2 semaphore(%run_scoped3A : memref<!tpu.dma_semaphore, #tpu.memory_space<semaphore_mem>>) src(%dma_wait3A_107 : memref<32xi32, #tpu.memory_space<hbm>>) dst(%arg9 : memref<32xi32, #tpu.memory_space<vmem>>)
      tpu.yield
    }) : () -> ()
    %dma_start3A = arith.constant 0 : i32
    %dma_start3A_7 = arith.constant 0 : i32
    %dma_start3A_8 = tpu.memref_slice %arg10[%dma_start3A, %dma_start3A_7] : memref<64x768xf32, #tpu.memory_space<vmem>> -> memref<32x768xf32, #tpu.memory_space<vmem>>
    %dma_start3A_9 = arith.constant 0 : i32
    %dma_start3A_10 = arith.constant 0 : i32
    %dma_start3A_11 = tpu.memref_slice %arg2[%dma_start3A_9, %dma_start3A_10] : memref<6144x768xf32, #tpu.memory_space<hbm>> -> memref<6144x768xf32, #tpu.memory_space<hbm>>
    tpu.enqueue_indirect_dma source(%dma_start3A_11 : memref<6144x768xf32, #tpu.memory_space<hbm>>) target(%dma_start3A_8 : memref<32x768xf32, #tpu.memory_space<vmem>>) offsets(%arg6 : memref<32xi32, #tpu.memory_space<vmem>>) semaphore(%arg12 : memref<!tpu.dma_semaphore, #tpu.memory_space<semaphore_mem>>)
    %dma_start3A_12 = arith.constant 0 : i32
    %dma_start3A_13 = arith.constant 0 : i32
    %dma_start3A_14 = tpu.memref_slice %arg11[%dma_start3A_12, %dma_start3A_13] : memref<64x768xf32, #tpu.memory_space<vmem>> -> memref<32x768xf32, #tpu.memory_space<vmem>>
    %dma_start3A_15 = arith.constant 0 : i32
    %dma_start3A_16 = arith.constant 0 : i32
    %dma_start3A_17 = tpu.memref_slice %arg2[%dma_start3A_15, %dma_start3A_16] : memref<6144x768xf32, #tpu.memory_space<hbm>> -> memref<6144x768xf32, #tpu.memory_space<hbm>>
    tpu.enqueue_indirect_dma source(%dma_start3A_17 : memref<6144x768xf32, #tpu.memory_space<hbm>>) target(%dma_start3A_14 : memref<32x768xf32, #tpu.memory_space<vmem>>) offsets(%arg7 : memref<32xi32, #tpu.memory_space<vmem>>) semaphore(%arg13 : memref<!tpu.dma_semaphore, #tpu.memory_space<semaphore_mem>>)
    %dma_start3A_18 = arith.constant 32 : i32
    %dma_start3A_19 = arith.constant 0 : i32
    %dma_start3A_20 = tpu.memref_slice %arg10[%dma_start3A_18, %dma_start3A_19] : memref<64x768xf32, #tpu.memory_space<vmem>> -> memref<32x768xf32, #tpu.memory_space<vmem>>
    %dma_start3A_21 = arith.constant 0 : i32
    %dma_start3A_22 = arith.constant 0 : i32
    %dma_start3A_23 = tpu.memref_slice %arg2[%dma_start3A_21, %dma_start3A_22] : memref<6144x768xf32, #tpu.memory_space<hbm>> -> memref<6144x768xf32, #tpu.memory_space<hbm>>
    tpu.enqueue_indirect_dma source(%dma_start3A_23 : memref<6144x768xf32, #tpu.memory_space<hbm>>) target(%dma_start3A_20 : memref<32x768xf32, #tpu.memory_space<vmem>>) offsets(%arg8 : memref<32xi32, #tpu.memory_space<vmem>>) semaphore(%arg14 : memref<!tpu.dma_semaphore, #tpu.memory_space<semaphore_mem>>)
    %dma_start3A_24 = arith.constant 32 : i32
    %dma_start3A_25 = arith.constant 0 : i32
    %dma_start3A_26 = tpu.memref_slice %arg11[%dma_start3A_24, %dma_start3A_25] : memref<64x768xf32, #tpu.memory_space<vmem>> -> memref<32x768xf32, #tpu.memory_space<vmem>>
    %dma_start3A_27 = arith.constant 0 : i32
    %dma_start3A_28 = arith.constant 0 : i32
    %dma_start3A_29 = tpu.memref_slice %arg2[%dma_start3A_27, %dma_start3A_28] : memref<6144x768xf32, #tpu.memory_space<hbm>> -> memref<6144x768xf32, #tpu.memory_space<hbm>>
    tpu.enqueue_indirect_dma source(%dma_start3A_29 : memref<6144x768xf32, #tpu.memory_space<hbm>>) target(%dma_start3A_26 : memref<32x768xf32, #tpu.memory_space<vmem>>) offsets(%arg9 : memref<32xi32, #tpu.memory_space<vmem>>) semaphore(%arg15 : memref<!tpu.dma_semaphore, #tpu.memory_space<semaphore_mem>>)
    %dma_wait3A = arith.constant 0 : i32
    %dma_wait3A_30 = arith.constant 0 : i32
    %dma_wait3A_31 = tpu.memref_slice %arg10[%dma_wait3A, %dma_wait3A_30] : memref<64x768xf32, #tpu.memory_space<vmem>> -> memref<32x768xf32, #tpu.memory_space<vmem>>
    %dma_wait3A_32 = arith.constant 0 : i32
    %dma_wait3A_33 = arith.constant 0 : i32
    %dma_wait3A_34 = tpu.memref_slice %arg2[%dma_wait3A_32, %dma_wait3A_33] : memref<6144x768xf32, #tpu.memory_space<hbm>> -> memref<6144x768xf32, #tpu.memory_space<hbm>>
    tpu.wait_indirect_dma semaphore(%arg12 : memref<!tpu.dma_semaphore, #tpu.memory_space<semaphore_mem>>) src(%dma_wait3A_34 : memref<6144x768xf32, #tpu.memory_space<hbm>>) dst(%dma_wait3A_31 : memref<32x768xf32, #tpu.memory_space<vmem>>)
    %dma_wait3A_35 = arith.constant 0 : i32
    %dma_wait3A_36 = arith.constant 0 : i32
    %dma_wait3A_37 = tpu.memref_slice %arg11[%dma_wait3A_35, %dma_wait3A_36] : memref<64x768xf32, #tpu.memory_space<vmem>> -> memref<32x768xf32, #tpu.memory_space<vmem>>
    %dma_wait3A_38 = arith.constant 0 : i32
    %dma_wait3A_39 = arith.constant 0 : i32
    %dma_wait3A_40 = tpu.memref_slice %arg2[%dma_wait3A_38, %dma_wait3A_39] : memref<6144x768xf32, #tpu.memory_space<hbm>> -> memref<6144x768xf32, #tpu.memory_space<hbm>>
    tpu.wait_indirect_dma semaphore(%arg13 : memref<!tpu.dma_semaphore, #tpu.memory_space<semaphore_mem>>) src(%dma_wait3A_40 : memref<6144x768xf32, #tpu.memory_space<hbm>>) dst(%dma_wait3A_37 : memref<32x768xf32, #tpu.memory_space<vmem>>)
    %scan3A = arith.constant 0 : i32
    %scan3A_41 = arith.constant 48 : i32
    %scan3A_42 = arith.addi %scan3A, %scan3A_41 : i32
    %scan3A_43 = arith.constant 1 : i32
    scf.for %scan3A_104 = %scan3A to %scan3A_42 step %scan3A_43  : i32 {
      %mul3A_105 = arith.constant 16 : i32
      %mul3A_106 = arith.muli %scan3A_104, %mul3A_105 : i32
      %get3A = arith.constant 0 : i32
      %get3A_107 = arith.index_cast %get3A : i32 to index
      %get3A_108 = arith.index_cast %mul3A_106 : i32 to index
      %get3A_109 = tpu.vector_load %arg10[%get3A_107, %get3A_108] {strides = array<i32>} : memref<64x768xf32, #tpu.memory_space<vmem>>, vector<16xf32>,
      %get3A_110 = arith.constant 0 : i32
      %get3A_111 = arith.index_cast %get3A_110 : i32 to index
      %get3A_112 = arith.index_cast %mul3A_106 : i32 to index
      %get3A_113 = tpu.vector_load %arg11[%get3A_111, %get3A_112] {strides = array<i32>} : memref<64x768xf32, #tpu.memory_space<vmem>>, vector<16xf32>,
      %add3A_114 = arith.addf %get3A_109, %get3A_113 : vector<16xf32>
      %swap3A = arith.constant 0 : i32
      %swap3A_115 = arith.index_cast %swap3A : i32 to index
      %swap3A_116 = arith.index_cast %mul3A_106 : i32 to index
      %swap3A_117 = tpu.vector_load %arg10[%swap3A_115, %swap3A_116] {strides = array<i32>} : memref<64x768xf32, #tpu.memory_space<vmem>>, vector<16xf32>,
      tpu.vector_store %arg10[%swap3A_115, %swap3A_116], %add3A_114 {strides = array<i32>} : memref<64x768xf32, #tpu.memory_space<vmem>>, vector<16xf32>,
      %get3A_118 = arith.constant 1 : i32
      %get3A_119 = arith.index_cast %get3A_118 : i32 to index
      %get3A_120 = arith.index_cast %mul3A_106 : i32 to index
      %get3A_121 = tpu.vector_load %arg10[%get3A_119, %get3A_120] {strides = array<i32>} : memref<64x768xf32, #tpu.memory_space<vmem>>, vector<16xf32>,
      %get3A_122 = arith.constant 1 : i32
      %get3A_123 = arith.index_cast %get3A_122 : i32 to index
      %get3A_124 = arith.index_cast %mul3A_106 : i32 to index
      %get3A_125 = tpu.vector_load %arg11[%get3A_123, %get3A_124] {strides = array<i32>} : memref<64x768xf32, #tpu.memory_space<vmem>>, vector<16xf32>,
      %add3A_126 = arith.addf %get3A_121, %get3A_125 : vector<16xf32>
      %swap3A_127 = arith.constant 1 : i32
      %swap3A_128 = arith.index_cast %swap3A_127 : i32 to index
      %swap3A_129 = arith.index_cast %mul3A_106 : i32 to index
      %swap3A_130 = tpu.vector_load %arg10[%swap3A_128, %swap3A_129] {strides = array<i32>} : memref<64x768xf32, #tpu.memory_space<vmem>>, vector<16xf32>,
      tpu.vector_store %arg10[%swap3A_128, %swap3A_129], %add3A_126 {strides = array<i32>} : memref<64x768xf32, #tpu.memory_space<vmem>>, vector<16xf32>,
      %get3A_131 = arith.constant 2 : i32
      %get3A_132 = arith.index_cast %get3A_131 : i32 to index
      %get3A_133 = arith.index_cast %mul3A_106 : i32 to index
      %get3A_134 = tpu.vector_load %arg10[%get3A_132, %get3A_133] {strides = array<i32>} : memref<64x768xf32, #tpu.memory_space<vmem>>, vector<16xf32>,
      %get3A_135 = arith.constant 2 : i32
      %get3A_136 = arith.index_cast %get3A_135 : i32 to index
      %get3A_137 = arith.index_cast %mul3A_106 : i32 to index
      %get3A_138 = tpu.vector_load %arg11[%get3A_136, %get3A_137] {strides = array<i32>} : memref<64x768xf32, #tpu.memory_space<vmem>>, vector<16xf32>,
      %add3A_139 = arith.addf %get3A_134, %get3A_138 : vector<16xf32>
      %swap3A_140 = arith.constant 2 : i32
      %swap3A_141 = arith.index_cast %swap3A_140 : i32 to index
      %swap3A_142 = arith.index_cast %mul3A_106 : i32 to index
      %swap3A_143 = tpu.vector_load %arg10[%swap3A_141, %swap3A_142] {strides = array<i32>} : memref<64x768xf32, #tpu.memory_space<vmem>>, vector<16xf32>,
      tpu.vector_store %arg10[%swap3A_141, %swap3A_142], %add3A_139 {strides = array<i32>} : memref<64x768xf32, #tpu.memory_space<vmem>>, vector<16xf32>,
      %get3A_144 = arith.constant 3 : i32
      %get3A_145 = arith.index_cast %get3A_144 : i32 to index
      %get3A_146 = arith.index_cast %mul3A_106 : i32 to index
      %get3A_147 = tpu.vector_load %arg10[%get3A_145, %get3A_146] {strides = array<i32>} : memref<64x768xf32, #tpu.memory_space<vmem>>, vector<16xf32>,
      %get3A_148 = arith.constant 3 : i32
      %get3A_149 = arith.index_cast %get3A_148 : i32 to index
      %get3A_150 = arith.index_cast %mul3A_106 : i32 to index
      %get3A_151 = tpu.vector_load %arg11[%get3A_149, %get3A_150] {strides = array<i32>} : memref<64x768xf32, #tpu.memory_space<vmem>>, vector<16xf32>,
      %add3A_152 = arith.addf %get3A_147, %get3A_151 : vector<16xf32>
      %swap3A_153 = arith.constant 3 : i32
      %swap3A_154 = arith.index_cast %swap3A_153 : i32 to index
      %swap3A_155 = arith.index_cast %mul3A_106 : i32 to index
      %swap3A_156 = tpu.vector_load %arg10[%swap3A_154, %swap3A_155] {strides = array<i32>} : memref<64x768xf32, #tpu.memory_space<vmem>>, vector<16xf32>,
      tpu.vector_store %arg10[%swap3A_154, %swap3A_155], %add3A_152 {strides = array<i32>} : memref<64x768xf32, #tpu.memory_space<vmem>>, vector<16xf32>,
      %get3A_157 = arith.constant 4 : i32
      %get3A_158 = arith.index_cast %get3A_157 : i32 to index
      %get3A_159 = arith.index_cast %mul3A_106 : i32 to index
      %get3A_160 = tpu.vector_load %arg10[%get3A_158, %get3A_159] {strides = array<i32>} : memref<64x768xf32, #tpu.memory_space<vmem>>, vector<16xf32>,
      %get3A_161 = arith.constant 4 : i32
      %get3A_162 = arith.index_cast %get3A_161 : i32 to index
      %get3A_163 = arith.index_cast %mul3A_106 : i32 to index
      %get3A_164 = tpu.vector_load %arg11[%get3A_162, %get3A_163] {strides = array<i32>} : memref<64x768xf32, #tpu.memory_space<vmem>>, vector<16xf32>,
      %add3A_165 = arith.addf %get3A_160, %get3A_164 : vector<16xf32>
      %swap3A_166 = arith.constant 4 : i32
      %swap3A_167 = arith.index_cast %swap3A_166 : i32 to index
      %swap3A_168 = arith.index_cast %mul3A_106 : i32 to index
      %swap3A_169 = tpu.vector_load %arg10[%swap3A_167, %swap3A_168] {strides = array<i32>} : memref<64x768xf32, #tpu.memory_space<vmem>>, vector<16xf32>,
      tpu.vector_store %arg10[%swap3A_167, %swap3A_168], %add3A_165 {strides = array<i32>} : memref<64x768xf32, #tpu.memory_space<vmem>>, vector<16xf32>,
      %get3A_170 = arith.constant 5 : i32
      %get3A_171 = arith.index_cast %get3A_170 : i32 to index
      %get3A_172 = arith.index_cast %mul3A_106 : i32 to index
      %get3A_173 = tpu.vector_load %arg10[%get3A_171, %get3A_172] {strides = array<i32>} : memref<64x768xf32, #tpu.memory_space<vmem>>, vector<16xf32>,
      %get3A_174 = arith.constant 5 : i32
      %get3A_175 = arith.index_cast %get3A_174 : i32 to index
      %get3A_176 = arith.index_cast %mul3A_106 : i32 to index
      %get3A_177 = tpu.vector_load %arg11[%get3A_175, %get3A_176] {strides = array<i32>} : memref<64x768xf32, #tpu.memory_space<vmem>>, vector<16xf32>,
      %add3A_178 = arith.addf %get3A_173, %get3A_177 : vector<16xf32>
      %swap3A_179 = arith.constant 5 : i32
      %swap3A_180 = arith.index_cast %swap3A_179 : i32 to index
      %swap3A_181 = arith.index_cast %mul3A_106 : i32 to index
      %swap3A_182 = tpu.vector_load %arg10[%swap3A_180, %swap3A_181] {strides = array<i32>} : memref<64x768xf32, #tpu.memory_space<vmem>>, vector<16xf32>,
      tpu.vector_store %arg10[%swap3A_180, %swap3A_181], %add3A_178 {strides = array<i32>} : memref<64x768xf32, #tpu.memory_space<vmem>>, vector<16xf32>,
      %get3A_183 = arith.constant 6 : i32
      %get3A_184 = arith.index_cast %get3A_183 : i32 to index
      %get3A_185 = arith.index_cast %mul3A_106 : i32 to index
      %get3A_186 = tpu.vector_load %arg10[%get3A_184, %get3A_185] {strides = array<i32>} : memref<64x768xf32, #tpu.memory_space<vmem>>, vector<16xf32>,
      %get3A_187 = arith.constant 6 : i32
      %get3A_188 = arith.index_cast %get3A_187 : i32 to index
      %get3A_189 = arith.index_cast %mul3A_106 : i32 to index
      %get3A_190 = tpu.vector_load %arg11[%get3A_188, %get3A_189] {strides = array<i32>} : memref<64x768xf32, #tpu.memory_space<vmem>>, vector<16xf32>,
      %add3A_191 = arith.addf %get3A_186, %get3A_190 : vector<16xf32>
      %swap3A_192 = arith.constant 6 : i32
      %swap3A_193 = arith.index_cast %swap3A_192 : i32 to index
      %swap3A_194 = arith.index_cast %mul3A_106 : i32 to index
      %swap3A_195 = tpu.vector_load %arg10[%swap3A_193, %swap3A_194] {strides = array<i32>} : memref<64x768xf32, #tpu.memory_space<vmem>>, vector<16xf32>,
      tpu.vector_store %arg10[%swap3A_193, %swap3A_194], %add3A_191 {strides = array<i32>} : memref<64x768xf32, #tpu.memory_space<vmem>>, vector<16xf32>,
      %get3A_196 = arith.constant 7 : i32
      %get3A_197 = arith.index_cast %get3A_196 : i32 to index
      %get3A_198 = arith.index_cast %mul3A_106 : i32 to index
      %get3A_199 = tpu.vector_load %arg10[%get3A_197, %get3A_198] {strides = array<i32>} : memref<64x768xf32, #tpu.memory_space<vmem>>, vector<16xf32>,
      %get3A_200 = arith.constant 7 : i32
      %get3A_201 = arith.index_cast %get3A_200 : i32 to index
      %get3A_202 = arith.index_cast %mul3A_106 : i32 to index
      %get3A_203 = tpu.vector_load %arg11[%get3A_201, %get3A_202] {strides = array<i32>} : memref<64x768xf32, #tpu.memory_space<vmem>>, vector<16xf32>,
      %add3A_204 = arith.addf %get3A_199, %get3A_203 : vector<16xf32>
      %swap3A_205 = arith.constant 7 : i32
      %swap3A_206 = arith.index_cast %swap3A_205 : i32 to index
      %swap3A_207 = arith.index_cast %mul3A_106 : i32 to index
      %swap3A_208 = tpu.vector_load %arg10[%swap3A_206, %swap3A_207] {strides = array<i32>} : memref<64x768xf32, #tpu.memory_space<vmem>>, vector<16xf32>,
      tpu.vector_store %arg10[%swap3A_206, %swap3A_207], %add3A_204 {strides = array<i32>} : memref<64x768xf32, #tpu.memory_space<vmem>>, vector<16xf32>,
      %get3A_209 = arith.constant 8 : i32
      %get3A_210 = arith.index_cast %get3A_209 : i32 to index
      %get3A_211 = arith.index_cast %mul3A_106 : i32 to index
      %get3A_212 = tpu.vector_load %arg10[%get3A_210, %get3A_211] {strides = array<i32>} : memref<64x768xf32, #tpu.memory_space<vmem>>, vector<16xf32>,
      %get3A_213 = arith.constant 8 : i32
      %get3A_214 = arith.index_cast %get3A_213 : i32 to index
      %get3A_215 = arith.index_cast %mul3A_106 : i32 to index
      %get3A_216 = tpu.vector_load %arg11[%get3A_214, %get3A_215] {strides = array<i32>} : memref<64x768xf32, #tpu.memory_space<vmem>>, vector<16xf32>,
      %add3A_217 = arith.addf %get3A_212, %get3A_216 : vector<16xf32>
      %swap3A_218 = arith.constant 8 : i32
      %swap3A_219 = arith.index_cast %swap3A_218 : i32 to index
      %swap3A_220 = arith.index_cast %mul3A_106 : i32 to index
      %swap3A_221 = tpu.vector_load %arg10[%swap3A_219, %swap3A_220] {strides = array<i32>} : memref<64x768xf32, #tpu.memory_space<vmem>>, vector<16xf32>,
      tpu.vector_store %arg10[%swap3A_219, %swap3A_220], %add3A_217 {strides = array<i32>} : memref<64x768xf32, #tpu.memory_space<vmem>>, vector<16xf32>,
      %get3A_222 = arith.constant 9 : i32
      %get3A_223 = arith.index_cast %get3A_222 : i32 to index
      %get3A_224 = arith.index_cast %mul3A_106 : i32 to index
      %get3A_225 = tpu.vector_load %arg10[%get3A_223, %get3A_224] {strides = array<i32>} : memref<64x768xf32, #tpu.memory_space<vmem>>, vector<16xf32>,
      %get3A_226 = arith.constant 9 : i32
      %get3A_227 = arith.index_cast %get3A_226 : i32 to index
      %get3A_228 = arith.index_cast %mul3A_106 : i32 to index
      %get3A_229 = tpu.vector_load %arg11[%get3A_227, %get3A_228] {strides = array<i32>} : memref<64x768xf32, #tpu.memory_space<vmem>>, vector<16xf32>,
      %add3A_230 = arith.addf %get3A_225, %get3A_229 : vector<16xf32>
      %swap3A_231 = arith.constant 9 : i32
      %swap3A_232 = arith.index_cast %swap3A_231 : i32 to index
      %swap3A_233 = arith.index_cast %mul3A_106 : i32 to index
      %swap3A_234 = tpu.vector_load %arg10[%swap3A_232, %swap3A_233] {strides = array<i32>} : memref<64x768xf32, #tpu.memory_space<vmem>>, vector<16xf32>,
      tpu.vector_store %arg10[%swap3A_232, %swap3A_233], %add3A_230 {strides = array<i32>} : memref<64x768xf32, #tpu.memory_space<vmem>>, vector<16xf32>,
      %get3A_235 = arith.constant 10 : i32
      %get3A_236 = arith.index_cast %get3A_235 : i32 to index
      %get3A_237 = arith.index_cast %mul3A_106 : i32 to index
      %get3A_238 = tpu.vector_load %arg10[%get3A_236, %get3A_237] {strides = array<i32>} : memref<64x768xf32, #tpu.memory_space<vmem>>, vector<16xf32>,
      %get3A_239 = arith.constant 10 : i32
      %get3A_240 = arith.index_cast %get3A_239 : i32 to index
      %get3A_241 = arith.index_cast %mul3A_106 : i32 to index
      %get3A_242 = tpu.vector_load %arg11[%get3A_240, %get3A_241] {strides = array<i32>} : memref<64x768xf32, #tpu.memory_space<vmem>>, vector<16xf32>,
      %add3A_243 = arith.addf %get3A_238, %get3A_242 : vector<16xf32>
      %swap3A_244 = arith.constant 10 : i32
      %swap3A_245 = arith.index_cast %swap3A_244 : i32 to index
      %swap3A_246 = arith.index_cast %mul3A_106 : i32 to index
      %swap3A_247 = tpu.vector_load %arg10[%swap3A_245, %swap3A_246] {strides = array<i32>} : memref<64x768xf32, #tpu.memory_space<vmem>>, vector<16xf32>,
      tpu.vector_store %arg10[%swap3A_245, %swap3A_246], %add3A_243 {strides = array<i32>} : memref<64x768xf32, #tpu.memory_space<vmem>>, vector<16xf32>,
      %get3A_248 = arith.constant 11 : i32
      %get3A_249 = arith.index_cast %get3A_248 : i32 to index
      %get3A_250 = arith.index_cast %mul3A_106 : i32 to index
      %get3A_251 = tpu.vector_load %arg10[%get3A_249, %get3A_250] {strides = array<i32>} : memref<64x768xf32, #tpu.memory_space<vmem>>, vector<16xf32>,
      %get3A_252 = arith.constant 11 : i32
      %get3A_253 = arith.index_cast %get3A_252 : i32 to index
      %get3A_254 = arith.index_cast %mul3A_106 : i32 to index
      %get3A_255 = tpu.vector_load %arg11[%get3A_253, %get3A_254] {strides = array<i32>} : memref<64x768xf32, #tpu.memory_space<vmem>>, vector<16xf32>,
      %add3A_256 = arith.addf %get3A_251, %get3A_255 : vector<16xf32>
      %swap3A_257 = arith.constant 11 : i32
      %swap3A_258 = arith.index_cast %swap3A_257 : i32 to index
      %swap3A_259 = arith.index_cast %mul3A_106 : i32 to index
      %swap3A_260 = tpu.vector_load %arg10[%swap3A_258, %swap3A_259] {strides = array<i32>} : memref<64x768xf32, #tpu.memory_space<vmem>>, vector<16xf32>,
      tpu.vector_store %arg10[%swap3A_258, %swap3A_259], %add3A_256 {strides = array<i32>} : memref<64x768xf32, #tpu.memory_space<vmem>>, vector<16xf32>,
      %get3A_261 = arith.constant 12 : i32
      %get3A_262 = arith.index_cast %get3A_261 : i32 to index
      %get3A_263 = arith.index_cast %mul3A_106 : i32 to index
      %get3A_264 = tpu.vector_load %arg10[%get3A_262, %get3A_263] {strides = array<i32>} : memref<64x768xf32, #tpu.memory_space<vmem>>, vector<16xf32>,
      %get3A_265 = arith.constant 12 : i32
      %get3A_266 = arith.index_cast %get3A_265 : i32 to index
      %get3A_267 = arith.index_cast %mul3A_106 : i32 to index
      %get3A_268 = tpu.vector_load %arg11[%get3A_266, %get3A_267] {strides = array<i32>} : memref<64x768xf32, #tpu.memory_space<vmem>>, vector<16xf32>,
      %add3A_269 = arith.addf %get3A_264, %get3A_268 : vector<16xf32>
      %swap3A_270 = arith.constant 12 : i32
      %swap3A_271 = arith.index_cast %swap3A_270 : i32 to index
      %swap3A_272 = arith.index_cast %mul3A_106 : i32 to index
      %swap3A_273 = tpu.vector_load %arg10[%swap3A_271, %swap3A_272] {strides = array<i32>} : memref<64x768xf32, #tpu.memory_space<vmem>>, vector<16xf32>,
      tpu.vector_store %arg10[%swap3A_271, %swap3A_272], %add3A_269 {strides = array<i32>} : memref<64x768xf32, #tpu.memory_space<vmem>>, vector<16xf32>,
      %get3A_274 = arith.constant 13 : i32
      %get3A_275 = arith.index_cast %get3A_274 : i32 to index
      %get3A_276 = arith.index_cast %mul3A_106 : i32 to index
      %get3A_277 = tpu.vector_load %arg10[%get3A_275, %get3A_276] {strides = array<i32>} : memref<64x768xf32, #tpu.memory_space<vmem>>, vector<16xf32>,
      %get3A_278 = arith.constant 13 : i32
      %get3A_279 = arith.index_cast %get3A_278 : i32 to index
      %get3A_280 = arith.index_cast %mul3A_106 : i32 to index
      %get3A_281 = tpu.vector_load %arg11[%get3A_279, %get3A_280] {strides = array<i32>} : memref<64x768xf32, #tpu.memory_space<vmem>>, vector<16xf32>,
      %add3A_282 = arith.addf %get3A_277, %get3A_281 : vector<16xf32>
      %swap3A_283 = arith.constant 13 : i32
      %swap3A_284 = arith.index_cast %swap3A_283 : i32 to index
      %swap3A_285 = arith.index_cast %mul3A_106 : i32 to index
      %swap3A_286 = tpu.vector_load %arg10[%swap3A_284, %swap3A_285] {strides = array<i32>} : memref<64x768xf32, #tpu.memory_space<vmem>>, vector<16xf32>,
      tpu.vector_store %arg10[%swap3A_284, %swap3A_285], %add3A_282 {strides = array<i32>} : memref<64x768xf32, #tpu.memory_space<vmem>>, vector<16xf32>,
      %get3A_287 = arith.constant 14 : i32
      %get3A_288 = arith.index_cast %get3A_287 : i32 to index
      %get3A_289 = arith.index_cast %mul3A_106 : i32 to index
      %get3A_290 = tpu.vector_load %arg10[%get3A_288, %get3A_289] {strides = array<i32>} : memref<64x768xf32, #tpu.memory_space<vmem>>, vector<16xf32>,
      %get3A_291 = arith.constant 14 : i32
      %get3A_292 = arith.index_cast %get3A_291 : i32 to index
      %get3A_293 = arith.index_cast %mul3A_106 : i32 to index
      %get3A_294 = tpu.vector_load %arg11[%get3A_292, %get3A_293] {strides = array<i32>} : memref<64x768xf32, #tpu.memory_space<vmem>>, vector<16xf32>,
      %add3A_295 = arith.addf %get3A_290, %get3A_294 : vector<16xf32>
      %swap3A_296 = arith.constant 14 : i32
      %swap3A_297 = arith.index_cast %swap3A_296 : i32 to index
      %swap3A_298 = arith.index_cast %mul3A_106 : i32 to index
      %swap3A_299 = tpu.vector_load %arg10[%swap3A_297, %swap3A_298] {strides = array<i32>} : memref<64x768xf32, #tpu.memory_space<vmem>>, vector<16xf32>,
      tpu.vector_store %arg10[%swap3A_297, %swap3A_298], %add3A_295 {strides = array<i32>} : memref<64x768xf32, #tpu.memory_space<vmem>>, vector<16xf32>,
      %get3A_300 = arith.constant 15 : i32
      %get3A_301 = arith.index_cast %get3A_300 : i32 to index
      %get3A_302 = arith.index_cast %mul3A_106 : i32 to index
      %get3A_303 = tpu.vector_load %arg10[%get3A_301, %get3A_302] {strides = array<i32>} : memref<64x768xf32, #tpu.memory_space<vmem>>, vector<16xf32>,
      %get3A_304 = arith.constant 15 : i32
      %get3A_305 = arith.index_cast %get3A_304 : i32 to index
      %get3A_306 = arith.index_cast %mul3A_106 : i32 to index
      %get3A_307 = tpu.vector_load %arg11[%get3A_305, %get3A_306] {strides = array<i32>} : memref<64x768xf32, #tpu.memory_space<vmem>>, vector<16xf32>,
      %add3A_308 = arith.addf %get3A_303, %get3A_307 : vector<16xf32>
      %swap3A_309 = arith.constant 15 : i32
      %swap3A_310 = arith.index_cast %swap3A_309 : i32 to index
      %swap3A_311 = arith.index_cast %mul3A_106 : i32 to index
      %swap3A_312 = tpu.vector_load %arg10[%swap3A_310, %swap3A_311] {strides = array<i32>} : memref<64x768xf32, #tpu.memory_space<vmem>>, vector<16xf32>,
      tpu.vector_store %arg10[%swap3A_310, %swap3A_311], %add3A_308 {strides = array<i32>} : memref<64x768xf32, #tpu.memory_space<vmem>>, vector<16xf32>,
      %get3A_313 = arith.constant 16 : i32
      %get3A_314 = arith.index_cast %get3A_313 : i32 to index
      %get3A_315 = arith.index_cast %mul3A_106 : i32 to index
      %get3A_316 = tpu.vector_load %arg10[%get3A_314, %get3A_315] {strides = array<i32>} : memref<64x768xf32, #tpu.memory_space<vmem>>, vector<16xf32>,
      %get3A_317 = arith.constant 16 : i32
      %get3A_318 = arith.index_cast %get3A_317 : i32 to index
      %get3A_319 = arith.index_cast %mul3A_106 : i32 to index
      %get3A_320 = tpu.vector_load %arg11[%get3A_318, %get3A_319] {strides = array<i32>} : memref<64x768xf32, #tpu.memory_space<vmem>>, vector<16xf32>,
      %add3A_321 = arith.addf %get3A_316, %get3A_320 : vector<16xf32>
      %swap3A_322 = arith.constant 16 : i32
      %swap3A_323 = arith.index_cast %swap3A_322 : i32 to index
      %swap3A_324 = arith.index_cast %mul3A_106 : i32 to index
      %swap3A_325 = tpu.vector_load %arg10[%swap3A_323, %swap3A_324] {strides = array<i32>} : memref<64x768xf32, #tpu.memory_space<vmem>>, vector<16xf32>,
      tpu.vector_store %arg10[%swap3A_323, %swap3A_324], %add3A_321 {strides = array<i32>} : memref<64x768xf32, #tpu.memory_space<vmem>>, vector<16xf32>,
      %get3A_326 = arith.constant 17 : i32
      %get3A_327 = arith.index_cast %get3A_326 : i32 to index
      %get3A_328 = arith.index_cast %mul3A_106 : i32 to index
      %get3A_329 = tpu.vector_load %arg10[%get3A_327, %get3A_328] {strides = array<i32>} : memref<64x768xf32, #tpu.memory_space<vmem>>, vector<16xf32>,
      %get3A_330 = arith.constant 17 : i32
      %get3A_331 = arith.index_cast %get3A_330 : i32 to index
      %get3A_332 = arith.index_cast %mul3A_106 : i32 to index
      %get3A_333 = tpu.vector_load %arg11[%get3A_331, %get3A_332] {strides = array<i32>} : memref<64x768xf32, #tpu.memory_space<vmem>>, vector<16xf32>,
      %add3A_334 = arith.addf %get3A_329, %get3A_333 : vector<16xf32>
      %swap3A_335 = arith.constant 17 : i32
      %swap3A_336 = arith.index_cast %swap3A_335 : i32 to index
      %swap3A_337 = arith.index_cast %mul3A_106 : i32 to index
      %swap3A_338 = tpu.vector_load %arg10[%swap3A_336, %swap3A_337] {strides = array<i32>} : memref<64x768xf32, #tpu.memory_space<vmem>>, vector<16xf32>,
      tpu.vector_store %arg10[%swap3A_336, %swap3A_337], %add3A_334 {strides = array<i32>} : memref<64x768xf32, #tpu.memory_space<vmem>>, vector<16xf32>,
      %get3A_339 = arith.constant 18 : i32
      %get3A_340 = arith.index_cast %get3A_339 : i32 to index
      %get3A_341 = arith.index_cast %mul3A_106 : i32 to index
      %get3A_342 = tpu.vector_load %arg10[%get3A_340, %get3A_341] {strides = array<i32>} : memref<64x768xf32, #tpu.memory_space<vmem>>, vector<16xf32>,
      %get3A_343 = arith.constant 18 : i32
      %get3A_344 = arith.index_cast %get3A_343 : i32 to index
      %get3A_345 = arith.index_cast %mul3A_106 : i32 to index
      %get3A_346 = tpu.vector_load %arg11[%get3A_344, %get3A_345] {strides = array<i32>} : memref<64x768xf32, #tpu.memory_space<vmem>>, vector<16xf32>,
      %add3A_347 = arith.addf %get3A_342, %get3A_346 : vector<16xf32>
      %swap3A_348 = arith.constant 18 : i32
      %swap3A_349 = arith.index_cast %swap3A_348 : i32 to index
      %swap3A_350 = arith.index_cast %mul3A_106 : i32 to index
      %swap3A_351 = tpu.vector_load %arg10[%swap3A_349, %swap3A_350] {strides = array<i32>} : memref<64x768xf32, #tpu.memory_space<vmem>>, vector<16xf32>,
      tpu.vector_store %arg10[%swap3A_349, %swap3A_350], %add3A_347 {strides = array<i32>} : memref<64x768xf32, #tpu.memory_space<vmem>>, vector<16xf32>,
      %get3A_352 = arith.constant 19 : i32
      %get3A_353 = arith.index_cast %get3A_352 : i32 to index
      %get3A_354 = arith.index_cast %mul3A_106 : i32 to index
      %get3A_355 = tpu.vector_load %arg10[%get3A_353, %get3A_354] {strides = array<i32>} : memref<64x768xf32, #tpu.memory_space<vmem>>, vector<16xf32>,
      %get3A_356 = arith.constant 19 : i32
      %get3A_357 = arith.index_cast %get3A_356 : i32 to index
      %get3A_358 = arith.index_cast %mul3A_106 : i32 to index
      %get3A_359 = tpu.vector_load %arg11[%get3A_357, %get3A_358] {strides = array<i32>} : memref<64x768xf32, #tpu.memory_space<vmem>>, vector<16xf32>,
      %add3A_360 = arith.addf %get3A_355, %get3A_359 : vector<16xf32>
      %swap3A_361 = arith.constant 19 : i32
      %swap3A_362 = arith.index_cast %swap3A_361 : i32 to index
      %swap3A_363 = arith.index_cast %mul3A_106 : i32 to index
      %swap3A_364 = tpu.vector_load %arg10[%swap3A_362, %swap3A_363] {strides = array<i32>} : memref<64x768xf32, #tpu.memory_space<vmem>>, vector<16xf32>,
      tpu.vector_store %arg10[%swap3A_362, %swap3A_363], %add3A_360 {strides = array<i32>} : memref<64x768xf32, #tpu.memory_space<vmem>>, vector<16xf32>,
      %get3A_365 = arith.constant 20 : i32
      %get3A_366 = arith.index_cast %get3A_365 : i32 to index
      %get3A_367 = arith.index_cast %mul3A_106 : i32 to index
      %get3A_368 = tpu.vector_load %arg10[%get3A_366, %get3A_367] {strides = array<i32>} : memref<64x768xf32, #tpu.memory_space<vmem>>, vector<16xf32>,
      %get3A_369 = arith.constant 20 : i32
      %get3A_370 = arith.index_cast %get3A_369 : i32 to index
      %get3A_371 = arith.index_cast %mul3A_106 : i32 to index
      %get3A_372 = tpu.vector_load %arg11[%get3A_370, %get3A_371] {strides = array<i32>} : memref<64x768xf32, #tpu.memory_space<vmem>>, vector<16xf32>,
      %add3A_373 = arith.addf %get3A_368, %get3A_372 : vector<16xf32>
      %swap3A_374 = arith.constant 20 : i32
      %swap3A_375 = arith.index_cast %swap3A_374 : i32 to index
      %swap3A_376 = arith.index_cast %mul3A_106 : i32 to index
      %swap3A_377 = tpu.vector_load %arg10[%swap3A_375, %swap3A_376] {strides = array<i32>} : memref<64x768xf32, #tpu.memory_space<vmem>>, vector<16xf32>,
      tpu.vector_store %arg10[%swap3A_375, %swap3A_376], %add3A_373 {strides = array<i32>} : memref<64x768xf32, #tpu.memory_space<vmem>>, vector<16xf32>,
      %get3A_378 = arith.constant 21 : i32
      %get3A_379 = arith.index_cast %get3A_378 : i32 to index
      %get3A_380 = arith.index_cast %mul3A_106 : i32 to index
      %get3A_381 = tpu.vector_load %arg10[%get3A_379, %get3A_380] {strides = array<i32>} : memref<64x768xf32, #tpu.memory_space<vmem>>, vector<16xf32>,
      %get3A_382 = arith.constant 21 : i32
      %get3A_383 = arith.index_cast %get3A_382 : i32 to index
      %get3A_384 = arith.index_cast %mul3A_106 : i32 to index
      %get3A_385 = tpu.vector_load %arg11[%get3A_383, %get3A_384] {strides = array<i32>} : memref<64x768xf32, #tpu.memory_space<vmem>>, vector<16xf32>,
      %add3A_386 = arith.addf %get3A_381, %get3A_385 : vector<16xf32>
      %swap3A_387 = arith.constant 21 : i32
      %swap3A_388 = arith.index_cast %swap3A_387 : i32 to index
      %swap3A_389 = arith.index_cast %mul3A_106 : i32 to index
      %swap3A_390 = tpu.vector_load %arg10[%swap3A_388, %swap3A_389] {strides = array<i32>} : memref<64x768xf32, #tpu.memory_space<vmem>>, vector<16xf32>,
      tpu.vector_store %arg10[%swap3A_388, %swap3A_389], %add3A_386 {strides = array<i32>} : memref<64x768xf32, #tpu.memory_space<vmem>>, vector<16xf32>,
      %get3A_391 = arith.constant 22 : i32
      %get3A_392 = arith.index_cast %get3A_391 : i32 to index
      %get3A_393 = arith.index_cast %mul3A_106 : i32 to index
      %get3A_394 = tpu.vector_load %arg10[%get3A_392, %get3A_393] {strides = array<i32>} : memref<64x768xf32, #tpu.memory_space<vmem>>, vector<16xf32>,
      %get3A_395 = arith.constant 22 : i32
      %get3A_396 = arith.index_cast %get3A_395 : i32 to index
      %get3A_397 = arith.index_cast %mul3A_106 : i32 to index
      %get3A_398 = tpu.vector_load %arg11[%get3A_396, %get3A_397] {strides = array<i32>} : memref<64x768xf32, #tpu.memory_space<vmem>>, vector<16xf32>,
      %add3A_399 = arith.addf %get3A_394, %get3A_398 : vector<16xf32>
      %swap3A_400 = arith.constant 22 : i32
      %swap3A_401 = arith.index_cast %swap3A_400 : i32 to index
      %swap3A_402 = arith.index_cast %mul3A_106 : i32 to index
      %swap3A_403 = tpu.vector_load %arg10[%swap3A_401, %swap3A_402] {strides = array<i32>} : memref<64x768xf32, #tpu.memory_space<vmem>>, vector<16xf32>,
      tpu.vector_store %arg10[%swap3A_401, %swap3A_402], %add3A_399 {strides = array<i32>} : memref<64x768xf32, #tpu.memory_space<vmem>>, vector<16xf32>,
      %get3A_404 = arith.constant 23 : i32
      %get3A_405 = arith.index_cast %get3A_404 : i32 to index
      %get3A_406 = arith.index_cast %mul3A_106 : i32 to index
      %get3A_407 = tpu.vector_load %arg10[%get3A_405, %get3A_406] {strides = array<i32>} : memref<64x768xf32, #tpu.memory_space<vmem>>, vector<16xf32>,
      %get3A_408 = arith.constant 23 : i32
      %get3A_409 = arith.index_cast %get3A_408 : i32 to index
      %get3A_410 = arith.index_cast %mul3A_106 : i32 to index
      %get3A_411 = tpu.vector_load %arg11[%get3A_409, %get3A_410] {strides = array<i32>} : memref<64x768xf32, #tpu.memory_space<vmem>>, vector<16xf32>,
      %add3A_412 = arith.addf %get3A_407, %get3A_411 : vector<16xf32>
      %swap3A_413 = arith.constant 23 : i32
      %swap3A_414 = arith.index_cast %swap3A_413 : i32 to index
      %swap3A_415 = arith.index_cast %mul3A_106 : i32 to index
      %swap3A_416 = tpu.vector_load %arg10[%swap3A_414, %swap3A_415] {strides = array<i32>} : memref<64x768xf32, #tpu.memory_space<vmem>>, vector<16xf32>,
      tpu.vector_store %arg10[%swap3A_414, %swap3A_415], %add3A_412 {strides = array<i32>} : memref<64x768xf32, #tpu.memory_space<vmem>>, vector<16xf32>,
      %get3A_417 = arith.constant 24 : i32
      %get3A_418 = arith.index_cast %get3A_417 : i32 to index
      %get3A_419 = arith.index_cast %mul3A_106 : i32 to index
      %get3A_420 = tpu.vector_load %arg10[%get3A_418, %get3A_419] {strides = array<i32>} : memref<64x768xf32, #tpu.memory_space<vmem>>, vector<16xf32>,
      %get3A_421 = arith.constant 24 : i32
      %get3A_422 = arith.index_cast %get3A_421 : i32 to index
      %get3A_423 = arith.index_cast %mul3A_106 : i32 to index
      %get3A_424 = tpu.vector_load %arg11[%get3A_422, %get3A_423] {strides = array<i32>} : memref<64x768xf32, #tpu.memory_space<vmem>>, vector<16xf32>,
      %add3A_425 = arith.addf %get3A_420, %get3A_424 : vector<16xf32>
      %swap3A_426 = arith.constant 24 : i32
      %swap3A_427 = arith.index_cast %swap3A_426 : i32 to index
      %swap3A_428 = arith.index_cast %mul3A_106 : i32 to index
      %swap3A_429 = tpu.vector_load %arg10[%swap3A_427, %swap3A_428] {strides = array<i32>} : memref<64x768xf32, #tpu.memory_space<vmem>>, vector<16xf32>,
      tpu.vector_store %arg10[%swap3A_427, %swap3A_428], %add3A_425 {strides = array<i32>} : memref<64x768xf32, #tpu.memory_space<vmem>>, vector<16xf32>,
      %get3A_430 = arith.constant 25 : i32
      %get3A_431 = arith.index_cast %get3A_430 : i32 to index
      %get3A_432 = arith.index_cast %mul3A_106 : i32 to index
      %get3A_433 = tpu.vector_load %arg10[%get3A_431, %get3A_432] {strides = array<i32>} : memref<64x768xf32, #tpu.memory_space<vmem>>, vector<16xf32>,
      %get3A_434 = arith.constant 25 : i32
      %get3A_435 = arith.index_cast %get3A_434 : i32 to index
      %get3A_436 = arith.index_cast %mul3A_106 : i32 to index
      %get3A_437 = tpu.vector_load %arg11[%get3A_435, %get3A_436] {strides = array<i32>} : memref<64x768xf32, #tpu.memory_space<vmem>>, vector<16xf32>,
      %add3A_438 = arith.addf %get3A_433, %get3A_437 : vector<16xf32>
      %swap3A_439 = arith.constant 25 : i32
      %swap3A_440 = arith.index_cast %swap3A_439 : i32 to index
      %swap3A_441 = arith.index_cast %mul3A_106 : i32 to index
      %swap3A_442 = tpu.vector_load %arg10[%swap3A_440, %swap3A_441] {strides = array<i32>} : memref<64x768xf32, #tpu.memory_space<vmem>>, vector<16xf32>,
      tpu.vector_store %arg10[%swap3A_440, %swap3A_441], %add3A_438 {strides = array<i32>} : memref<64x768xf32, #tpu.memory_space<vmem>>, vector<16xf32>,
      %get3A_443 = arith.constant 26 : i32
      %get3A_444 = arith.index_cast %get3A_443 : i32 to index
      %get3A_445 = arith.index_cast %mul3A_106 : i32 to index
      %get3A_446 = tpu.vector_load %arg10[%get3A_444, %get3A_445] {strides = array<i32>} : memref<64x768xf32, #tpu.memory_space<vmem>>, vector<16xf32>,
      %get3A_447 = arith.constant 26 : i32
      %get3A_448 = arith.index_cast %get3A_447 : i32 to index
      %get3A_449 = arith.index_cast %mul3A_106 : i32 to index
      %get3A_450 = tpu.vector_load %arg11[%get3A_448, %get3A_449] {strides = array<i32>} : memref<64x768xf32, #tpu.memory_space<vmem>>, vector<16xf32>,
      %add3A_451 = arith.addf %get3A_446, %get3A_450 : vector<16xf32>
      %swap3A_452 = arith.constant 26 : i32
      %swap3A_453 = arith.index_cast %swap3A_452 : i32 to index
      %swap3A_454 = arith.index_cast %mul3A_106 : i32 to index
      %swap3A_455 = tpu.vector_load %arg10[%swap3A_453, %swap3A_454] {strides = array<i32>} : memref<64x768xf32, #tpu.memory_space<vmem>>, vector<16xf32>,
      tpu.vector_store %arg10[%swap3A_453, %swap3A_454], %add3A_451 {strides = array<i32>} : memref<64x768xf32, #tpu.memory_space<vmem>>, vector<16xf32>,
      %get3A_456 = arith.constant 27 : i32
      %get3A_457 = arith.index_cast %get3A_456 : i32 to index
      %get3A_458 = arith.index_cast %mul3A_106 : i32 to index
      %get3A_459 = tpu.vector_load %arg10[%get3A_457, %get3A_458] {strides = array<i32>} : memref<64x768xf32, #tpu.memory_space<vmem>>, vector<16xf32>,
      %get3A_460 = arith.constant 27 : i32
      %get3A_461 = arith.index_cast %get3A_460 : i32 to index
      %get3A_462 = arith.index_cast %mul3A_106 : i32 to index
      %get3A_463 = tpu.vector_load %arg11[%get3A_461, %get3A_462] {strides = array<i32>} : memref<64x768xf32, #tpu.memory_space<vmem>>, vector<16xf32>,
      %add3A_464 = arith.addf %get3A_459, %get3A_463 : vector<16xf32>
      %swap3A_465 = arith.constant 27 : i32
      %swap3A_466 = arith.index_cast %swap3A_465 : i32 to index
      %swap3A_467 = arith.index_cast %mul3A_106 : i32 to index
      %swap3A_468 = tpu.vector_load %arg10[%swap3A_466, %swap3A_467] {strides = array<i32>} : memref<64x768xf32, #tpu.memory_space<vmem>>, vector<16xf32>,
      tpu.vector_store %arg10[%swap3A_466, %swap3A_467], %add3A_464 {strides = array<i32>} : memref<64x768xf32, #tpu.memory_space<vmem>>, vector<16xf32>,
      %get3A_469 = arith.constant 28 : i32
      %get3A_470 = arith.index_cast %get3A_469 : i32 to index
      %get3A_471 = arith.index_cast %mul3A_106 : i32 to index
      %get3A_472 = tpu.vector_load %arg10[%get3A_470, %get3A_471] {strides = array<i32>} : memref<64x768xf32, #tpu.memory_space<vmem>>, vector<16xf32>,
      %get3A_473 = arith.constant 28 : i32
      %get3A_474 = arith.index_cast %get3A_473 : i32 to index
      %get3A_475 = arith.index_cast %mul3A_106 : i32 to index
      %get3A_476 = tpu.vector_load %arg11[%get3A_474, %get3A_475] {strides = array<i32>} : memref<64x768xf32, #tpu.memory_space<vmem>>, vector<16xf32>,
      %add3A_477 = arith.addf %get3A_472, %get3A_476 : vector<16xf32>
      %swap3A_478 = arith.constant 28 : i32
      %swap3A_479 = arith.index_cast %swap3A_478 : i32 to index
      %swap3A_480 = arith.index_cast %mul3A_106 : i32 to index
      %swap3A_481 = tpu.vector_load %arg10[%swap3A_479, %swap3A_480] {strides = array<i32>} : memref<64x768xf32, #tpu.memory_space<vmem>>, vector<16xf32>,
      tpu.vector_store %arg10[%swap3A_479, %swap3A_480], %add3A_477 {strides = array<i32>} : memref<64x768xf32, #tpu.memory_space<vmem>>, vector<16xf32>,
      %get3A_482 = arith.constant 29 : i32
      %get3A_483 = arith.index_cast %get3A_482 : i32 to index
      %get3A_484 = arith.index_cast %mul3A_106 : i32 to index
      %get3A_485 = tpu.vector_load %arg10[%get3A_483, %get3A_484] {strides = array<i32>} : memref<64x768xf32, #tpu.memory_space<vmem>>, vector<16xf32>,
      %get3A_486 = arith.constant 29 : i32
      %get3A_487 = arith.index_cast %get3A_486 : i32 to index
      %get3A_488 = arith.index_cast %mul3A_106 : i32 to index
      %get3A_489 = tpu.vector_load %arg11[%get3A_487, %get3A_488] {strides = array<i32>} : memref<64x768xf32, #tpu.memory_space<vmem>>, vector<16xf32>,
      %add3A_490 = arith.addf %get3A_485, %get3A_489 : vector<16xf32>
      %swap3A_491 = arith.constant 29 : i32
      %swap3A_492 = arith.index_cast %swap3A_491 : i32 to index
      %swap3A_493 = arith.index_cast %mul3A_106 : i32 to index
      %swap3A_494 = tpu.vector_load %arg10[%swap3A_492, %swap3A_493] {strides = array<i32>} : memref<64x768xf32, #tpu.memory_space<vmem>>, vector<16xf32>,
      tpu.vector_store %arg10[%swap3A_492, %swap3A_493], %add3A_490 {strides = array<i32>} : memref<64x768xf32, #tpu.memory_space<vmem>>, vector<16xf32>,
      %get3A_495 = arith.constant 30 : i32
      %get3A_496 = arith.index_cast %get3A_495 : i32 to index
      %get3A_497 = arith.index_cast %mul3A_106 : i32 to index
      %get3A_498 = tpu.vector_load %arg10[%get3A_496, %get3A_497] {strides = array<i32>} : memref<64x768xf32, #tpu.memory_space<vmem>>, vector<16xf32>,
      %get3A_499 = arith.constant 30 : i32
      %get3A_500 = arith.index_cast %get3A_499 : i32 to index
      %get3A_501 = arith.index_cast %mul3A_106 : i32 to index
      %get3A_502 = tpu.vector_load %arg11[%get3A_500, %get3A_501] {strides = array<i32>} : memref<64x768xf32, #tpu.memory_space<vmem>>, vector<16xf32>,
      %add3A_503 = arith.addf %get3A_498, %get3A_502 : vector<16xf32>
      %swap3A_504 = arith.constant 30 : i32
      %swap3A_505 = arith.index_cast %swap3A_504 : i32 to index
      %swap3A_506 = arith.index_cast %mul3A_106 : i32 to index
      %swap3A_507 = tpu.vector_load %arg10[%swap3A_505, %swap3A_506] {strides = array<i32>} : memref<64x768xf32, #tpu.memory_space<vmem>>, vector<16xf32>,
      tpu.vector_store %arg10[%swap3A_505, %swap3A_506], %add3A_503 {strides = array<i32>} : memref<64x768xf32, #tpu.memory_space<vmem>>, vector<16xf32>,
      %get3A_508 = arith.constant 31 : i32
      %get3A_509 = arith.index_cast %get3A_508 : i32 to index
      %get3A_510 = arith.index_cast %mul3A_106 : i32 to index
      %get3A_511 = tpu.vector_load %arg10[%get3A_509, %get3A_510] {strides = array<i32>} : memref<64x768xf32, #tpu.memory_space<vmem>>, vector<16xf32>,
      %get3A_512 = arith.constant 31 : i32
      %get3A_513 = arith.index_cast %get3A_512 : i32 to index
      %get3A_514 = arith.index_cast %mul3A_106 : i32 to index
      %get3A_515 = tpu.vector_load %arg11[%get3A_513, %get3A_514] {strides = array<i32>} : memref<64x768xf32, #tpu.memory_space<vmem>>, vector<16xf32>,
      %add3A_516 = arith.addf %get3A_511, %get3A_515 : vector<16xf32>
      %swap3A_517 = arith.constant 31 : i32
      %swap3A_518 = arith.index_cast %swap3A_517 : i32 to index
      %swap3A_519 = arith.index_cast %mul3A_106 : i32 to index
      %swap3A_520 = tpu.vector_load %arg10[%swap3A_518, %swap3A_519] {strides = array<i32>} : memref<64x768xf32, #tpu.memory_space<vmem>>, vector<16xf32>,
      tpu.vector_store %arg10[%swap3A_518, %swap3A_519], %add3A_516 {strides = array<i32>} : memref<64x768xf32, #tpu.memory_space<vmem>>, vector<16xf32>,
    }
    %scan3A_44 = arith.constant 48 : i32
    %dma_start3A_45 = arith.constant 0 : i32
    %dma_start3A_46 = arith.constant 0 : i32
    %dma_start3A_47 = tpu.memref_slice %arg10[%dma_start3A_45, %dma_start3A_46] : memref<64x768xf32, #tpu.memory_space<vmem>> -> memref<32x768xf32, #tpu.memory_space<vmem>>
    %dma_start3A_48 = arith.constant 0 : i32
    %dma_start3A_49 = tpu.memref_slice %arg5[%mul3A_2, %dma_start3A_48] : memref<2048x768xf32, #tpu.memory_space<hbm>> -> memref<32x768xf32, #tpu.memory_space<hbm>>
    %dma_start3A_50 = arith.constant 0 : i32
    %dma_start3A_51 = tpu.memref_slice %arg5[%mul3A_2, %dma_start3A_50] : memref<2048x768xf32, #tpu.memory_space<hbm>> -> memref<32x768xf32, #tpu.memory_space<hbm>>
    %dma_start3A_52 = arith.constant 0 : i32
    %dma_start3A_53 = arith.constant 0 : i32
    %dma_start3A_54 = tpu.memref_slice %arg10[%dma_start3A_52, %dma_start3A_53] : memref<64x768xf32, #tpu.memory_space<vmem>> -> memref<32x768xf32, #tpu.memory_space<vmem>>
    tpu.enqueue_dma source(%dma_start3A_54 : memref<32x768xf32, #tpu.memory_space<vmem>>) target(%dma_start3A_51 : memref<32x768xf32, #tpu.memory_space<hbm>>) target_semaphore(%arg16 : memref<!tpu.dma_semaphore, #tpu.memory_space<semaphore_mem>>)
    %dma_wait3A_55 = arith.constant 32 : i32
    %dma_wait3A_56 = arith.constant 0 : i32
    %dma_wait3A_57 = tpu.memref_slice %arg10[%dma_wait3A_55, %dma_wait3A_56] : memref<64x768xf32, #tpu.memory_space<vmem>> -> memref<32x768xf32, #tpu.memory_space<vmem>>
    %dma_wait3A_58 = arith.constant 0 : i32
    %dma_wait3A_59 = arith.constant 0 : i32
    %dma_wait3A_60 = tpu.memref_slice %arg2[%dma_wait3A_58, %dma_wait3A_59] : memref<6144x768xf32, #tpu.memory_space<hbm>> -> memref<6144x768xf32, #tpu.memory_space<hbm>>
    tpu.wait_indirect_dma semaphore(%arg14 : memref<!tpu.dma_semaphore, #tpu.memory_space<semaphore_mem>>) src(%dma_wait3A_60 : memref<6144x768xf32, #tpu.memory_space<hbm>>) dst(%dma_wait3A_57 : memref<32x768xf32, #tpu.memory_space<vmem>>)
    %dma_wait3A_61 = arith.constant 32 : i32
    %dma_wait3A_62 = arith.constant 0 : i32
    %dma_wait3A_63 = tpu.memref_slice %arg11[%dma_wait3A_61, %dma_wait3A_62] : memref<64x768xf32, #tpu.memory_space<vmem>> -> memref<32x768xf32, #tpu.memory_space<vmem>>
    %dma_wait3A_64 = arith.constant 0 : i32
    %dma_wait3A_65 = arith.constant 0 : i32
    %dma_wait3A_66 = tpu.memref_slice %arg2[%dma_wait3A_64, %dma_wait3A_65] : memref<6144x768xf32, #tpu.memory_space<hbm>> -> memref<6144x768xf32, #tpu.memory_space<hbm>>
    tpu.wait_indirect_dma semaphore(%arg15 : memref<!tpu.dma_semaphore, #tpu.memory_space<semaphore_mem>>) src(%dma_wait3A_66 : memref<6144x768xf32, #tpu.memory_space<hbm>>) dst(%dma_wait3A_63 : memref<32x768xf32, #tpu.memory_space<vmem>>)
    %scan3A_67 = arith.constant 0 : i32
    %scan3A_68 = arith.constant 48 : i32
    %scan3A_69 = arith.addi %scan3A_67, %scan3A_68 : i32
    %scan3A_70 = arith.constant 1 : i32
    scf.for %scan3A_104 = %scan3A_67 to %scan3A_69 step %scan3A_70  : i32 {
      %mul3A_105 = arith.constant 16 : i32
      %mul3A_106 = arith.muli %scan3A_104, %mul3A_105 : i32
      %get3A = arith.constant 32 : i32
      %get3A_107 = arith.index_cast %get3A : i32 to index
      %get3A_108 = arith.index_cast %mul3A_106 : i32 to index
      %get3A_109 = tpu.vector_load %arg10[%get3A_107, %get3A_108] {strides = array<i32>} : memref<64x768xf32, #tpu.memory_space<vmem>>, vector<16xf32>,
      %get3A_110 = arith.constant 32 : i32
      %get3A_111 = arith.index_cast %get3A_110 : i32 to index
      %get3A_112 = arith.index_cast %mul3A_106 : i32 to index
      %get3A_113 = tpu.vector_load %arg11[%get3A_111, %get3A_112] {strides = array<i32>} : memref<64x768xf32, #tpu.memory_space<vmem>>, vector<16xf32>,
      %add3A_114 = arith.addf %get3A_109, %get3A_113 : vector<16xf32>
      %swap3A = arith.constant 32 : i32
      %swap3A_115 = arith.index_cast %swap3A : i32 to index
      %swap3A_116 = arith.index_cast %mul3A_106 : i32 to index
      %swap3A_117 = tpu.vector_load %arg10[%swap3A_115, %swap3A_116] {strides = array<i32>} : memref<64x768xf32, #tpu.memory_space<vmem>>, vector<16xf32>,
      tpu.vector_store %arg10[%swap3A_115, %swap3A_116], %add3A_114 {strides = array<i32>} : memref<64x768xf32, #tpu.memory_space<vmem>>, vector<16xf32>,
      %get3A_118 = arith.constant 33 : i32
      %get3A_119 = arith.index_cast %get3A_118 : i32 to index
      %get3A_120 = arith.index_cast %mul3A_106 : i32 to index
      %get3A_121 = tpu.vector_load %arg10[%get3A_119, %get3A_120] {strides = array<i32>} : memref<64x768xf32, #tpu.memory_space<vmem>>, vector<16xf32>,
      %get3A_122 = arith.constant 33 : i32
      %get3A_123 = arith.index_cast %get3A_122 : i32 to index
      %get3A_124 = arith.index_cast %mul3A_106 : i32 to index
      %get3A_125 = tpu.vector_load %arg11[%get3A_123, %get3A_124] {strides = array<i32>} : memref<64x768xf32, #tpu.memory_space<vmem>>, vector<16xf32>,
      %add3A_126 = arith.addf %get3A_121, %get3A_125 : vector<16xf32>
      %swap3A_127 = arith.constant 33 : i32
      %swap3A_128 = arith.index_cast %swap3A_127 : i32 to index
      %swap3A_129 = arith.index_cast %mul3A_106 : i32 to index
      %swap3A_130 = tpu.vector_load %arg10[%swap3A_128, %swap3A_129] {strides = array<i32>} : memref<64x768xf32, #tpu.memory_space<vmem>>, vector<16xf32>,
      tpu.vector_store %arg10[%swap3A_128, %swap3A_129], %add3A_126 {strides = array<i32>} : memref<64x768xf32, #tpu.memory_space<vmem>>, vector<16xf32>,
      %get3A_131 = arith.constant 34 : i32
      %get3A_132 = arith.index_cast %get3A_131 : i32 to index
      %get3A_133 = arith.index_cast %mul3A_106 : i32 to index
      %get3A_134 = tpu.vector_load %arg10[%get3A_132, %get3A_133] {strides = array<i32>} : memref<64x768xf32, #tpu.memory_space<vmem>>, vector<16xf32>,
      %get3A_135 = arith.constant 34 : i32
      %get3A_136 = arith.index_cast %get3A_135 : i32 to index
      %get3A_137 = arith.index_cast %mul3A_106 : i32 to index
      %get3A_138 = tpu.vector_load %arg11[%get3A_136, %get3A_137] {strides = array<i32>} : memref<64x768xf32, #tpu.memory_space<vmem>>, vector<16xf32>,
      %add3A_139 = arith.addf %get3A_134, %get3A_138 : vector<16xf32>
      %swap3A_140 = arith.constant 34 : i32
      %swap3A_141 = arith.index_cast %swap3A_140 : i32 to index
      %swap3A_142 = arith.index_cast %mul3A_106 : i32 to index
      %swap3A_143 = tpu.vector_load %arg10[%swap3A_141, %swap3A_142] {strides = array<i32>} : memref<64x768xf32, #tpu.memory_space<vmem>>, vector<16xf32>,
      tpu.vector_store %arg10[%swap3A_141, %swap3A_142], %add3A_139 {strides = array<i32>} : memref<64x768xf32, #tpu.memory_space<vmem>>, vector<16xf32>,
      %get3A_144 = arith.constant 35 : i32
      %get3A_145 = arith.index_cast %get3A_144 : i32 to index
      %get3A_146 = arith.index_cast %mul3A_106 : i32 to index
      %get3A_147 = tpu.vector_load %arg10[%get3A_145, %get3A_146] {strides = array<i32>} : memref<64x768xf32, #tpu.memory_space<vmem>>, vector<16xf32>,
      %get3A_148 = arith.constant 35 : i32
      %get3A_149 = arith.index_cast %get3A_148 : i32 to index
      %get3A_150 = arith.index_cast %mul3A_106 : i32 to index
      %get3A_151 = tpu.vector_load %arg11[%get3A_149, %get3A_150] {strides = array<i32>} : memref<64x768xf32, #tpu.memory_space<vmem>>, vector<16xf32>,
      %add3A_152 = arith.addf %get3A_147, %get3A_151 : vector<16xf32>
      %swap3A_153 = arith.constant 35 : i32
      %swap3A_154 = arith.index_cast %swap3A_153 : i32 to index
      %swap3A_155 = arith.index_cast %mul3A_106 : i32 to index
      %swap3A_156 = tpu.vector_load %arg10[%swap3A_154, %swap3A_155] {strides = array<i32>} : memref<64x768xf32, #tpu.memory_space<vmem>>, vector<16xf32>,
      tpu.vector_store %arg10[%swap3A_154, %swap3A_155], %add3A_152 {strides = array<i32>} : memref<64x768xf32, #tpu.memory_space<vmem>>, vector<16xf32>,
      %get3A_157 = arith.constant 36 : i32
      %get3A_158 = arith.index_cast %get3A_157 : i32 to index
      %get3A_159 = arith.index_cast %mul3A_106 : i32 to index
      %get3A_160 = tpu.vector_load %arg10[%get3A_158, %get3A_159] {strides = array<i32>} : memref<64x768xf32, #tpu.memory_space<vmem>>, vector<16xf32>,
      %get3A_161 = arith.constant 36 : i32
      %get3A_162 = arith.index_cast %get3A_161 : i32 to index
      %get3A_163 = arith.index_cast %mul3A_106 : i32 to index
      %get3A_164 = tpu.vector_load %arg11[%get3A_162, %get3A_163] {strides = array<i32>} : memref<64x768xf32, #tpu.memory_space<vmem>>, vector<16xf32>,
      %add3A_165 = arith.addf %get3A_160, %get3A_164 : vector<16xf32>
      %swap3A_166 = arith.constant 36 : i32
      %swap3A_167 = arith.index_cast %swap3A_166 : i32 to index
      %swap3A_168 = arith.index_cast %mul3A_106 : i32 to index
      %swap3A_169 = tpu.vector_load %arg10[%swap3A_167, %swap3A_168] {strides = array<i32>} : memref<64x768xf32, #tpu.memory_space<vmem>>, vector<16xf32>,
      tpu.vector_store %arg10[%swap3A_167, %swap3A_168], %add3A_165 {strides = array<i32>} : memref<64x768xf32, #tpu.memory_space<vmem>>, vector<16xf32>,
      %get3A_170 = arith.constant 37 : i32
      %get3A_171 = arith.index_cast %get3A_170 : i32 to index
      %get3A_172 = arith.index_cast %mul3A_106 : i32 to index
      %get3A_173 = tpu.vector_load %arg10[%get3A_171, %get3A_172] {strides = array<i32>} : memref<64x768xf32, #tpu.memory_space<vmem>>, vector<16xf32>,
      %get3A_174 = arith.constant 37 : i32
      %get3A_175 = arith.index_cast %get3A_174 : i32 to index
      %get3A_176 = arith.index_cast %mul3A_106 : i32 to index
      %get3A_177 = tpu.vector_load %arg11[%get3A_175, %get3A_176] {strides = array<i32>} : memref<64x768xf32, #tpu.memory_space<vmem>>, vector<16xf32>,
      %add3A_178 = arith.addf %get3A_173, %get3A_177 : vector<16xf32>
      %swap3A_179 = arith.constant 37 : i32
      %swap3A_180 = arith.index_cast %swap3A_179 : i32 to index
      %swap3A_181 = arith.index_cast %mul3A_106 : i32 to index
      %swap3A_182 = tpu.vector_load %arg10[%swap3A_180, %swap3A_181] {strides = array<i32>} : memref<64x768xf32, #tpu.memory_space<vmem>>, vector<16xf32>,
      tpu.vector_store %arg10[%swap3A_180, %swap3A_181], %add3A_178 {strides = array<i32>} : memref<64x768xf32, #tpu.memory_space<vmem>>, vector<16xf32>,
      %get3A_183 = arith.constant 38 : i32
      %get3A_184 = arith.index_cast %get3A_183 : i32 to index
      %get3A_185 = arith.index_cast %mul3A_106 : i32 to index
      %get3A_186 = tpu.vector_load %arg10[%get3A_184, %get3A_185] {strides = array<i32>} : memref<64x768xf32, #tpu.memory_space<vmem>>, vector<16xf32>,
      %get3A_187 = arith.constant 38 : i32
      %get3A_188 = arith.index_cast %get3A_187 : i32 to index
      %get3A_189 = arith.index_cast %mul3A_106 : i32 to index
      %get3A_190 = tpu.vector_load %arg11[%get3A_188, %get3A_189] {strides = array<i32>} : memref<64x768xf32, #tpu.memory_space<vmem>>, vector<16xf32>,
      %add3A_191 = arith.addf %get3A_186, %get3A_190 : vector<16xf32>
      %swap3A_192 = arith.constant 38 : i32
      %swap3A_193 = arith.index_cast %swap3A_192 : i32 to index
      %swap3A_194 = arith.index_cast %mul3A_106 : i32 to index
      %swap3A_195 = tpu.vector_load %arg10[%swap3A_193, %swap3A_194] {strides = array<i32>} : memref<64x768xf32, #tpu.memory_space<vmem>>, vector<16xf32>,
      tpu.vector_store %arg10[%swap3A_193, %swap3A_194], %add3A_191 {strides = array<i32>} : memref<64x768xf32, #tpu.memory_space<vmem>>, vector<16xf32>,
      %get3A_196 = arith.constant 39 : i32
      %get3A_197 = arith.index_cast %get3A_196 : i32 to index
      %get3A_198 = arith.index_cast %mul3A_106 : i32 to index
      %get3A_199 = tpu.vector_load %arg10[%get3A_197, %get3A_198] {strides = array<i32>} : memref<64x768xf32, #tpu.memory_space<vmem>>, vector<16xf32>,
      %get3A_200 = arith.constant 39 : i32
      %get3A_201 = arith.index_cast %get3A_200 : i32 to index
      %get3A_202 = arith.index_cast %mul3A_106 : i32 to index
      %get3A_203 = tpu.vector_load %arg11[%get3A_201, %get3A_202] {strides = array<i32>} : memref<64x768xf32, #tpu.memory_space<vmem>>, vector<16xf32>,
      %add3A_204 = arith.addf %get3A_199, %get3A_203 : vector<16xf32>
      %swap3A_205 = arith.constant 39 : i32
      %swap3A_206 = arith.index_cast %swap3A_205 : i32 to index
      %swap3A_207 = arith.index_cast %mul3A_106 : i32 to index
      %swap3A_208 = tpu.vector_load %arg10[%swap3A_206, %swap3A_207] {strides = array<i32>} : memref<64x768xf32, #tpu.memory_space<vmem>>, vector<16xf32>,
      tpu.vector_store %arg10[%swap3A_206, %swap3A_207], %add3A_204 {strides = array<i32>} : memref<64x768xf32, #tpu.memory_space<vmem>>, vector<16xf32>,
      %get3A_209 = arith.constant 40 : i32
      %get3A_210 = arith.index_cast %get3A_209 : i32 to index
      %get3A_211 = arith.index_cast %mul3A_106 : i32 to index
      %get3A_212 = tpu.vector_load %arg10[%get3A_210, %get3A_211] {strides = array<i32>} : memref<64x768xf32, #tpu.memory_space<vmem>>, vector<16xf32>,
      %get3A_213 = arith.constant 40 : i32
      %get3A_214 = arith.index_cast %get3A_213 : i32 to index
      %get3A_215 = arith.index_cast %mul3A_106 : i32 to index
      %get3A_216 = tpu.vector_load %arg11[%get3A_214, %get3A_215] {strides = array<i32>} : memref<64x768xf32, #tpu.memory_space<vmem>>, vector<16xf32>,
      %add3A_217 = arith.addf %get3A_212, %get3A_216 : vector<16xf32>
      %swap3A_218 = arith.constant 40 : i32
      %swap3A_219 = arith.index_cast %swap3A_218 : i32 to index
      %swap3A_220 = arith.index_cast %mul3A_106 : i32 to index
      %swap3A_221 = tpu.vector_load %arg10[%swap3A_219, %swap3A_220] {strides = array<i32>} : memref<64x768xf32, #tpu.memory_space<vmem>>, vector<16xf32>,
      tpu.vector_store %arg10[%swap3A_219, %swap3A_220], %add3A_217 {strides = array<i32>} : memref<64x768xf32, #tpu.memory_space<vmem>>, vector<16xf32>,
      %get3A_222 = arith.constant 41 : i32
      %get3A_223 = arith.index_cast %get3A_222 : i32 to index
      %get3A_224 = arith.index_cast %mul3A_106 : i32 to index
      %get3A_225 = tpu.vector_load %arg10[%get3A_223, %get3A_224] {strides = array<i32>} : memref<64x768xf32, #tpu.memory_space<vmem>>, vector<16xf32>,
      %get3A_226 = arith.constant 41 : i32
      %get3A_227 = arith.index_cast %get3A_226 : i32 to index
      %get3A_228 = arith.index_cast %mul3A_106 : i32 to index
      %get3A_229 = tpu.vector_load %arg11[%get3A_227, %get3A_228] {strides = array<i32>} : memref<64x768xf32, #tpu.memory_space<vmem>>, vector<16xf32>,
      %add3A_230 = arith.addf %get3A_225, %get3A_229 : vector<16xf32>
      %swap3A_231 = arith.constant 41 : i32
      %swap3A_232 = arith.index_cast %swap3A_231 : i32 to index
      %swap3A_233 = arith.index_cast %mul3A_106 : i32 to index
      %swap3A_234 = tpu.vector_load %arg10[%swap3A_232, %swap3A_233] {strides = array<i32>} : memref<64x768xf32, #tpu.memory_space<vmem>>, vector<16xf32>,
      tpu.vector_store %arg10[%swap3A_232, %swap3A_233], %add3A_230 {strides = array<i32>} : memref<64x768xf32, #tpu.memory_space<vmem>>, vector<16xf32>,
      %get3A_235 = arith.constant 42 : i32
      %get3A_236 = arith.index_cast %get3A_235 : i32 to index
      %get3A_237 = arith.index_cast %mul3A_106 : i32 to index
      %get3A_238 = tpu.vector_load %arg10[%get3A_236, %get3A_237] {strides = array<i32>} : memref<64x768xf32, #tpu.memory_space<vmem>>, vector<16xf32>,
      %get3A_239 = arith.constant 42 : i32
      %get3A_240 = arith.index_cast %get3A_239 : i32 to index
      %get3A_241 = arith.index_cast %mul3A_106 : i32 to index
      %get3A_242 = tpu.vector_load %arg11[%get3A_240, %get3A_241] {strides = array<i32>} : memref<64x768xf32, #tpu.memory_space<vmem>>, vector<16xf32>,
      %add3A_243 = arith.addf %get3A_238, %get3A_242 : vector<16xf32>
      %swap3A_244 = arith.constant 42 : i32
      %swap3A_245 = arith.index_cast %swap3A_244 : i32 to index
      %swap3A_246 = arith.index_cast %mul3A_106 : i32 to index
      %swap3A_247 = tpu.vector_load %arg10[%swap3A_245, %swap3A_246] {strides = array<i32>} : memref<64x768xf32, #tpu.memory_space<vmem>>, vector<16xf32>,
      tpu.vector_store %arg10[%swap3A_245, %swap3A_246], %add3A_243 {strides = array<i32>} : memref<64x768xf32, #tpu.memory_space<vmem>>, vector<16xf32>,
      %get3A_248 = arith.constant 43 : i32
      %get3A_249 = arith.index_cast %get3A_248 : i32 to index
      %get3A_250 = arith.index_cast %mul3A_106 : i32 to index
      %get3A_251 = tpu.vector_load %arg10[%get3A_249, %get3A_250] {strides = array<i32>} : memref<64x768xf32, #tpu.memory_space<vmem>>, vector<16xf32>,
      %get3A_252 = arith.constant 43 : i32
      %get3A_253 = arith.index_cast %get3A_252 : i32 to index
      %get3A_254 = arith.index_cast %mul3A_106 : i32 to index
      %get3A_255 = tpu.vector_load %arg11[%get3A_253, %get3A_254] {strides = array<i32>} : memref<64x768xf32, #tpu.memory_space<vmem>>, vector<16xf32>,
      %add3A_256 = arith.addf %get3A_251, %get3A_255 : vector<16xf32>
      %swap3A_257 = arith.constant 43 : i32
      %swap3A_258 = arith.index_cast %swap3A_257 : i32 to index
      %swap3A_259 = arith.index_cast %mul3A_106 : i32 to index
      %swap3A_260 = tpu.vector_load %arg10[%swap3A_258, %swap3A_259] {strides = array<i32>} : memref<64x768xf32, #tpu.memory_space<vmem>>, vector<16xf32>,
      tpu.vector_store %arg10[%swap3A_258, %swap3A_259], %add3A_256 {strides = array<i32>} : memref<64x768xf32, #tpu.memory_space<vmem>>, vector<16xf32>,
      %get3A_261 = arith.constant 44 : i32
      %get3A_262 = arith.index_cast %get3A_261 : i32 to index
      %get3A_263 = arith.index_cast %mul3A_106 : i32 to index
      %get3A_264 = tpu.vector_load %arg10[%get3A_262, %get3A_263] {strides = array<i32>} : memref<64x768xf32, #tpu.memory_space<vmem>>, vector<16xf32>,
      %get3A_265 = arith.constant 44 : i32
      %get3A_266 = arith.index_cast %get3A_265 : i32 to index
      %get3A_267 = arith.index_cast %mul3A_106 : i32 to index
      %get3A_268 = tpu.vector_load %arg11[%get3A_266, %get3A_267] {strides = array<i32>} : memref<64x768xf32, #tpu.memory_space<vmem>>, vector<16xf32>,
      %add3A_269 = arith.addf %get3A_264, %get3A_268 : vector<16xf32>
      %swap3A_270 = arith.constant 44 : i32
      %swap3A_271 = arith.index_cast %swap3A_270 : i32 to index
      %swap3A_272 = arith.index_cast %mul3A_106 : i32 to index
      %swap3A_273 = tpu.vector_load %arg10[%swap3A_271, %swap3A_272] {strides = array<i32>} : memref<64x768xf32, #tpu.memory_space<vmem>>, vector<16xf32>,
      tpu.vector_store %arg10[%swap3A_271, %swap3A_272], %add3A_269 {strides = array<i32>} : memref<64x768xf32, #tpu.memory_space<vmem>>, vector<16xf32>,
      %get3A_274 = arith.constant 45 : i32
      %get3A_275 = arith.index_cast %get3A_274 : i32 to index
      %get3A_276 = arith.index_cast %mul3A_106 : i32 to index
      %get3A_277 = tpu.vector_load %arg10[%get3A_275, %get3A_276] {strides = array<i32>} : memref<64x768xf32, #tpu.memory_space<vmem>>, vector<16xf32>,
      %get3A_278 = arith.constant 45 : i32
      %get3A_279 = arith.index_cast %get3A_278 : i32 to index
      %get3A_280 = arith.index_cast %mul3A_106 : i32 to index
      %get3A_281 = tpu.vector_load %arg11[%get3A_279, %get3A_280] {strides = array<i32>} : memref<64x768xf32, #tpu.memory_space<vmem>>, vector<16xf32>,
      %add3A_282 = arith.addf %get3A_277, %get3A_281 : vector<16xf32>
      %swap3A_283 = arith.constant 45 : i32
      %swap3A_284 = arith.index_cast %swap3A_283 : i32 to index
      %swap3A_285 = arith.index_cast %mul3A_106 : i32 to index
      %swap3A_286 = tpu.vector_load %arg10[%swap3A_284, %swap3A_285] {strides = array<i32>} : memref<64x768xf32, #tpu.memory_space<vmem>>, vector<16xf32>,
      tpu.vector_store %arg10[%swap3A_284, %swap3A_285], %add3A_282 {strides = array<i32>} : memref<64x768xf32, #tpu.memory_space<vmem>>, vector<16xf32>,
      %get3A_287 = arith.constant 46 : i32
      %get3A_288 = arith.index_cast %get3A_287 : i32 to index
      %get3A_289 = arith.index_cast %mul3A_106 : i32 to index
      %get3A_290 = tpu.vector_load %arg10[%get3A_288, %get3A_289] {strides = array<i32>} : memref<64x768xf32, #tpu.memory_space<vmem>>, vector<16xf32>,
      %get3A_291 = arith.constant 46 : i32
      %get3A_292 = arith.index_cast %get3A_291 : i32 to index
      %get3A_293 = arith.index_cast %mul3A_106 : i32 to index
      %get3A_294 = tpu.vector_load %arg11[%get3A_292, %get3A_293] {strides = array<i32>} : memref<64x768xf32, #tpu.memory_space<vmem>>, vector<16xf32>,
      %add3A_295 = arith.addf %get3A_290, %get3A_294 : vector<16xf32>
      %swap3A_296 = arith.constant 46 : i32
      %swap3A_297 = arith.index_cast %swap3A_296 : i32 to index
      %swap3A_298 = arith.index_cast %mul3A_106 : i32 to index
      %swap3A_299 = tpu.vector_load %arg10[%swap3A_297, %swap3A_298] {strides = array<i32>} : memref<64x768xf32, #tpu.memory_space<vmem>>, vector<16xf32>,
      tpu.vector_store %arg10[%swap3A_297, %swap3A_298], %add3A_295 {strides = array<i32>} : memref<64x768xf32, #tpu.memory_space<vmem>>, vector<16xf32>,
      %get3A_300 = arith.constant 47 : i32
      %get3A_301 = arith.index_cast %get3A_300 : i32 to index
      %get3A_302 = arith.index_cast %mul3A_106 : i32 to index
      %get3A_303 = tpu.vector_load %arg10[%get3A_301, %get3A_302] {strides = array<i32>} : memref<64x768xf32, #tpu.memory_space<vmem>>, vector<16xf32>,
      %get3A_304 = arith.constant 47 : i32
      %get3A_305 = arith.index_cast %get3A_304 : i32 to index
      %get3A_306 = arith.index_cast %mul3A_106 : i32 to index
      %get3A_307 = tpu.vector_load %arg11[%get3A_305, %get3A_306] {strides = array<i32>} : memref<64x768xf32, #tpu.memory_space<vmem>>, vector<16xf32>,
      %add3A_308 = arith.addf %get3A_303, %get3A_307 : vector<16xf32>
      %swap3A_309 = arith.constant 47 : i32
      %swap3A_310 = arith.index_cast %swap3A_309 : i32 to index
      %swap3A_311 = arith.index_cast %mul3A_106 : i32 to index
      %swap3A_312 = tpu.vector_load %arg10[%swap3A_310, %swap3A_311] {strides = array<i32>} : memref<64x768xf32, #tpu.memory_space<vmem>>, vector<16xf32>,
      tpu.vector_store %arg10[%swap3A_310, %swap3A_311], %add3A_308 {strides = array<i32>} : memref<64x768xf32, #tpu.memory_space<vmem>>, vector<16xf32>,
      %get3A_313 = arith.constant 48 : i32
      %get3A_314 = arith.index_cast %get3A_313 : i32 to index
      %get3A_315 = arith.index_cast %mul3A_106 : i32 to index
      %get3A_316 = tpu.vector_load %arg10[%get3A_314, %get3A_315] {strides = array<i32>} : memref<64x768xf32, #tpu.memory_space<vmem>>, vector<16xf32>,
      %get3A_317 = arith.constant 48 : i32
      %get3A_318 = arith.index_cast %get3A_317 : i32 to index
      %get3A_319 = arith.index_cast %mul3A_106 : i32 to index
      %get3A_320 = tpu.vector_load %arg11[%get3A_318, %get3A_319] {strides = array<i32>} : memref<64x768xf32, #tpu.memory_space<vmem>>, vector<16xf32>,
      %add3A_321 = arith.addf %get3A_316, %get3A_320 : vector<16xf32>
      %swap3A_322 = arith.constant 48 : i32
      %swap3A_323 = arith.index_cast %swap3A_322 : i32 to index
      %swap3A_324 = arith.index_cast %mul3A_106 : i32 to index
      %swap3A_325 = tpu.vector_load %arg10[%swap3A_323, %swap3A_324] {strides = array<i32>} : memref<64x768xf32, #tpu.memory_space<vmem>>, vector<16xf32>,
      tpu.vector_store %arg10[%swap3A_323, %swap3A_324], %add3A_321 {strides = array<i32>} : memref<64x768xf32, #tpu.memory_space<vmem>>, vector<16xf32>,
      %get3A_326 = arith.constant 49 : i32
      %get3A_327 = arith.index_cast %get3A_326 : i32 to index
      %get3A_328 = arith.index_cast %mul3A_106 : i32 to index
      %get3A_329 = tpu.vector_load %arg10[%get3A_327, %get3A_328] {strides = array<i32>} : memref<64x768xf32, #tpu.memory_space<vmem>>, vector<16xf32>,
      %get3A_330 = arith.constant 49 : i32
      %get3A_331 = arith.index_cast %get3A_330 : i32 to index
      %get3A_332 = arith.index_cast %mul3A_106 : i32 to index
      %get3A_333 = tpu.vector_load %arg11[%get3A_331, %get3A_332] {strides = array<i32>} : memref<64x768xf32, #tpu.memory_space<vmem>>, vector<16xf32>,
      %add3A_334 = arith.addf %get3A_329, %get3A_333 : vector<16xf32>
      %swap3A_335 = arith.constant 49 : i32
      %swap3A_336 = arith.index_cast %swap3A_335 : i32 to index
      %swap3A_337 = arith.index_cast %mul3A_106 : i32 to index
      %swap3A_338 = tpu.vector_load %arg10[%swap3A_336, %swap3A_337] {strides = array<i32>} : memref<64x768xf32, #tpu.memory_space<vmem>>, vector<16xf32>,
      tpu.vector_store %arg10[%swap3A_336, %swap3A_337], %add3A_334 {strides = array<i32>} : memref<64x768xf32, #tpu.memory_space<vmem>>, vector<16xf32>,
      %get3A_339 = arith.constant 50 : i32
      %get3A_340 = arith.index_cast %get3A_339 : i32 to index
      %get3A_341 = arith.index_cast %mul3A_106 : i32 to index
      %get3A_342 = tpu.vector_load %arg10[%get3A_340, %get3A_341] {strides = array<i32>} : memref<64x768xf32, #tpu.memory_space<vmem>>, vector<16xf32>,
      %get3A_343 = arith.constant 50 : i32
      %get3A_344 = arith.index_cast %get3A_343 : i32 to index
      %get3A_345 = arith.index_cast %mul3A_106 : i32 to index
      %get3A_346 = tpu.vector_load %arg11[%get3A_344, %get3A_345] {strides = array<i32>} : memref<64x768xf32, #tpu.memory_space<vmem>>, vector<16xf32>,
      %add3A_347 = arith.addf %get3A_342, %get3A_346 : vector<16xf32>
      %swap3A_348 = arith.constant 50 : i32
      %swap3A_349 = arith.index_cast %swap3A_348 : i32 to index
      %swap3A_350 = arith.index_cast %mul3A_106 : i32 to index
      %swap3A_351 = tpu.vector_load %arg10[%swap3A_349, %swap3A_350] {strides = array<i32>} : memref<64x768xf32, #tpu.memory_space<vmem>>, vector<16xf32>,
      tpu.vector_store %arg10[%swap3A_349, %swap3A_350], %add3A_347 {strides = array<i32>} : memref<64x768xf32, #tpu.memory_space<vmem>>, vector<16xf32>,
      %get3A_352 = arith.constant 51 : i32
      %get3A_353 = arith.index_cast %get3A_352 : i32 to index
      %get3A_354 = arith.index_cast %mul3A_106 : i32 to index
      %get3A_355 = tpu.vector_load %arg10[%get3A_353, %get3A_354] {strides = array<i32>} : memref<64x768xf32, #tpu.memory_space<vmem>>, vector<16xf32>,
      %get3A_356 = arith.constant 51 : i32
      %get3A_357 = arith.index_cast %get3A_356 : i32 to index
      %get3A_358 = arith.index_cast %mul3A_106 : i32 to index
      %get3A_359 = tpu.vector_load %arg11[%get3A_357, %get3A_358] {strides = array<i32>} : memref<64x768xf32, #tpu.memory_space<vmem>>, vector<16xf32>,
      %add3A_360 = arith.addf %get3A_355, %get3A_359 : vector<16xf32>
      %swap3A_361 = arith.constant 51 : i32
      %swap3A_362 = arith.index_cast %swap3A_361 : i32 to index
      %swap3A_363 = arith.index_cast %mul3A_106 : i32 to index
      %swap3A_364 = tpu.vector_load %arg10[%swap3A_362, %swap3A_363] {strides = array<i32>} : memref<64x768xf32, #tpu.memory_space<vmem>>, vector<16xf32>,
      tpu.vector_store %arg10[%swap3A_362, %swap3A_363], %add3A_360 {strides = array<i32>} : memref<64x768xf32, #tpu.memory_space<vmem>>, vector<16xf32>,
      %get3A_365 = arith.constant 52 : i32
      %get3A_366 = arith.index_cast %get3A_365 : i32 to index
      %get3A_367 = arith.index_cast %mul3A_106 : i32 to index
      %get3A_368 = tpu.vector_load %arg10[%get3A_366, %get3A_367] {strides = array<i32>} : memref<64x768xf32, #tpu.memory_space<vmem>>, vector<16xf32>,
      %get3A_369 = arith.constant 52 : i32
      %get3A_370 = arith.index_cast %get3A_369 : i32 to index
      %get3A_371 = arith.index_cast %mul3A_106 : i32 to index
      %get3A_372 = tpu.vector_load %arg11[%get3A_370, %get3A_371] {strides = array<i32>} : memref<64x768xf32, #tpu.memory_space<vmem>>, vector<16xf32>,
      %add3A_373 = arith.addf %get3A_368, %get3A_372 : vector<16xf32>
      %swap3A_374 = arith.constant 52 : i32
      %swap3A_375 = arith.index_cast %swap3A_374 : i32 to index
      %swap3A_376 = arith.index_cast %mul3A_106 : i32 to index
      %swap3A_377 = tpu.vector_load %arg10[%swap3A_375, %swap3A_376] {strides = array<i32>} : memref<64x768xf32, #tpu.memory_space<vmem>>, vector<16xf32>,
      tpu.vector_store %arg10[%swap3A_375, %swap3A_376], %add3A_373 {strides = array<i32>} : memref<64x768xf32, #tpu.memory_space<vmem>>, vector<16xf32>,
      %get3A_378 = arith.constant 53 : i32
      %get3A_379 = arith.index_cast %get3A_378 : i32 to index
      %get3A_380 = arith.index_cast %mul3A_106 : i32 to index
      %get3A_381 = tpu.vector_load %arg10[%get3A_379, %get3A_380] {strides = array<i32>} : memref<64x768xf32, #tpu.memory_space<vmem>>, vector<16xf32>,
      %get3A_382 = arith.constant 53 : i32
      %get3A_383 = arith.index_cast %get3A_382 : i32 to index
      %get3A_384 = arith.index_cast %mul3A_106 : i32 to index
      %get3A_385 = tpu.vector_load %arg11[%get3A_383, %get3A_384] {strides = array<i32>} : memref<64x768xf32, #tpu.memory_space<vmem>>, vector<16xf32>,
      %add3A_386 = arith.addf %get3A_381, %get3A_385 : vector<16xf32>
      %swap3A_387 = arith.constant 53 : i32
      %swap3A_388 = arith.index_cast %swap3A_387 : i32 to index
      %swap3A_389 = arith.index_cast %mul3A_106 : i32 to index
      %swap3A_390 = tpu.vector_load %arg10[%swap3A_388, %swap3A_389] {strides = array<i32>} : memref<64x768xf32, #tpu.memory_space<vmem>>, vector<16xf32>,
      tpu.vector_store %arg10[%swap3A_388, %swap3A_389], %add3A_386 {strides = array<i32>} : memref<64x768xf32, #tpu.memory_space<vmem>>, vector<16xf32>,
      %get3A_391 = arith.constant 54 : i32
      %get3A_392 = arith.index_cast %get3A_391 : i32 to index
      %get3A_393 = arith.index_cast %mul3A_106 : i32 to index
      %get3A_394 = tpu.vector_load %arg10[%get3A_392, %get3A_393] {strides = array<i32>} : memref<64x768xf32, #tpu.memory_space<vmem>>, vector<16xf32>,
      %get3A_395 = arith.constant 54 : i32
      %get3A_396 = arith.index_cast %get3A_395 : i32 to index
      %get3A_397 = arith.index_cast %mul3A_106 : i32 to index
      %get3A_398 = tpu.vector_load %arg11[%get3A_396, %get3A_397] {strides = array<i32>} : memref<64x768xf32, #tpu.memory_space<vmem>>, vector<16xf32>,
      %add3A_399 = arith.addf %get3A_394, %get3A_398 : vector<16xf32>
      %swap3A_400 = arith.constant 54 : i32
      %swap3A_401 = arith.index_cast %swap3A_400 : i32 to index
      %swap3A_402 = arith.index_cast %mul3A_106 : i32 to index
      %swap3A_403 = tpu.vector_load %arg10[%swap3A_401, %swap3A_402] {strides = array<i32>} : memref<64x768xf32, #tpu.memory_space<vmem>>, vector<16xf32>,
      tpu.vector_store %arg10[%swap3A_401, %swap3A_402], %add3A_399 {strides = array<i32>} : memref<64x768xf32, #tpu.memory_space<vmem>>, vector<16xf32>,
      %get3A_404 = arith.constant 55 : i32
      %get3A_405 = arith.index_cast %get3A_404 : i32 to index
      %get3A_406 = arith.index_cast %mul3A_106 : i32 to index
      %get3A_407 = tpu.vector_load %arg10[%get3A_405, %get3A_406] {strides = array<i32>} : memref<64x768xf32, #tpu.memory_space<vmem>>, vector<16xf32>,
      %get3A_408 = arith.constant 55 : i32
      %get3A_409 = arith.index_cast %get3A_408 : i32 to index
      %get3A_410 = arith.index_cast %mul3A_106 : i32 to index
      %get3A_411 = tpu.vector_load %arg11[%get3A_409, %get3A_410] {strides = array<i32>} : memref<64x768xf32, #tpu.memory_space<vmem>>, vector<16xf32>,
      %add3A_412 = arith.addf %get3A_407, %get3A_411 : vector<16xf32>
      %swap3A_413 = arith.constant 55 : i32
      %swap3A_414 = arith.index_cast %swap3A_413 : i32 to index
      %swap3A_415 = arith.index_cast %mul3A_106 : i32 to index
      %swap3A_416 = tpu.vector_load %arg10[%swap3A_414, %swap3A_415] {strides = array<i32>} : memref<64x768xf32, #tpu.memory_space<vmem>>, vector<16xf32>,
      tpu.vector_store %arg10[%swap3A_414, %swap3A_415], %add3A_412 {strides = array<i32>} : memref<64x768xf32, #tpu.memory_space<vmem>>, vector<16xf32>,
      %get3A_417 = arith.constant 56 : i32
      %get3A_418 = arith.index_cast %get3A_417 : i32 to index
      %get3A_419 = arith.index_cast %mul3A_106 : i32 to index
      %get3A_420 = tpu.vector_load %arg10[%get3A_418, %get3A_419] {strides = array<i32>} : memref<64x768xf32, #tpu.memory_space<vmem>>, vector<16xf32>,
      %get3A_421 = arith.constant 56 : i32
      %get3A_422 = arith.index_cast %get3A_421 : i32 to index
      %get3A_423 = arith.index_cast %mul3A_106 : i32 to index
      %get3A_424 = tpu.vector_load %arg11[%get3A_422, %get3A_423] {strides = array<i32>} : memref<64x768xf32, #tpu.memory_space<vmem>>, vector<16xf32>,
      %add3A_425 = arith.addf %get3A_420, %get3A_424 : vector<16xf32>
      %swap3A_426 = arith.constant 56 : i32
      %swap3A_427 = arith.index_cast %swap3A_426 : i32 to index
      %swap3A_428 = arith.index_cast %mul3A_106 : i32 to index
      %swap3A_429 = tpu.vector_load %arg10[%swap3A_427, %swap3A_428] {strides = array<i32>} : memref<64x768xf32, #tpu.memory_space<vmem>>, vector<16xf32>,
      tpu.vector_store %arg10[%swap3A_427, %swap3A_428], %add3A_425 {strides = array<i32>} : memref<64x768xf32, #tpu.memory_space<vmem>>, vector<16xf32>,
      %get3A_430 = arith.constant 57 : i32
      %get3A_431 = arith.index_cast %get3A_430 : i32 to index
      %get3A_432 = arith.index_cast %mul3A_106 : i32 to index
      %get3A_433 = tpu.vector_load %arg10[%get3A_431, %get3A_432] {strides = array<i32>} : memref<64x768xf32, #tpu.memory_space<vmem>>, vector<16xf32>,
      %get3A_434 = arith.constant 57 : i32
      %get3A_435 = arith.index_cast %get3A_434 : i32 to index
      %get3A_436 = arith.index_cast %mul3A_106 : i32 to index
      %get3A_437 = tpu.vector_load %arg11[%get3A_435, %get3A_436] {strides = array<i32>} : memref<64x768xf32, #tpu.memory_space<vmem>>, vector<16xf32>,
      %add3A_438 = arith.addf %get3A_433, %get3A_437 : vector<16xf32>
      %swap3A_439 = arith.constant 57 : i32
      %swap3A_440 = arith.index_cast %swap3A_439 : i32 to index
      %swap3A_441 = arith.index_cast %mul3A_106 : i32 to index
      %swap3A_442 = tpu.vector_load %arg10[%swap3A_440, %swap3A_441] {strides = array<i32>} : memref<64x768xf32, #tpu.memory_space<vmem>>, vector<16xf32>,
      tpu.vector_store %arg10[%swap3A_440, %swap3A_441], %add3A_438 {strides = array<i32>} : memref<64x768xf32, #tpu.memory_space<vmem>>, vector<16xf32>,
      %get3A_443 = arith.constant 58 : i32
      %get3A_444 = arith.index_cast %get3A_443 : i32 to index
      %get3A_445 = arith.index_cast %mul3A_106 : i32 to index
      %get3A_446 = tpu.vector_load %arg10[%get3A_444, %get3A_445] {strides = array<i32>} : memref<64x768xf32, #tpu.memory_space<vmem>>, vector<16xf32>,
      %get3A_447 = arith.constant 58 : i32
      %get3A_448 = arith.index_cast %get3A_447 : i32 to index
      %get3A_449 = arith.index_cast %mul3A_106 : i32 to index
      %get3A_450 = tpu.vector_load %arg11[%get3A_448, %get3A_449] {strides = array<i32>} : memref<64x768xf32, #tpu.memory_space<vmem>>, vector<16xf32>,
      %add3A_451 = arith.addf %get3A_446, %get3A_450 : vector<16xf32>
      %swap3A_452 = arith.constant 58 : i32
      %swap3A_453 = arith.index_cast %swap3A_452 : i32 to index
      %swap3A_454 = arith.index_cast %mul3A_106 : i32 to index
      %swap3A_455 = tpu.vector_load %arg10[%swap3A_453, %swap3A_454] {strides = array<i32>} : memref<64x768xf32, #tpu.memory_space<vmem>>, vector<16xf32>,
      tpu.vector_store %arg10[%swap3A_453, %swap3A_454], %add3A_451 {strides = array<i32>} : memref<64x768xf32, #tpu.memory_space<vmem>>, vector<16xf32>,
      %get3A_456 = arith.constant 59 : i32
      %get3A_457 = arith.index_cast %get3A_456 : i32 to index
      %get3A_458 = arith.index_cast %mul3A_106 : i32 to index
      %get3A_459 = tpu.vector_load %arg10[%get3A_457, %get3A_458] {strides = array<i32>} : memref<64x768xf32, #tpu.memory_space<vmem>>, vector<16xf32>,
      %get3A_460 = arith.constant 59 : i32
      %get3A_461 = arith.index_cast %get3A_460 : i32 to index
      %get3A_462 = arith.index_cast %mul3A_106 : i32 to index
      %get3A_463 = tpu.vector_load %arg11[%get3A_461, %get3A_462] {strides = array<i32>} : memref<64x768xf32, #tpu.memory_space<vmem>>, vector<16xf32>,
      %add3A_464 = arith.addf %get3A_459, %get3A_463 : vector<16xf32>
      %swap3A_465 = arith.constant 59 : i32
      %swap3A_466 = arith.index_cast %swap3A_465 : i32 to index
      %swap3A_467 = arith.index_cast %mul3A_106 : i32 to index
      %swap3A_468 = tpu.vector_load %arg10[%swap3A_466, %swap3A_467] {strides = array<i32>} : memref<64x768xf32, #tpu.memory_space<vmem>>, vector<16xf32>,
      tpu.vector_store %arg10[%swap3A_466, %swap3A_467], %add3A_464 {strides = array<i32>} : memref<64x768xf32, #tpu.memory_space<vmem>>, vector<16xf32>,
      %get3A_469 = arith.constant 60 : i32
      %get3A_470 = arith.index_cast %get3A_469 : i32 to index
      %get3A_471 = arith.index_cast %mul3A_106 : i32 to index
      %get3A_472 = tpu.vector_load %arg10[%get3A_470, %get3A_471] {strides = array<i32>} : memref<64x768xf32, #tpu.memory_space<vmem>>, vector<16xf32>,
      %get3A_473 = arith.constant 60 : i32
      %get3A_474 = arith.index_cast %get3A_473 : i32 to index
      %get3A_475 = arith.index_cast %mul3A_106 : i32 to index
      %get3A_476 = tpu.vector_load %arg11[%get3A_474, %get3A_475] {strides = array<i32>} : memref<64x768xf32, #tpu.memory_space<vmem>>, vector<16xf32>,
      %add3A_477 = arith.addf %get3A_472, %get3A_476 : vector<16xf32>
      %swap3A_478 = arith.constant 60 : i32
      %swap3A_479 = arith.index_cast %swap3A_478 : i32 to index
      %swap3A_480 = arith.index_cast %mul3A_106 : i32 to index
      %swap3A_481 = tpu.vector_load %arg10[%swap3A_479, %swap3A_480] {strides = array<i32>} : memref<64x768xf32, #tpu.memory_space<vmem>>, vector<16xf32>,
      tpu.vector_store %arg10[%swap3A_479, %swap3A_480], %add3A_477 {strides = array<i32>} : memref<64x768xf32, #tpu.memory_space<vmem>>, vector<16xf32>,
      %get3A_482 = arith.constant 61 : i32
      %get3A_483 = arith.index_cast %get3A_482 : i32 to index
      %get3A_484 = arith.index_cast %mul3A_106 : i32 to index
      %get3A_485 = tpu.vector_load %arg10[%get3A_483, %get3A_484] {strides = array<i32>} : memref<64x768xf32, #tpu.memory_space<vmem>>, vector<16xf32>,
      %get3A_486 = arith.constant 61 : i32
      %get3A_487 = arith.index_cast %get3A_486 : i32 to index
      %get3A_488 = arith.index_cast %mul3A_106 : i32 to index
      %get3A_489 = tpu.vector_load %arg11[%get3A_487, %get3A_488] {strides = array<i32>} : memref<64x768xf32, #tpu.memory_space<vmem>>, vector<16xf32>,
      %add3A_490 = arith.addf %get3A_485, %get3A_489 : vector<16xf32>
      %swap3A_491 = arith.constant 61 : i32
      %swap3A_492 = arith.index_cast %swap3A_491 : i32 to index
      %swap3A_493 = arith.index_cast %mul3A_106 : i32 to index
      %swap3A_494 = tpu.vector_load %arg10[%swap3A_492, %swap3A_493] {strides = array<i32>} : memref<64x768xf32, #tpu.memory_space<vmem>>, vector<16xf32>,
      tpu.vector_store %arg10[%swap3A_492, %swap3A_493], %add3A_490 {strides = array<i32>} : memref<64x768xf32, #tpu.memory_space<vmem>>, vector<16xf32>,
      %get3A_495 = arith.constant 62 : i32
      %get3A_496 = arith.index_cast %get3A_495 : i32 to index
      %get3A_497 = arith.index_cast %mul3A_106 : i32 to index
      %get3A_498 = tpu.vector_load %arg10[%get3A_496, %get3A_497] {strides = array<i32>} : memref<64x768xf32, #tpu.memory_space<vmem>>, vector<16xf32>,
      %get3A_499 = arith.constant 62 : i32
      %get3A_500 = arith.index_cast %get3A_499 : i32 to index
      %get3A_501 = arith.index_cast %mul3A_106 : i32 to index
      %get3A_502 = tpu.vector_load %arg11[%get3A_500, %get3A_501] {strides = array<i32>} : memref<64x768xf32, #tpu.memory_space<vmem>>, vector<16xf32>,
      %add3A_503 = arith.addf %get3A_498, %get3A_502 : vector<16xf32>
      %swap3A_504 = arith.constant 62 : i32
      %swap3A_505 = arith.index_cast %swap3A_504 : i32 to index
      %swap3A_506 = arith.index_cast %mul3A_106 : i32 to index
      %swap3A_507 = tpu.vector_load %arg10[%swap3A_505, %swap3A_506] {strides = array<i32>} : memref<64x768xf32, #tpu.memory_space<vmem>>, vector<16xf32>,
      tpu.vector_store %arg10[%swap3A_505, %swap3A_506], %add3A_503 {strides = array<i32>} : memref<64x768xf32, #tpu.memory_space<vmem>>, vector<16xf32>,
      %get3A_508 = arith.constant 63 : i32
      %get3A_509 = arith.index_cast %get3A_508 : i32 to index
      %get3A_510 = arith.index_cast %mul3A_106 : i32 to index
      %get3A_511 = tpu.vector_load %arg10[%get3A_509, %get3A_510] {strides = array<i32>} : memref<64x768xf32, #tpu.memory_space<vmem>>, vector<16xf32>,
      %get3A_512 = arith.constant 63 : i32
      %get3A_513 = arith.index_cast %get3A_512 : i32 to index
      %get3A_514 = arith.index_cast %mul3A_106 : i32 to index
      %get3A_515 = tpu.vector_load %arg11[%get3A_513, %get3A_514] {strides = array<i32>} : memref<64x768xf32, #tpu.memory_space<vmem>>, vector<16xf32>,
      %add3A_516 = arith.addf %get3A_511, %get3A_515 : vector<16xf32>
      %swap3A_517 = arith.constant 63 : i32
      %swap3A_518 = arith.index_cast %swap3A_517 : i32 to index
      %swap3A_519 = arith.index_cast %mul3A_106 : i32 to index
      %swap3A_520 = tpu.vector_load %arg10[%swap3A_518, %swap3A_519] {strides = array<i32>} : memref<64x768xf32, #tpu.memory_space<vmem>>, vector<16xf32>,
      tpu.vector_store %arg10[%swap3A_518, %swap3A_519], %add3A_516 {strides = array<i32>} : memref<64x768xf32, #tpu.memory_space<vmem>>, vector<16xf32>,
    }
    %scan3A_71 = arith.constant 48 : i32
    %add3A_72 = arith.constant 32 : i32
    %add3A_73 = arith.addi %mul3A_2, %add3A_72 : i32
    %dma_start3A_74 = arith.constant 32 : i32
    %dma_start3A_75 = arith.constant 0 : i32
    %dma_start3A_76 = tpu.memref_slice %arg10[%dma_start3A_74, %dma_start3A_75] : memref<64x768xf32, #tpu.memory_space<vmem>> -> memref<32x768xf32, #tpu.memory_space<vmem>>
    %dma_start3A_77 = arith.constant 0 : i32
    %dma_start3A_78 = tpu.memref_slice %arg5[%add3A_73, %dma_start3A_77] : memref<2048x768xf32, #tpu.memory_space<hbm>> -> memref<32x768xf32, #tpu.memory_space<hbm>>
    %dma_start3A_79 = arith.constant 0 : i32
    %dma_start3A_80 = tpu.memref_slice %arg5[%add3A_73, %dma_start3A_79] : memref<2048x768xf32, #tpu.memory_space<hbm>> -> memref<32x768xf32, #tpu.memory_space<hbm>>
    %dma_start3A_81 = arith.constant 32 : i32
    %dma_start3A_82 = arith.constant 0 : i32
    %dma_start3A_83 = tpu.memref_slice %arg10[%dma_start3A_81, %dma_start3A_82] : memref<64x768xf32, #tpu.memory_space<vmem>> -> memref<32x768xf32, #tpu.memory_space<vmem>>
    tpu.enqueue_dma source(%dma_start3A_83 : memref<32x768xf32, #tpu.memory_space<vmem>>) target(%dma_start3A_80 : memref<32x768xf32, #tpu.memory_space<hbm>>) target_semaphore(%arg17 : memref<!tpu.dma_semaphore, #tpu.memory_space<semaphore_mem>>)
    %dma_wait3A_84 = arith.constant 0 : i32
    %dma_wait3A_85 = arith.constant 0 : i32
    %dma_wait3A_86 = tpu.memref_slice %arg10[%dma_wait3A_84, %dma_wait3A_85] : memref<64x768xf32, #tpu.memory_space<vmem>> -> memref<32x768xf32, #tpu.memory_space<vmem>>
    %dma_wait3A_87 = arith.constant 0 : i32
    %dma_wait3A_88 = tpu.memref_slice %arg5[%mul3A_2, %dma_wait3A_87] : memref<2048x768xf32, #tpu.memory_space<hbm>> -> memref<32x768xf32, #tpu.memory_space<hbm>>
    %dma_wait3A_89 = arith.constant 0 : i32
    %dma_wait3A_90 = tpu.memref_slice %arg5[%mul3A_2, %dma_wait3A_89] : memref<2048x768xf32, #tpu.memory_space<hbm>> -> memref<32x768xf32, #tpu.memory_space<hbm>>
    %dma_wait3A_91 = arith.constant 0 : i32
    %dma_wait3A_92 = arith.constant 0 : i32
    %dma_wait3A_93 = tpu.memref_slice %arg10[%dma_wait3A_91, %dma_wait3A_92] : memref<64x768xf32, #tpu.memory_space<vmem>> -> memref<32x768xf32, #tpu.memory_space<vmem>>
    tpu.wait_dma2 semaphore(%arg16 : memref<!tpu.dma_semaphore, #tpu.memory_space<semaphore_mem>>) src(%dma_wait3A_93 : memref<32x768xf32, #tpu.memory_space<vmem>>) dst(%dma_wait3A_90 : memref<32x768xf32, #tpu.memory_space<hbm>>)
    %dma_wait3A_94 = arith.constant 32 : i32
    %dma_wait3A_95 = arith.constant 0 : i32
    %dma_wait3A_96 = tpu.memref_slice %arg10[%dma_wait3A_94, %dma_wait3A_95] : memref<64x768xf32, #tpu.memory_space<vmem>> -> memref<32x768xf32, #tpu.memory_space<vmem>>
    %dma_wait3A_97 = arith.constant 0 : i32
    %dma_wait3A_98 = tpu.memref_slice %arg5[%add3A_73, %dma_wait3A_97] : memref<2048x768xf32, #tpu.memory_space<hbm>> -> memref<32x768xf32, #tpu.memory_space<hbm>>
    %dma_wait3A_99 = arith.constant 0 : i32
    %dma_wait3A_100 = tpu.memref_slice %arg5[%add3A_73, %dma_wait3A_99] : memref<2048x768xf32, #tpu.memory_space<hbm>> -> memref<32x768xf32, #tpu.memory_space<hbm>>
    %dma_wait3A_101 = arith.constant 32 : i32
    %dma_wait3A_102 = arith.constant 0 : i32
    %dma_wait3A_103 = tpu.memref_slice %arg10[%dma_wait3A_101, %dma_wait3A_102] : memref<64x768xf32, #tpu.memory_space<vmem>> -> memref<32x768xf32, #tpu.memory_space<vmem>>
    tpu.wait_dma2 semaphore(%arg17 : memref<!tpu.dma_semaphore, #tpu.memory_space<semaphore_mem>>) src(%dma_wait3A_103 : memref<32x768xf32, #tpu.memory_space<vmem>>) dst(%dma_wait3A_100 : memref<32x768xf32, #tpu.memory_space<hbm>>)
    return
  }
}

module attributes {stable_mosaic.version = 14 : i64} {
  func.func @_router_body(%arg0: memref<2048x768xf32, #tpu.memory_space<vmem>>, %arg1: memref<8x768xf32, #tpu.memory_space<vmem>>, %arg2: memref<2048x1xi32, #tpu.memory_space<vmem>>, %arg3: memref<2048x1xi32, #tpu.memory_space<vmem>>, %arg4: memref<2048x1xf32, #tpu.memory_space<vmem>>, %arg5: memref<2048x1xf32, #tpu.memory_space<vmem>>, %arg6: memref<1x8xf32, #tpu.memory_space<vmem>>, %arg7: memref<1x1xf32, #tpu.memory_space<vmem>>, %arg8: memref<1x1xf32, #tpu.memory_space<vmem>>) attributes {dimension_semantics = [], scalar_prefetch = 0 : i64, scratch_operands = 0 : i64, tpu.core_type = #tpu.core_type<tc>} {
    %get3A = arith.constant 0 : index
    %get3A_0 = arith.constant 0 : index
    %get3A_1 = vector.load %arg0[%get3A, %get3A_0] : memref<2048x768xf32, #tpu.memory_space<vmem>>, vector<2048x768xf32>
    %get3A_2 = arith.constant 0 : index
    %get3A_3 = arith.constant 0 : index
    %get3A_4 = vector.load %arg1[%get3A_2, %get3A_3] : memref<8x768xf32, #tpu.memory_space<vmem>>, vector<8x768xf32>
    %dot_general3A = arith.constant dense<0.000000e+00> : vector<2048x8xf32>
    %dot_general3A_5 = tpu.matmul %get3A_1, %get3A_4, %dot_general3A {dimension_numbers = #tpu.dot_dimension_numbers<[1], [1], [0], [0], [0, 0, 1, 0], [], []>, transpose_lhs_hint = false} : vector<2048x768xf32>, vector<8x768xf32>, vector<2048x8xf32> -> vector<2048x8xf32>
    %iota3A = tpu.iota {dimensions = array<i32: 1>} : vector<2048x8xi32>
    %reduce_max3A = arith.constant dense<0xFF800000> : vector<2048xf32>
    %reduce_max3A_6 = vector.multi_reduction <maximumf>, %dot_general3A_5, %reduce_max3A [1] : vector<2048x8xf32> to vector<2048xf32>
    %broadcast_in_dim3A = vector.shape_cast %reduce_max3A_6 : vector<2048xf32> to vector<2048x1xf32>
    %eq3A = vector.broadcast %broadcast_in_dim3A : vector<2048x1xf32> to vector<2048x8xf32>
    %eq3A_7 = arith.cmpf oeq, %dot_general3A_5, %eq3A : vector<2048x8xf32>
    %jit3A = arith.constant 8 : i32
    %broadcast_in_dim3A_8 = vector.broadcast %jit3A : i32 to vector<2048x8xi32>
    %select_n3A = arith.select %eq3A_7, %iota3A, %broadcast_in_dim3A_8 : vector<2048x8xi1>, vector<2048x8xi32>
    %reduce_min3A = arith.constant dense<2147483647> : vector<2048xi32>
    %reduce_min3A_9 = vector.multi_reduction <minsi>, %select_n3A, %reduce_min3A [1] : vector<2048x8xi32> to vector<2048xi32>
    %broadcast_in_dim3A_10 = vector.shape_cast %reduce_min3A_9 : vector<2048xi32> to vector<2048x1xi32>
    %eq3A_11 = vector.broadcast %broadcast_in_dim3A_10 : vector<2048x1xi32> to vector<2048x8xi32>
    %eq3A_12 = arith.cmpi eq, %iota3A, %eq3A_11 : vector<2048x8xi32>
    %jit3A_13 = arith.constant 0xFF800000 : f32
    %broadcast_in_dim3A_14 = vector.broadcast %jit3A_13 : f32 to vector<2048x8xf32>
    %select_n3A_15 = arith.select %eq3A_12, %broadcast_in_dim3A_14, %dot_general3A_5 : vector<2048x8xi1>, vector<2048x8xf32>
    %reduce_max3A_16 = arith.constant dense<0xFF800000> : vector<2048xf32>
    %reduce_max3A_17 = vector.multi_reduction <maximumf>, %select_n3A_15, %reduce_max3A_16 [1] : vector<2048x8xf32> to vector<2048xf32>
    %broadcast_in_dim3A_18 = vector.shape_cast %reduce_max3A_17 : vector<2048xf32> to vector<2048x1xf32>
    %eq3A_19 = vector.broadcast %broadcast_in_dim3A_18 : vector<2048x1xf32> to vector<2048x8xf32>
    %eq3A_20 = arith.cmpf oeq, %select_n3A_15, %eq3A_19 : vector<2048x8xf32>
    %jit3A_21 = arith.constant 8 : i32
    %broadcast_in_dim3A_22 = vector.broadcast %jit3A_21 : i32 to vector<2048x8xi32>
    %select_n3A_23 = arith.select %eq3A_20, %iota3A, %broadcast_in_dim3A_22 : vector<2048x8xi1>, vector<2048x8xi32>
    %reduce_min3A_24 = arith.constant dense<2147483647> : vector<2048xi32>
    %reduce_min3A_25 = vector.multi_reduction <minsi>, %select_n3A_23, %reduce_min3A_24 [1] : vector<2048x8xi32> to vector<2048xi32>
    %broadcast_in_dim3A_26 = vector.shape_cast %reduce_min3A_25 : vector<2048xi32> to vector<2048x1xi32>
    %eq3A_27 = vector.broadcast %broadcast_in_dim3A_26 : vector<2048x1xi32> to vector<2048x8xi32>
    %eq3A_28 = arith.cmpi eq, %iota3A, %eq3A_27 : vector<2048x8xi32>
    %sub3A = arith.subf %broadcast_in_dim3A_18, %broadcast_in_dim3A : vector<2048x1xf32>
    %exp3A = math.exp %sub3A : vector<2048x1xf32>
    %add3A = arith.constant 1.000000e+00 : f32
    %add3A_29 = vector.broadcast %add3A : f32 to vector<2048x1xf32>
    %add3A_30 = arith.addf %add3A_29, %exp3A : vector<2048x1xf32>
    %div3A = arith.constant 1.000000e+00 : f32
    %div3A_31 = vector.broadcast %div3A : f32 to vector<2048x1xf32>
    %div3A_32 = arith.divf %div3A_31, %add3A_30 : vector<2048x1xf32>
    %sub3A_33 = arith.constant 1.000000e+00 : f32
    %sub3A_34 = vector.broadcast %sub3A_33 : f32 to vector<2048x1xf32>
    %sub3A_35 = arith.subf %sub3A_34, %div3A_32 : vector<2048x1xf32>
    %convert_element_type3A = arith.extui %eq3A_12 : vector<2048x8xi1> to vector<2048x8xi32>
    %convert_element_type3A_36 = arith.sitofp %convert_element_type3A : vector<2048x8xi32> to vector<2048x8xf32>
    %convert_element_type3A_37 = arith.extui %eq3A_28 : vector<2048x8xi1> to vector<2048x8xi32>
    %convert_element_type3A_38 = arith.sitofp %convert_element_type3A_37 : vector<2048x8xi32> to vector<2048x8xf32>
    %add3A_39 = arith.addf %convert_element_type3A_36, %convert_element_type3A_38 : vector<2048x8xf32>
    %iota3A_40 = tpu.iota {dimensions = array<i32: 0>} : vector<2048x2048xi32>
    %iota3A_41 = tpu.iota {dimensions = array<i32: 1>} : vector<2048x2048xi32>
    %lt3A = arith.cmpi slt, %iota3A_41, %iota3A_40 : vector<2048x2048xi32>
    %convert_element_type3A_42 = arith.extui %lt3A : vector<2048x2048xi1> to vector<2048x2048xi32>
    %convert_element_type3A_43 = arith.sitofp %convert_element_type3A_42 : vector<2048x2048xi32> to vector<2048x2048xf32>
    %dot_general3A_44 = arith.constant dense<0.000000e+00> : vector<2048x8xf32>
    %dot_general3A_45 = tpu.matmul %convert_element_type3A_43, %add3A_39, %dot_general3A_44 {dimension_numbers = #tpu.dot_dimension_numbers<[1], [0], [0], [1], [0, 0, 1, 1], [], []>, transpose_lhs_hint = false} : vector<2048x2048xf32>, vector<2048x8xf32>, vector<2048x8xf32> -> vector<2048x8xf32>
    %reduce_sum3A = arith.constant dense<0.000000e+00> : vector<8xf32>
    %reduce_sum3A_46 = vector.multi_reduction <add>, %add3A_39, %reduce_sum3A [0] : vector<2048x8xf32> to vector<8xf32>
    %broadcast_in_dim3A_47 = vector.shape_cast %reduce_sum3A_46 : vector<8xf32> to vector<1x8xf32>
    %mul3A = arith.constant 3.906250e-03 : f32
    %mul3A_48 = vector.broadcast %mul3A : f32 to vector<1x8xf32>
    %mul3A_49 = arith.mulf %broadcast_in_dim3A_47, %mul3A_48 : vector<1x8xf32>
    %ceil3A = math.ceil %mul3A_49 : vector<1x8xf32>
    %mul3A_50 = arith.constant 2.560000e+02 : f32
    %mul3A_51 = vector.broadcast %mul3A_50 : f32 to vector<1x8xf32>
    %mul3A_52 = arith.mulf %ceil3A, %mul3A_51 : vector<1x8xf32>
    %iota3A_53 = tpu.iota {dimensions = array<i32: 0>} : vector<8x8xi32>
    %iota3A_54 = tpu.iota {dimensions = array<i32: 1>} : vector<8x8xi32>
    %lt3A_55 = arith.cmpi slt, %iota3A_53, %iota3A_54 : vector<8x8xi32>
    %convert_element_type3A_56 = arith.extui %lt3A_55 : vector<8x8xi1> to vector<8x8xi32>
    %convert_element_type3A_57 = arith.sitofp %convert_element_type3A_56 : vector<8x8xi32> to vector<8x8xf32>
    %dot_general3A_58 = arith.constant dense<0.000000e+00> : vector<1x8xf32>
    %dot_general3A_59 = tpu.matmul %mul3A_52, %convert_element_type3A_57, %dot_general3A_58 {dimension_numbers = #tpu.dot_dimension_numbers<[1], [0], [0], [1], [0, 0, 1, 1], [], []>, transpose_lhs_hint = false} : vector<1x8xf32>, vector<8x8xf32>, vector<1x8xf32> -> vector<1x8xf32>
    %convert_element_type3A_60 = arith.extui %eq3A_12 : vector<2048x8xi1> to vector<2048x8xi32>
    %convert_element_type3A_61 = arith.sitofp %convert_element_type3A_60 : vector<2048x8xi32> to vector<2048x8xf32>
    %mul3A_62 = vector.broadcast %dot_general3A_59 : vector<1x8xf32> to vector<2048x8xf32>
    %mul3A_63 = arith.mulf %mul3A_62, %convert_element_type3A_61 : vector<2048x8xf32>
    %reduce_sum3A_64 = arith.constant dense<0.000000e+00> : vector<2048xf32>
    %reduce_sum3A_65 = vector.multi_reduction <add>, %mul3A_63, %reduce_sum3A_64 [1] : vector<2048x8xf32> to vector<2048xf32>
    %broadcast_in_dim3A_66 = vector.shape_cast %reduce_sum3A_65 : vector<2048xf32> to vector<2048x1xf32>
    %convert_element_type3A_67 = arith.extui %eq3A_28 : vector<2048x8xi1> to vector<2048x8xi32>
    %convert_element_type3A_68 = arith.sitofp %convert_element_type3A_67 : vector<2048x8xi32> to vector<2048x8xf32>
    %mul3A_69 = vector.broadcast %dot_general3A_59 : vector<1x8xf32> to vector<2048x8xf32>
    %mul3A_70 = arith.mulf %mul3A_69, %convert_element_type3A_68 : vector<2048x8xf32>
    %reduce_sum3A_71 = arith.constant dense<0.000000e+00> : vector<2048xf32>
    %reduce_sum3A_72 = vector.multi_reduction <add>, %mul3A_70, %reduce_sum3A_71 [1] : vector<2048x8xf32> to vector<2048xf32>
    %broadcast_in_dim3A_73 = vector.shape_cast %reduce_sum3A_72 : vector<2048xf32> to vector<2048x1xf32>
    %convert_element_type3A_74 = arith.extui %eq3A_12 : vector<2048x8xi1> to vector<2048x8xi32>
    %convert_element_type3A_75 = arith.sitofp %convert_element_type3A_74 : vector<2048x8xi32> to vector<2048x8xf32>
    %mul3A_76 = arith.mulf %dot_general3A_45, %convert_element_type3A_75 : vector<2048x8xf32>
    %reduce_sum3A_77 = arith.constant dense<0.000000e+00> : vector<2048xf32>
    %reduce_sum3A_78 = vector.multi_reduction <add>, %mul3A_76, %reduce_sum3A_77 [1] : vector<2048x8xf32> to vector<2048xf32>
    %broadcast_in_dim3A_79 = vector.shape_cast %reduce_sum3A_78 : vector<2048xf32> to vector<2048x1xf32>
    %convert_element_type3A_80 = arith.extui %eq3A_28 : vector<2048x8xi1> to vector<2048x8xi32>
    %convert_element_type3A_81 = arith.sitofp %convert_element_type3A_80 : vector<2048x8xi32> to vector<2048x8xf32>
    %mul3A_82 = arith.mulf %dot_general3A_45, %convert_element_type3A_81 : vector<2048x8xf32>
    %reduce_sum3A_83 = arith.constant dense<0.000000e+00> : vector<2048xf32>
    %reduce_sum3A_84 = vector.multi_reduction <add>, %mul3A_82, %reduce_sum3A_83 [1] : vector<2048x8xf32> to vector<2048xf32>
    %broadcast_in_dim3A_85 = vector.shape_cast %reduce_sum3A_84 : vector<2048xf32> to vector<2048x1xf32>
    %add3A_86 = arith.addf %broadcast_in_dim3A_66, %broadcast_in_dim3A_79 : vector<2048x1xf32>
    %convert_element_type3A_87 = arith.fptosi %add3A_86 : vector<2048x1xf32> to vector<2048x1xi32>
    %add3A_88 = arith.addf %broadcast_in_dim3A_73, %broadcast_in_dim3A_85 : vector<2048x1xf32>
    %convert_element_type3A_89 = arith.fptosi %add3A_88 : vector<2048x1xf32> to vector<2048x1xi32>
    %swap3A = arith.constant 0 : index
    %swap3A_90 = arith.constant 0 : index
    %swap3A_91 = vector.load %arg2[%swap3A, %swap3A_90] : memref<2048x1xi32, #tpu.memory_space<vmem>>, vector<2048x1xi32>
    tpu.vector_store %arg2[%swap3A, %swap3A_90], %convert_element_type3A_87 {strides = array<i32>} : memref<2048x1xi32, #tpu.memory_space<vmem>>, vector<2048x1xi32>,
    %swap3A_92 = arith.constant 0 : index
    %swap3A_93 = arith.constant 0 : index
    %swap3A_94 = vector.load %arg3[%swap3A_92, %swap3A_93] : memref<2048x1xi32, #tpu.memory_space<vmem>>, vector<2048x1xi32>
    tpu.vector_store %arg3[%swap3A_92, %swap3A_93], %convert_element_type3A_89 {strides = array<i32>} : memref<2048x1xi32, #tpu.memory_space<vmem>>, vector<2048x1xi32>,
    %swap3A_95 = arith.constant 0 : index
    %swap3A_96 = arith.constant 0 : index
    %swap3A_97 = vector.load %arg4[%swap3A_95, %swap3A_96] : memref<2048x1xf32, #tpu.memory_space<vmem>>, vector<2048x1xf32>
    tpu.vector_store %arg4[%swap3A_95, %swap3A_96], %div3A_32 {strides = array<i32>} : memref<2048x1xf32, #tpu.memory_space<vmem>>, vector<2048x1xf32>,
    %swap3A_98 = arith.constant 0 : index
    %swap3A_99 = arith.constant 0 : index
    %swap3A_100 = vector.load %arg5[%swap3A_98, %swap3A_99] : memref<2048x1xf32, #tpu.memory_space<vmem>>, vector<2048x1xf32>
    tpu.vector_store %arg5[%swap3A_98, %swap3A_99], %sub3A_35 {strides = array<i32>} : memref<2048x1xf32, #tpu.memory_space<vmem>>, vector<2048x1xf32>,
    %swap3A_101 = arith.constant 0 : index
    %swap3A_102 = arith.constant 0 : index
    %swap3A_103 = vector.load %arg6[%swap3A_101, %swap3A_102] : memref<1x8xf32, #tpu.memory_space<vmem>>, vector<1x8xf32>
    tpu.vector_store %arg6[%swap3A_101, %swap3A_102], %broadcast_in_dim3A_47 {strides = array<i32>} : memref<1x8xf32, #tpu.memory_space<vmem>>, vector<1x8xf32>,
    %sub3A_104 = vector.broadcast %broadcast_in_dim3A : vector<2048x1xf32> to vector<2048x8xf32>
    %sub3A_105 = arith.subf %dot_general3A_5, %sub3A_104 : vector<2048x8xf32>
    %exp3A_106 = math.exp %sub3A_105 : vector<2048x8xf32>
    %reduce_sum3A_107 = arith.constant dense<0.000000e+00> : vector<2048xf32>
    %reduce_sum3A_108 = vector.multi_reduction <add>, %exp3A_106, %reduce_sum3A_107 [1] : vector<2048x8xf32> to vector<2048xf32>
    %broadcast_in_dim3A_109 = vector.shape_cast %reduce_sum3A_108 : vector<2048xf32> to vector<2048x1xf32>
    %div3A_110 = vector.broadcast %broadcast_in_dim3A_109 : vector<2048x1xf32> to vector<2048x8xf32>
    %div3A_111 = arith.divf %exp3A_106, %div3A_110 : vector<2048x8xf32>
    %reduce_sum3A_112 = arith.constant dense<0.000000e+00> : vector<8xf32>
    %reduce_sum3A_113 = vector.multi_reduction <add>, %div3A_111, %reduce_sum3A_112 [0] : vector<2048x8xf32> to vector<8xf32>
    %broadcast_in_dim3A_114 = vector.shape_cast %reduce_sum3A_113 : vector<8xf32> to vector<1x8xf32>
    %div3A_115 = arith.constant 2.048000e+03 : f32
    %div3A_116 = vector.broadcast %div3A_115 : f32 to vector<1x8xf32>
    %div3A_117 = arith.divf %broadcast_in_dim3A_114, %div3A_116 : vector<1x8xf32>
    %convert_element_type3A_118 = arith.extui %eq3A_12 : vector<2048x8xi1> to vector<2048x8xi32>
    %convert_element_type3A_119 = arith.sitofp %convert_element_type3A_118 : vector<2048x8xi32> to vector<2048x8xf32>
    %reduce_sum3A_120 = arith.constant dense<0.000000e+00> : vector<8xf32>
    %reduce_sum3A_121 = vector.multi_reduction <add>, %convert_element_type3A_119, %reduce_sum3A_120 [0] : vector<2048x8xf32> to vector<8xf32>
    %broadcast_in_dim3A_122 = vector.shape_cast %reduce_sum3A_121 : vector<8xf32> to vector<1x8xf32>
    %div3A_123 = arith.constant 2.048000e+03 : f32
    %div3A_124 = vector.broadcast %div3A_123 : f32 to vector<1x8xf32>
    %div3A_125 = arith.divf %broadcast_in_dim3A_122, %div3A_124 : vector<1x8xf32>
    %mul3A_126 = arith.mulf %div3A_117, %div3A_125 : vector<1x8xf32>
    %reduce_sum3A_127 = vector.shape_cast %mul3A_126 : vector<1x8xf32> to vector<1x1x8xf32>
    %reduce_sum3A_128 = arith.constant dense<0.000000e+00> : vector<1xf32>
    %reduce_sum3A_129 = vector.multi_reduction <add>, %reduce_sum3A_127, %reduce_sum3A_128 [1, 2] : vector<1x1x8xf32> to vector<1xf32>
    %reduce_sum3A_130 = vector.shape_cast %reduce_sum3A_129 : vector<1xf32> to vector<1x1x1xf32>
    %reduce_sum3A_131 = vector.extract %reduce_sum3A_130[0, 0, 0] : f32 from vector<1x1x1xf32>
    %broadcast_in_dim3A_132 = vector.broadcast %reduce_sum3A_131 : f32 to vector<1x1xf32>
    %mul3A_133 = arith.constant 8.000000e-02 : f32
    %mul3A_134 = vector.broadcast %mul3A_133 : f32 to vector<1x1xf32>
    %mul3A_135 = arith.mulf %mul3A_134, %broadcast_in_dim3A_132 : vector<1x1xf32>
    %swap3A_136 = arith.constant 0 : index
    %swap3A_137 = arith.constant 0 : index
    %swap3A_138 = vector.load %arg7[%swap3A_136, %swap3A_137] : memref<1x1xf32, #tpu.memory_space<vmem>>, vector<1x1xf32>
    tpu.vector_store %arg7[%swap3A_136, %swap3A_137], %mul3A_135 {strides = array<i32>} : memref<1x1xf32, #tpu.memory_space<vmem>>, vector<1x1xf32>,
    %mul3A_139 = arith.mulf %dot_general3A_5, %dot_general3A_5 : vector<2048x8xf32>
    %reduce_sum3A_140 = vector.shape_cast %mul3A_139 : vector<2048x8xf32> to vector<1x2048x8xf32>
    %reduce_sum3A_141 = arith.constant dense<0.000000e+00> : vector<1xf32>
    %reduce_sum3A_142 = vector.multi_reduction <add>, %reduce_sum3A_140, %reduce_sum3A_141 [1, 2] : vector<1x2048x8xf32> to vector<1xf32>
    %reduce_sum3A_143 = vector.shape_cast %reduce_sum3A_142 : vector<1xf32> to vector<1x1x1xf32>
    %reduce_sum3A_144 = vector.extract %reduce_sum3A_143[0, 0, 0] : f32 from vector<1x1x1xf32>
    %broadcast_in_dim3A_145 = vector.broadcast %reduce_sum3A_144 : f32 to vector<1x1xf32>
    %div3A_146 = arith.constant 1.638400e+04 : f32
    %div3A_147 = vector.broadcast %div3A_146 : f32 to vector<1x1xf32>
    %div3A_148 = arith.divf %broadcast_in_dim3A_145, %div3A_147 : vector<1x1xf32>
    %mul3A_149 = arith.constant 1.000000e-03 : f32
    %mul3A_150 = vector.broadcast %mul3A_149 : f32 to vector<1x1xf32>
    %mul3A_151 = arith.mulf %mul3A_150, %div3A_148 : vector<1x1xf32>
    %swap3A_152 = arith.constant 0 : index
    %swap3A_153 = arith.constant 0 : index
    %swap3A_154 = vector.load %arg8[%swap3A_152, %swap3A_153] : memref<1x1xf32, #tpu.memory_space<vmem>>, vector<1x1xf32>
    tpu.vector_store %arg8[%swap3A_152, %swap3A_153], %mul3A_151 {strides = array<i32>} : memref<1x1xf32, #tpu.memory_space<vmem>>, vector<1x1xf32>,
    return
  }
}

module attributes {stable_mosaic.version = 14 : i64} {
  func.func @_ffn_body(%arg0: i32, %arg1: i32, %arg2: memref<23xi32, #tpu.memory_space<smem>>, %arg3: memref<23xi32, #tpu.memory_space<smem>>, %arg4: memref<256x768xf32, #tpu.memory_space<vmem>>, %arg5: memref<1x768x3072xf32, #tpu.memory_space<vmem>>, %arg6: memref<1x768x3072xf32, #tpu.memory_space<vmem>>, %arg7: memref<1x3072x768xf32, #tpu.memory_space<vmem>>, %arg8: memref<256x1xf32, #tpu.memory_space<vmem>>, %arg9: memref<256x768xf32, #tpu.memory_space<vmem>>) attributes {dimension_semantics = [#tpu.dimension_semantics<arbitrary>, #tpu.dimension_semantics<arbitrary>], iteration_bounds = array<i64: 23, 1>, scalar_prefetch = 2 : i64, scratch_operands = 0 : i64, tpu.core_type = #tpu.core_type<tc>, window_params = [{transform_indices = @transform_0, window_bounds = array<i64: 256, 768>}, {transform_indices = @transform_1, window_bounds = array<i64: 1, 768, 3072>}, {transform_indices = @transform_2, window_bounds = array<i64: 1, 768, 3072>}, {transform_indices = @transform_3, window_bounds = array<i64: 1, 3072, 768>}, {transform_indices = @transform_4, window_bounds = array<i64: 256, 1>}, {transform_indices = @transform_5, window_bounds = array<i64: 256, 768>}]} {
    %get3A = arith.index_cast %arg0 : i32 to index
    %get3A_0 = memref.load %arg3[%get3A] : memref<23xi32, #tpu.memory_space<smem>>
    %gt3A = arith.constant 0 : i32
    %gt3A_1 = arith.cmpi sgt, %get3A_0, %gt3A : i32
    %convert_element_type3A = arith.extui %gt3A_1 : i1 to i32
    %cond3A = arith.constant 0 : i32
    %cond3A_2 = arith.cmpi ne, %convert_element_type3A, %cond3A : i32
    scf.if %cond3A_2 {
      %get3A_3 = arith.constant 0 : index
      %get3A_4 = arith.constant 0 : index
      %get3A_5 = vector.load %arg4[%get3A_3, %get3A_4] : memref<256x768xf32, #tpu.memory_space<vmem>>, vector<256x768xf32>
      %get3A_6 = arith.constant 0 : index
      %get3A_7 = arith.constant 0 : index
      %get3A_8 = arith.constant 0 : index
      %get3A_9 = vector.load %arg5[%get3A_6, %get3A_7, %get3A_8] : memref<1x768x3072xf32, #tpu.memory_space<vmem>>, vector<1x768x3072xf32>
      %get3A_10 = vector.shape_cast %get3A_9 : vector<1x768x3072xf32> to vector<768x3072xf32>
      %dot_general3A = arith.constant dense<0.000000e+00> : vector<256x3072xf32>
      %dot_general3A_11 = tpu.matmul %get3A_5, %get3A_10, %dot_general3A {dimension_numbers = #tpu.dot_dimension_numbers<[1], [0], [0], [1], [0, 0, 1, 1], [], []>, transpose_lhs_hint = false} : vector<256x768xf32>, vector<768x3072xf32>, vector<256x3072xf32> -> vector<256x3072xf32>
      %get3A_12 = arith.constant 0 : index
      %get3A_13 = arith.constant 0 : index
      %get3A_14 = arith.constant 0 : index
      %get3A_15 = vector.load %arg6[%get3A_12, %get3A_13, %get3A_14] : memref<1x768x3072xf32, #tpu.memory_space<vmem>>, vector<1x768x3072xf32>
      %get3A_16 = vector.shape_cast %get3A_15 : vector<1x768x3072xf32> to vector<768x3072xf32>
      %dot_general3A_17 = arith.constant dense<0.000000e+00> : vector<256x3072xf32>
      %dot_general3A_18 = tpu.matmul %get3A_5, %get3A_16, %dot_general3A_17 {dimension_numbers = #tpu.dot_dimension_numbers<[1], [0], [0], [1], [0, 0, 1, 1], [], []>, transpose_lhs_hint = false} : vector<256x768xf32>, vector<768x3072xf32>, vector<256x3072xf32> -> vector<256x3072xf32>
      %logistic3A = arith.negf %dot_general3A_11 : vector<256x3072xf32>
      %logistic3A_19 = math.exp %logistic3A : vector<256x3072xf32>
      %logistic3A_20 = arith.constant 1.000000e+00 : f32
      %logistic3A_21 = vector.broadcast %logistic3A_20 : f32 to vector<256x3072xf32>
      %logistic3A_22 = arith.addf %logistic3A_21, %logistic3A_19 : vector<256x3072xf32>
      %logistic3A_23 = arith.divf %logistic3A_21, %logistic3A_22 : vector<256x3072xf32>
      %mul3A = arith.mulf %dot_general3A_11, %logistic3A_23 : vector<256x3072xf32>
      %mul3A_24 = arith.mulf %mul3A, %dot_general3A_18 : vector<256x3072xf32>
      %get3A_25 = arith.constant 0 : index
      %get3A_26 = arith.constant 0 : index
      %get3A_27 = arith.constant 0 : index
      %get3A_28 = vector.load %arg7[%get3A_25, %get3A_26, %get3A_27] : memref<1x3072x768xf32, #tpu.memory_space<vmem>>, vector<1x3072x768xf32>
      %get3A_29 = vector.shape_cast %get3A_28 : vector<1x3072x768xf32> to vector<3072x768xf32>
      %dot_general3A_30 = arith.constant dense<0.000000e+00> : vector<256x768xf32>
      %dot_general3A_31 = tpu.matmul %mul3A_24, %get3A_29, %dot_general3A_30 {dimension_numbers = #tpu.dot_dimension_numbers<[1], [0], [0], [1], [0, 0, 1, 1], [], []>, transpose_lhs_hint = false} : vector<256x3072xf32>, vector<3072x768xf32>, vector<256x768xf32> -> vector<256x768xf32>
      %get3A_32 = arith.constant 0 : index
      %get3A_33 = arith.constant 0 : index
      %get3A_34 = vector.load %arg8[%get3A_32, %get3A_33] : memref<256x1xf32, #tpu.memory_space<vmem>>, vector<256x1xf32>
      %mul3A_35 = vector.broadcast %get3A_34 : vector<256x1xf32> to vector<256x768xf32>
      %mul3A_36 = arith.mulf %dot_general3A_31, %mul3A_35 : vector<256x768xf32>
      %eq3A = arith.constant 0 : i32
      %eq3A_37 = arith.cmpi eq, %arg1, %eq3A : i32
      %convert_element_type3A_38 = arith.extui %eq3A_37 : i1 to i32
      %cond3A_39 = arith.constant 0 : i32
      %cond3A_40 = arith.cmpi ne, %convert_element_type3A_38, %cond3A_39 : i32
      scf.if %cond3A_40 {
        %swap3A = arith.constant 0 : index
        %swap3A_46 = arith.constant 0 : index
        %swap3A_47 = vector.load %arg9[%swap3A, %swap3A_46] : memref<256x768xf32, #tpu.memory_space<vmem>>, vector<256x768xf32>
        tpu.vector_store %arg9[%swap3A, %swap3A_46], %mul3A_36 {strides = array<i32>} : memref<256x768xf32, #tpu.memory_space<vmem>>, vector<256x768xf32>,
      } else {
      }
      %gt3A_41 = arith.constant 0 : i32
      %gt3A_42 = arith.cmpi sgt, %arg1, %gt3A_41 : i32
      %convert_element_type3A_43 = arith.extui %gt3A_42 : i1 to i32
      %cond3A_44 = arith.constant 0 : i32
      %cond3A_45 = arith.cmpi ne, %convert_element_type3A_43, %cond3A_44 : i32
      scf.if %cond3A_45 {
        %get3A_46 = arith.constant 0 : index
        %get3A_47 = arith.constant 0 : index
        %get3A_48 = vector.load %arg9[%get3A_46, %get3A_47] : memref<256x768xf32, #tpu.memory_space<vmem>>, vector<256x768xf32>
        %add3A = arith.addf %get3A_48, %mul3A_36 : vector<256x768xf32>
        %swap3A = arith.constant 0 : index
        %swap3A_49 = arith.constant 0 : index
        %swap3A_50 = vector.load %arg9[%swap3A, %swap3A_49] : memref<256x768xf32, #tpu.memory_space<vmem>>, vector<256x768xf32>
        tpu.vector_store %arg9[%swap3A, %swap3A_49], %add3A {strides = array<i32>} : memref<256x768xf32, #tpu.memory_space<vmem>>, vector<256x768xf32>,
      } else {
      }
    } else {
    }
    return
  }
  func.func @transform_0(%arg0: i32, %arg1: i32, %arg2: memref<23xi32, #tpu.memory_space<smem>>, %arg3: memref<23xi32, #tpu.memory_space<smem>>) -> (i32, i32) {
    %c0_i32 = arith.constant 0 : i32
    %c0_i32_0 = arith.constant 0 : i32
    return %arg0, %c0_i32 : i32, i32
  }
  func.func @transform_1(%arg0: i32, %arg1: i32, %arg2: memref<23xi32, #tpu.memory_space<smem>>, %arg3: memref<23xi32, #tpu.memory_space<smem>>) -> (i32, i32, i32) {
    %get3A = arith.index_cast %arg0 : i32 to index
    %get3A_0 = memref.load %arg2[%get3A] : memref<23xi32, #tpu.memory_space<smem>>
    %c0_i32 = arith.constant 0 : i32
    %c0_i32_1 = arith.constant 0 : i32
    return %get3A_0, %c0_i32, %arg1 : i32, i32, i32
  }
  func.func @transform_2(%arg0: i32, %arg1: i32, %arg2: memref<23xi32, #tpu.memory_space<smem>>, %arg3: memref<23xi32, #tpu.memory_space<smem>>) -> (i32, i32, i32) {
    %get3A = arith.index_cast %arg0 : i32 to index
    %get3A_0 = memref.load %arg2[%get3A] : memref<23xi32, #tpu.memory_space<smem>>
    %c0_i32 = arith.constant 0 : i32
    %c0_i32_1 = arith.constant 0 : i32
    return %get3A_0, %c0_i32, %arg1 : i32, i32, i32
  }
  func.func @transform_3(%arg0: i32, %arg1: i32, %arg2: memref<23xi32, #tpu.memory_space<smem>>, %arg3: memref<23xi32, #tpu.memory_space<smem>>) -> (i32, i32, i32) {
    %get3A = arith.index_cast %arg0 : i32 to index
    %get3A_0 = memref.load %arg2[%get3A] : memref<23xi32, #tpu.memory_space<smem>>
    %c0_i32 = arith.constant 0 : i32
    %c0_i32_1 = arith.constant 0 : i32
    return %get3A_0, %arg1, %c0_i32 : i32, i32, i32
  }
  func.func @transform_4(%arg0: i32, %arg1: i32, %arg2: memref<23xi32, #tpu.memory_space<smem>>, %arg3: memref<23xi32, #tpu.memory_space<smem>>) -> (i32, i32) {
    %c0_i32 = arith.constant 0 : i32
    %c0_i32_0 = arith.constant 0 : i32
    return %arg0, %c0_i32 : i32, i32
  }
  func.func @transform_5(%arg0: i32, %arg1: i32, %arg2: memref<23xi32, #tpu.memory_space<smem>>, %arg3: memref<23xi32, #tpu.memory_space<smem>>) -> (i32, i32) {
    %c0_i32 = arith.constant 0 : i32
    %c0_i32_0 = arith.constant 0 : i32
    return %arg0, %c0_i32 : i32, i32
  }
}

</mosaic_0001>

<sc_bundles>
// kernel: kernel.6.cloned.1.call-start
scs
__scs_entry_jumppad:
0x0: {  	(pc) =	sbr.rel $0x88, $3  }
0x1: {  	(tag) =	ssettag $0x0;
	lr =	simm.s32 $0x1  }
0x2: {  	[smem:$0x3F9C] =	sst lr;
	_ =	strace $0xD0000000  }
0x3: {  	_ = 	snop  }
0x4: {  	_ = 	snop  }
0x5: {  	_ = 	snop  }
0x6: {  	_ = 	snop  }
0x7: {  	_ = 	snop  }
__scs_overlays_trampoline_lowered:
0x8: {  	[smem:$0x3FAB] =	sst s0  }
0x9: {  	[smem:$0x3FAC] =	sst s1  }
0xa: {  	[smem:$0x3FAD] =	sst s2  }
0xb: {  	[smem:$0x3FAE] =	sst s3  }
0xc: {  	[smem:$0x3FAF] =	sst s4  }
0xd: {  	[smem:$0x3FB0] =	sst s5  }
0xe: {  	[smem:$0x3FB1] =	sst s6  }
0xf: {  	[smem:$0x3FB2] =	sst s7  }
0x10: {  	[smem:$0x3FB3] =	sst s8  }
0x11: {  	[smem:$0x3FB4] =	sst s9;
	s0 =	simm.s32 @!p0 $0x0  }
0x12: {  	s1 =	sld [smem:$0x3F9A];
	s0 =	simm.s32 @p0 $0x1  }
0x13: {  	[smem:$0x3FB5] =	sst s0;
	s0 =	simm.s32 @!p1 $0x0  }
0x14: {  	s2 =	sld [smem:$0x3F99];
	s0 =	simm.s32 @p1 $0x1  }
0x15: {  	[smem:$0x3FB6] =	sst s0;
	s0 =	simm.s32 @!p2 $0x0  }
0x16: {  	s3 =	sld [smem:$0x3FDB];
	s0 =	simm.s32 @p2 $0x1  }
0x17: {  	s4 =	simm.s32 $0x1BF5;
	[smem:$0x3FB8] =	sst s0  }
0x18: {  	s0 =	sld [smem:$0x3F9B];
	_ =	swait.ge [sflag:s4], $0x0  }
0x19: {  	s7 =	sld [smem:$0x3F9C]  }
0x1a: {  	s8 =	sadd.s32 $0xFFFFE003, lr  }
0x1b: {  	s9 =	sadd.s32 $0xFFFFFEF7, lr;
	s5 =	simm.s32 $0xFFFFFFFF;
	p2 =	slt.u32 s8, $0xFFFFF086  }
0x1c: {  	p1 =	slt.u32 s9, $0xF7A;
	s5 =	simm.s32 @!p2 $0x0  }
0x1d: {  	s5 =	simm.s32 @p1 $0x1;
	p0 =	seq.s32 s7, s2  }
0x1e: {  	s7 =	smul.u32 @!p0 $0xF7A, s2;
	p2 =	seq.s32 @!p0 s5, $0x0  }
0x1f: {  	s9 =	smul.u32 $0xF7A, s1;
	s8 =	simm.s32 @!p0 $0x1BF5;
	p2 =	por !p2, p0  }
0x20: {  	[sflag:s8] =	ssyncset.s32 @!p0 $0xFFFFF086;
	s6 =	sadd.s32 @!p0 s3, s7;
	s7 =	simm.s32 @!p0 $0x108  }
0x21: {  	s3 =	sadd.s32 s3, s9;
	s6 =	sadd.s32 @!p0 $0x88, s6;
	s7 =	simm.s32 @p2 $0x1082  }
0x22: {  	[simem:s7], [sflag:s8] =	dma.local @!p0 [hbm:s6], $0xF7A  }
0x23: {  	s9 =	sor.u32 $0xD0000000, s2;
	s6 =	simm.s32 $0x108;
	_ =	swait.ge @!p0 [sflag:s8], $0x0  }
0x24: {  	s3 =	sadd.s32 $0x88, s3;
	s6 =	simm.s32 @!p1 $0x1082;
	[sflag:s4] =	ssyncset.s32 $0xFFFFF086  }
0x25: {  	[simem:s6], [sflag:s4] =	dma.local [hbm:s3], $0xF7A  }
0x26: {  	[smem:$0x3F9C] =	sst s1;
	(tag) =	ssettag s2;
	_ =	strace s9  }
0x27: {  	s1 =	sld [smem:$0x3FAC]  }
0x28: {  	s2 =	sld [smem:$0x3FAD]  }
0x29: {  	s4 =	sld [smem:$0x3FAF]  }
0x2a: {  	p0 =	seq.s32 s5, $0x0;
	s5 =	sld [smem:$0x3FB0]  }
0x2b: {  	s6 =	sld [smem:$0x3FB1]  }
0x2c: {  	s7 =	sld [smem:$0x3FB2]  }
0x2d: {  	s3 =	simm.s32 $0x108;
	s8 =	sld [smem:$0x3FB3]  }
0x2e: {  	s3 =	simm.s32 @!p0 $0x1082;
	s9 =	sld [smem:$0x3FB4]  }
0x2f: {  	lr =	sadd.s32 s0, s3;
	s0 =	sld [smem:$0x3FAB]  }
0x30: {  	s3 =	sld [smem:$0x3FAE]  }
0x31: {  	[smem:$0x3FB7] =	sst s10  }
0x32: {  	s10 =	sld [smem:$0x3FB5];
	_ =	sdelay $0x3  }
0x33: {  	p0 =	seq.s32 s10, $0x1;
	s10 =	sld [smem:$0x3FB7];
	_ =	sdelay $0x3  }
0x34: {  	[smem:$0x3FB7] =	sst s10  }
0x35: {  	s10 =	sld [smem:$0x3FB6];
	_ =	sdelay $0x3  }
0x36: {  	p1 =	seq.s32 s10, $0x1;
	s10 =	sld [smem:$0x3FB7];
	_ =	sdelay $0x3  }
0x37: {  	[smem:$0x3FB7] =	sst s10  }
0x38: {  	s10 =	sld [smem:$0x3FB8]  }
0x39: {  	_ = 	snop;
	(pc) =	sbr.ind lr, $3  }
0x3a: {  	_ = 	snop  }
0x3b: {  	_ = 	snop  }
0x3c: {  	p2 =	seq.s32 s10, $0x1;
	s10 =	sld [smem:$0x3FB7]  }
0x3d: {  	_ =	shalt  }
0x3e: {  	_ =	shalt  }
0x3f: {  	_ =	shalt  }
0x40: {  	_ =	shalt  }
0x41: {  	_ =	shalt  }
0x42: {  	_ =	shalt  }
0x43: {  	_ =	shalt  }
0x44: {  	_ =	shalt  }
0x45: {  	_ =	shalt  }
0x46: {  	_ =	shalt  }
0x47: {  	_ =	shalt  }
0x48: {  	_ =	shalt  }
0x49: {  	_ =	shalt  }
0x4a: {  	_ =	shalt  }
0x4b: {  	_ =	shalt  }
0x4c: {  	_ =	shalt  }
0x4d: {  	_ =	shalt  }
0x4e: {  	_ =	shalt  }
0x4f: {  	_ =	shalt  }
0x50: {  	_ =	shalt  }
0x51: {  	_ =	shalt  }
0x52: {  	_ =	shalt  }
0x53: {  	_ =	shalt  }
0x54: {  	_ =	shalt  }
0x55: {  	_ =	shalt  }
0x56: {  	_ =	shalt  }
0x57: {  	_ =	shalt  }
0x58: {  	_ =	shalt  }
0x59: {  	_ =	shalt  }
0x5a: {  	_ =	shalt  }
0x5b: {  	_ =	shalt  }
0x5c: {  	_ =	shalt  }
0x5d: {  	_ =	shalt  }
0x5e: {  	_ =	shalt  }
0x5f: {  	_ =	shalt  }
0x60: {  	_ =	shalt  }
0x61: {  	_ =	shalt  }
0x62: {  	_ =	shalt  }
0x63: {  	_ =	shalt  }
0x64: {  	_ =	shalt  }
0x65: {  	_ =	shalt  }
0x66: {  	_ =	shalt  }
0x67: {  	_ =	shalt  }
0x68: {  	_ =	shalt  }
0x69: {  	_ =	shalt  }
0x6a: {  	_ =	shalt  }
0x6b: {  	_ =	shalt  }
0x6c: {  	_ =	shalt  }
0x6d: {  	_ =	shalt  }
0x6e: {  	_ =	shalt  }
0x6f: {  	_ =	shalt  }
0x70: {  	_ =	shalt  }
0x71: {  	_ =	shalt  }
0x72: {  	_ =	shalt  }
0x73: {  	_ =	shalt  }
0x74: {  	_ =	shalt  }
0x75: {  	_ =	shalt  }
0x76: {  	_ =	shalt  }
0x77: {  	_ =	shalt  }
0x78: {  	_ =	shalt  }
0x79: {  	_ =	shalt  }
0x7a: {  	_ =	shalt  }
0x7b: {  	_ =	shalt  }
0x7c: {  	_ =	shalt  }
0x7d: {  	_ =	shalt  }
0x7e: {  	_ =	shalt  }
0x7f: {  	_ =	shalt  }
0x80: {  	_ =	shalt  }
0x81: {  	_ =	shalt  }
0x82: {  	_ =	shalt  }
0x83: {  	_ =	shalt  }
0x84: {  	_ =	shalt  }
0x85: {  	_ =	shalt  }
0x86: {  	_ =	shalt  }
0x87: {  	_ =	shalt  }
.Lfunc_end0:
.L_simem_size_0:
called_computation_lowered:
.L_overlay_start_0:
0x88: {  	s2 =	sld [smem:$0x3FD9]  }
0x89: {  	s3 =	sld [smem:$0x3FFE];
	_ =	sdelay $0x1  }
0x8a: {  	s1 =	srdreg.scid  }
0x8b: {  	s0 =	sand.u32 $0x1, s1  }
0x8c: {  	s14 =	sshll.u32 s0, $0xA;
	s2 =	sadd.s32 s3, s2  }
0x8d: {  	s2 =	sadd.s32 s2, s14  }
0x8e: {  	[smem:$0x3FC3] =	sst s2  }
0x8f: {  	_ = 	snop  }
0x90: {  	s2 =	sld [smem:$0x3FD0];
	_ =	sdelay $0x2  }
0x91: {  	s4 =	simm.s32 $0xA;
	s5 =	simm.s32 $0x10;
	s15 =	sld [smem:$0x3FC9]  }
0x92: {  	[smem:s5], [sflag:s4] =	dma.local [hbm:s2], $0x1  }
0x93: {  	_ =	swait.eq [sflag:s4], $0x1  }
0x94: {  	[sflag:s4] =	ssyncset.done $0x0  }
0x95: {  	[sflag:s4] =	ssyncadd.s32 $0xFFFFFFFF  }
0x96: {  	s16 =	sld [smem:$0x10];
	(tm) =	ssettm $0x1  }
0x97: {  	s17 =	sld [smem:$0x3FFB];
	_ =	sdelay $0x3  }
0x98: {  	_ =	strace s17  }
0x99: {  	s4 =	sld [smem:$0x3FFC];
	_ =	sdelay $0x3  }
0x9a: {  	_ =	strace s4  }
0x9b: {  	s4 =	sld [smem:$0x3FFD];
	_ =	sdelay $0x3  }
0x9c: {  	_ =	strace s4  }
0x9d: {  	_ =	strace $0x8FFFFFFF  }
0x9e: {  	s18 =	sld [smem:$0x3FDB];
	_ =	sdelay $0x1  }
0x9f: {  	s19 =	simm.s32 $_scs_section_size  }
0xa0: {  	s6 =	simm.s32 $_size__tile_overlayer_lowered;
	s7 =	simm.s32 $_tile_overlayer_lowered  }
0xa1: {  	s22 =	simm.s32 $0x1BFF;
	s21 =	sshll.u32 s7, $0x1;
	s4 =	sadd.s32 s19, s18  }
0xa2: {  	s8 =	simm.s32 $0x0;
	s20 =	sshll.u32 s6, $0x1;
	s6 =	sadd.s32 s21, s4  }
0xa3: {  	[timem:s8], [sflag:s22] =	dma.local [hbm:s6], s20  }
0xa4: {  	_ =	swait.ge [sflag:s22], s20  }
0xa5: {  	s5 =	ssub.s32 $0x0, s20;
	[sflag:s22] =	ssyncset.done $0x0  }
0xa6: {  	[sflag:s22] =	ssyncadd.s32 s5;
	_ =	sdelay $0x1  }
0xa7: {  	s23 =	simm.s32 $0x1B8B  }
0xa8: {  	_ =	swait.ge [sflag:s23], $0x1  }
0xa9: {  	[sflag:s23] =	ssyncset.done $0x0  }
0xaa: {  	s25 =	simm.s32 $0x1B8E;
	s24 =	sld [smem:$0x3FFE];
	[sflag:s23] =	ssyncadd.s32 $0xFFFFFFFF  }
0xab: {  	s26 =	simm.s32 $execute0_lowered;
	[smem:$0x3FD2] =	sst s25  }
0xac: {  	s6 =	sshll.u32 s26, $0x1;
	_ =	strace $0x80000046;
	[dreg:$0x1] =	wrdreg $0xFFFFFFFF  }
0xad: {  	s28 =	simm.s32 $_size_execute0_lowered;
	s4 =	sadd.s32 s4, s6;
	[dreg:$0x0] =	wrdreg $0x0  }
0xae: {  	s6 =	sshll.u32 s28, $0x1;
	[dreg:$0x2] =	wrdreg s4  }
0xaf: {  	[dreg:$0x3] =	wrdreg s6  }
0xb0: {  	[dreg:$0x4] =	wrdreg $0xC0  }
0xb1: {  	_ =	task [dreg:s8], $0x5FFFF  }
0xb2: {  	[dreg:$0x1] =	wrdreg $0xFFFFFFFF  }
0xb3: {  	[dreg:$0x0] =	wrdreg $0x60  }
0xb4: {  	[dreg:$0x2] =	wrdreg s24  }
0xb5: {  	[dreg:$0x3] =	wrdreg s16  }
0xb6: {  	[dreg:$0x4] =	wrdreg s15  }
0xb7: {  	[dreg:$0x5] =	wrdreg $0x9  }
0xb8: {  	_ =	task.clear_ibuf [dreg:s8], $0x6FFFF;
	_ =	strace $0x90000046  }
0xb9: {  	s29 =	simm.s32 $0x9;
	_ =	strace $0x8000004B  }
0xba: {  	_ =	swait.ge [sflag:s29], $0x1  }
0xbb: {  	[sflag:s29] =	ssyncadd.s32 $0xFFFFFFFF  }
0xbc: {  	_ =	strace $0x9000004B  }
0xbd: {  	_ =	sfence  }
0xbe: {  	s30 =	sld [smem:$0x0];
	_ =	sdelay $0x2  }
0xbf: {  	s31 =	sshll.u32 s1, $0xD;
	s1 =	sshrl.u32 s1, $0x2  }
0xc0: {  	s3 =	sand.u32 $0x4000, s31;
	s1 =	sadd.s32 s1, s30  }
0xc1: {  	s0 =	sor.u32 s3, s0;
	s1 =	sshll.u32 s1, $0x11  }
0xc2: {  	s0 =	sor.u32 s1, s0  }
0xc3: {  	s0 =	sadd.s32 $0x8F2B, s0  }
0xc4: {  	[sflag:s0] =	ssyncadd.remote.s32 $0x1  }
0xc5: {  	_ =	sfence.sel $0xFFFF  }
0xc6: {  	[dreg:$0x0] =	wrdreg $0xFFFFFFFF;
	(pc) =	sbr.abs _section_cstart, $3  }
0xc7: {  	[dreg:$0x1] =	wrdreg $0xFFFFFFFF  }
0xc8: {  	_ =	task.clear_ibuf [dreg:s8], $0x2FFFF;
	_ =	strace $0x9FFFFFFF  }
0xc9: {  	(tm) =	ssettm $0x7FFFFFFF  }
tec
execute0_lowered:
.L_overlay_start_1:
0x0: {  	(tag) =	ssettag $0x1  }
0x1: {  	s6 =	rddreg [dreg:$0x0]  }
0x2: {  	s0 =	rddreg [dreg:$0x2]  }
0x3: {  	s4 =	simm.s32 $0x0;
	s1 =	srdreg.scid;
	s2 =	stileid.u32  }
0x4: {  	s17 =	simm.s32 $0x8;
	s30 =	simm.s32 $0x4100;
	s14 =	simm.s32 $0x2000  }
0x5: {  	s19 =	simm.s32 $0x3900;
	s31 =	simm.s32 $0x4900;
	s16 =	simm.s32 $0x8900  }
0x6: {  	s18 =	simm.s32 $0x9100;
	s9 =	simm.s32 $0x9900;
	s10 =	simm.s32 $0xA100  }
0x7: {  	s11 =	simm.s32 $0xA900;
	s15 =	simm.s32 $0xB100;
	s20 =	simm.s32 $0xB900  }
0x8: {  	s21 =	simm.s32 $0xC100;
	s28 =	simm.s32 $0xC900;
	s29 =	simm.s32 $0xD100  }
0x9: {  	[smem:$0x7FF] =	sst s4;
	s1 =	sand.u32 $0x1, s1;
	s2 =	sshll.u32 s2, $0x1  }
0xa: {  	s8 =	sadd.s32 $0x200, s6;
	s3 =	sadd.s32 $0x400, s6;
	s7 =	sadd.s32 $0xA00, s6  }
0xb: {  	s5 =	sadd.s32 $0x600, s6;
	_ =	strace $0x80000047;
	[dreg:$0x5] =	wrdreg s3  }
0xc: {  	s12 =	sadd.s32 $0xB00, s6;
	s13 =	sadd.s32 $0xC00, s6;
	[dreg:$0x6] =	wrdreg s5  }
0xd: {  	s2 =	sor.u32 s1, s2;
	s1 =	ssub.s32 $0x2, s1;
	[dreg:$0x4] =	wrdreg s8  }
0xe: {  	s3 =	simm.s32 $0x5900;
	s5 =	simm.s32 $0x8100;
	s22 =	smul.u32 $0x1800, s2  }
0xf: {  	s23 =	sshrl.u32 s1, $0x1;
	s24 =	sshll.u32 s2, $0x3;
	p0 =	sne.s32 s2, $0x0  }
.Ltmp0:
0x10: {  	s2 =	simm.s32 $0x6100;
	s25 =	sadd.s32 s6, s24;
	(pc) =	sbr.rel .LBB2_1-.Ltmp0, $4  }
0x11: {  	s1 =	ssub.s32 s1, s23;
	s0 =	sadd.s32 s0, s22;
	[dreg:$0x8] =	wrdreg s25  }
0x12: {  	v2 =	vlaneseq.u32;
	s6 =	simm.s32 $0x7100;
	s26 =	smax.u32 s1, $0x1;
	[dreg:$0x7] =	wrdreg s0  }
0x13: {  	vm0 =	vmmov $0xffff;
	v1 =	vshrl.u32 v2, $0x3;
	s22 =	simm.s32 $0x0;
	s0 =	sadd.s32 s8, s24;
	[dreg:$0xa] =	wrdreg s26  }
0x14: {  	v0 =	vand.u32 $0x7, v2;
	v2 =	vor.u32 $0x8, v2;
	v1 =	vmul.u32 $0x8, v1;
	s8 =	simm.s32 $0x7900;
	s26 =	simm.s32 $0xF100;
	[dreg:$0x9] =	wrdreg s0  }
.LBB2_5:
0x15: {  	_ =	strace $0x90000049  }
0x16: {  	s0 =	simm.s32 $0x2;
	_ =	strace $0x8000004A  }
0x17: {  	_ =	swait.ge [sflag:s0], $0xC000  }
0x18: {  	[sflag:s0] =	ssyncset.done $0x0  }
0x19: {  	s24 =	simm.s32 $0x3;
	[sflag:s0] =	ssyncadd.s32 $0xFFFF4000  }
0x1a: {  	_ =	swait.ge [sflag:s24], $0xC000  }
0x1b: {  	s22 =	sadd.s32 $0x1, s22;
	s25 =	rddreg [dreg:$0xa]  }
0x1c: {  	p1 =	sne.s32 s22, s25  }
.Ltmp1:
0x1d: {  	_ = 	snop;
	(pc) =	sbr.rel @!p1 .LBB2_6-.Ltmp1, $4  }
0x1e: {  	_ = 	snop  }
0x1f: {  	[sflag:s24] =	ssyncset.done $0x0  }
0x20: {  	[sflag:s24] =	ssyncadd.s32 $0xFFFF4000  }
0x21: {  	_ =	strace $0x9000004A  }
.LBB2_1:
0x22: {  	_ =	strace $0x80000048  }
0x23: {  	s0 =	rddreg [dreg:$0x7]  }
0x24: {  	[tilespmem:s19], [sflag:$0x1] =	stream.linear.gather [hbm4b:s0+s4], $0xC000, $0x200038;
	[tilespmem:$0xF900] =	vst v63  }
0x25: {  	s1 =	simm.s32 $0x3800;
	s25 =	rddreg [dreg:$0x8]  }
0x26: {  	[tilespmem:s1], [sflag:$0x8] =	stream.linear.gather [hbm4b:s25+s4], $0x40, $0x200038;
	[tilespmem:$0xF900] =	vst v63  }
0x27: {  	_ =	swait.ge [sflag:s17], $0x40  }
0x28: {  	[sflag:s17] =	ssyncset.done $0x0  }
0x29: {  	s24 =	simm.s32 $0x3880;
	s23 =	rddreg [dreg:$0x9];
	[sflag:s17] =	ssyncadd.s32 $0xFFFFFFC0  }
0x2a: {  	[tilespmem:s24], [sflag:$0x8] =	stream.linear.gather [hbm4b:s23+s4], $0x40, $0x200038;
	[tilespmem:$0xF900] =	vst v63  }
0x2b: {  	_ =	swait.ge [sflag:s17], $0x40  }
0x2c: {  	[sflag:s17] =	ssyncset.done $0x0  }
0x2d: {  	s25 =	simm.s32 $0x1;
	[sflag:s17] =	ssyncadd.s32 $0xFFFFFFC0  }
0x2e: {  	_ =	swait.ge [sflag:s25], $0xC000  }
0x2f: {  	[sflag:s25] =	ssyncset.done $0x0  }
0x30: {  	[sflag:s25] =	ssyncadd.s32 $0xFFFF4000  }
0x31: {  	v3 =	vld [tilespmem:$0x3800];
	_ =	sdelay $0x4  }
0x32: {  	v4 =	vshrl.u32 v3, $0x3  }
0x33: {  	v4 =	vmul.u32 $0x30, v4  }
0x34: {  	v3 =	vand.u32 $0x7, v3  }
0x35: {  	v3 =	vor.u32 v3, v4  }
0x36: {  	v4 =	vperm.xlane v3, v0;
	_ =	sdelay $0x1  }
0x37: {  	v4 =	vadd.s32 v1, v4;
	_ =	sdelay $0x3  }
0x38: {  	v3 =	vperm.xlane v3, v2  }
0x39: {  	[hbm4b:s7+s4] =	stream.indirect_vreg.scatter [tilespmem:s19], [sflag:$0x2], $0x80, v4, vm0, $0x2000b8;
	[tilespmem:$0xF900] =	vst v63  }
0x3a: {  	v3 =	vadd.s32 v1, v3  }
0x3b: {  	[hbm4b:s12+s4] =	stream.indirect_vreg.scatter [tilespmem:s30], [sflag:$0x2], $0x80, v4, vm0, $0x2000b8;
	[tilespmem:$0xF900] =	vst v63  }
0x3c: {  	_ = 	snop  }
0x3d: {  	[hbm4b:s13+s4] =	stream.indirect_vreg.scatter [tilespmem:s31], [sflag:$0x2], $0x80, v4, vm0, $0x2000b8;
	[tilespmem:$0xF900] =	vst v63  }
0x3e: {  	s0 =	simm.s32 $0x5100  }
0x3f: {  	[hbm4b:s7+s4] =	stream.indirect_vreg.scatter [tilespmem:s0], [sflag:$0x2], $0x80, v3, vm0, $0x2000b8;
	[tilespmem:$0xF900] =	vst v63  }
0x40: {  	_ = 	snop  }
0x41: {  	[hbm4b:s12+s4] =	stream.indirect_vreg.scatter [tilespmem:s3], [sflag:$0x2], $0x80, v3, vm0, $0x2000b8;
	[tilespmem:$0xF900] =	vst v63  }
0x42: {  	_ = 	snop  }
0x43: {  	[hbm4b:s13+s4] =	stream.indirect_vreg.scatter [tilespmem:s2], [sflag:$0x2], $0x80, v3, vm0, $0x2000b8;
	[tilespmem:$0xF900] =	vst v63  }
0x44: {  	v3 =	vld [tilespmem:$0x3810];
	_ =	sdelay $0x4  }
0x45: {  	v57 =	vshrl.u32 v3, $0x3  }
0x46: {  	v4 =	vmul.u32 $0x30, v57  }
0x47: {  	v3 =	vand.u32 $0x7, v3  }
0x48: {  	v3 =	vor.u32 v3, v4  }
0x49: {  	v4 =	vperm.xlane v3, v0;
	_ =	sdelay $0x1  }
0x4a: {  	v4 =	vadd.s32 v1, v4;
	_ =	sdelay $0x3  }
0x4b: {  	s1 =	simm.s32 $0x6900;
	v3 =	vperm.xlane v3, v2  }
0x4c: {  	[hbm4b:s7+s4] =	stream.indirect_vreg.scatter [tilespmem:s1], [sflag:$0x2], $0x80, v4, vm0, $0x2000b8;
	[tilespmem:$0xF900] =	vst v63  }
0x4d: {  	v3 =	vadd.s32 v1, v3  }
0x4e: {  	[hbm4b:s12+s4] =	stream.indirect_vreg.scatter [tilespmem:s6], [sflag:$0x2], $0x80, v4, vm0, $0x2000b8;
	[tilespmem:$0xF900] =	vst v63  }
0x4f: {  	_ = 	snop  }
0x50: {  	[hbm4b:s13+s4] =	stream.indirect_vreg.scatter [tilespmem:s8], [sflag:$0x2], $0x80, v4, vm0, $0x2000b8;
	[tilespmem:$0xF900] =	vst v63  }
0x51: {  	_ = 	snop  }
0x52: {  	[hbm4b:s7+s4] =	stream.indirect_vreg.scatter [tilespmem:s5], [sflag:$0x2], $0x80, v3, vm0, $0x2000b8;
	[tilespmem:$0xF900] =	vst v63  }
0x53: {  	_ = 	snop  }
0x54: {  	[hbm4b:s12+s4] =	stream.indirect_vreg.scatter [tilespmem:s16], [sflag:$0x2], $0x80, v3, vm0, $0x2000b8;
	[tilespmem:$0xF900] =	vst v63  }
0x55: {  	_ = 	snop  }
0x56: {  	[hbm4b:s13+s4] =	stream.indirect_vreg.scatter [tilespmem:s18], [sflag:$0x2], $0x80, v3, vm0, $0x2000b8;
	[tilespmem:$0xF900] =	vst v63  }
0x57: {  	v3 =	vld [tilespmem:$0x3820];
	_ =	sdelay $0x4  }
0x58: {  	v58 =	vshrl.u32 v3, $0x3  }
0x59: {  	v4 =	vmul.u32 $0x30, v58  }
0x5a: {  	v3 =	vand.u32 $0x7, v3  }
0x5b: {  	v3 =	vor.u32 v3, v4  }
0x5c: {  	v4 =	vperm.xlane v3, v0;
	_ =	sdelay $0x1  }
0x5d: {  	v4 =	vadd.s32 v1, v4;
	_ =	sdelay $0x3  }
0x5e: {  	v3 =	vperm.xlane v3, v2  }
0x5f: {  	[hbm4b:s7+s4] =	stream.indirect_vreg.scatter [tilespmem:s9], [sflag:$0x2], $0x80, v4, vm0, $0x2000b8;
	[tilespmem:$0xF900] =	vst v63  }
0x60: {  	v3 =	vadd.s32 v1, v3  }
0x61: {  	[hbm4b:s12+s4] =	stream.indirect_vreg.scatter [tilespmem:s10], [sflag:$0x2], $0x80, v4, vm0, $0x2000b8;
	[tilespmem:$0xF900] =	vst v63  }
0x62: {  	_ = 	snop  }
0x63: {  	[hbm4b:s13+s4] =	stream.indirect_vreg.scatter [tilespmem:s11], [sflag:$0x2], $0x80, v4, vm0, $0x2000b8;
	[tilespmem:$0xF900] =	vst v63  }
0x64: {  	_ = 	snop  }
0x65: {  	[hbm4b:s7+s4] =	stream.indirect_vreg.scatter [tilespmem:s15], [sflag:$0x2], $0x80, v3, vm0, $0x2000b8;
	[tilespmem:$0xF900] =	vst v63  }
0x66: {  	_ = 	snop  }
0x67: {  	[hbm4b:s12+s4] =	stream.indirect_vreg.scatter [tilespmem:s20], [sflag:$0x2], $0x80, v3, vm0, $0x2000b8;
	[tilespmem:$0xF900] =	vst v63  }
0x68: {  	_ = 	snop  }
0x69: {  	[hbm4b:s13+s4] =	stream.indirect_vreg.scatter [tilespmem:s21], [sflag:$0x2], $0x80, v3, vm0, $0x2000b8;
	[tilespmem:$0xF900] =	vst v63  }
0x6a: {  	v3 =	vld [tilespmem:$0x3830];
	_ =	sdelay $0x4  }
0x6b: {  	v59 =	vshrl.u32 v3, $0x3  }
0x6c: {  	v4 =	vmul.u32 $0x30, v59  }
0x6d: {  	v3 =	vand.u32 $0x7, v3  }
0x6e: {  	v3 =	vor.u32 v3, v4  }
0x6f: {  	v4 =	vperm.xlane v3, v0;
	_ =	sdelay $0x1  }
0x70: {  	v4 =	vadd.s32 v1, v4;
	_ =	sdelay $0x3  }
0x71: {  	v3 =	vperm.xlane v3, v2  }
0x72: {  	[hbm4b:s7+s4] =	stream.indirect_vreg.scatter [tilespmem:s28], [sflag:$0x2], $0x80, v4, vm0, $0x2000b8;
	[tilespmem:$0xF900] =	vst v63  }
0x73: {  	v3 =	vadd.s32 v1, v3  }
0x74: {  	[hbm4b:s12+s4] =	stream.indirect_vreg.scatter [tilespmem:s29], [sflag:$0x2], $0x80, v4, vm0, $0x2000b8;
	[tilespmem:$0xF900] =	vst v63  }
0x75: {  	s23 =	simm.s32 $0xD900  }
0x76: {  	[hbm4b:s13+s4] =	stream.indirect_vreg.scatter [tilespmem:s23], [sflag:$0x2], $0x80, v4, vm0, $0x2000b8;
	[tilespmem:$0xF900] =	vst v63  }
0x77: {  	s24 =	simm.s32 $0xE100  }
0x78: {  	[hbm4b:s7+s4] =	stream.indirect_vreg.scatter [tilespmem:s24], [sflag:$0x2], $0x80, v3, vm0, $0x2000b8;
	[tilespmem:$0xF900] =	vst v63  }
0x79: {  	s25 =	simm.s32 $0xE900  }
0x7a: {  	[hbm4b:s12+s4] =	stream.indirect_vreg.scatter [tilespmem:s25], [sflag:$0x2], $0x80, v3, vm0, $0x2000b8;
	[tilespmem:$0xF900] =	vst v63  }
0x7b: {  	_ = 	snop  }
0x7c: {  	[hbm4b:s13+s4] =	stream.indirect_vreg.scatter [tilespmem:s26], [sflag:$0x2], $0x80, v3, vm0, $0x2000b8;
	[tilespmem:$0xF900] =	vst v63  }
0x7d: {  	v3 =	vld [tilespmem:$0x3880];
	_ =	sdelay $0x4  }
0x7e: {  	v60 =	vshrl.u32 v3, $0x3  }
0x7f: {  	v4 =	vmul.u32 $0x30, v60  }
0x80: {  	v3 =	vand.u32 $0x7, v3  }
0x81: {  	v3 =	vor.u32 v3, v4  }
0x82: {  	v4 =	vperm.xlane v3, v0;
	_ =	sdelay $0x1  }
0x83: {  	v4 =	vadd.s32 v1, v4;
	_ =	sdelay $0x3  }
0x84: {  	v3 =	vperm.xlane v3, v2  }
0x85: {  	[hbm4b:s7+s4] =	stream.indirect_vreg.scatter [tilespmem:s19], [sflag:$0x3], $0x80, v4, vm0, $0x2000b8;
	[tilespmem:$0xF900] =	vst v63  }
0x86: {  	v3 =	vadd.s32 v1, v3  }
0x87: {  	[hbm4b:s12+s4] =	stream.indirect_vreg.scatter [tilespmem:s30], [sflag:$0x3], $0x80, v4, vm0, $0x2000b8;
	[tilespmem:$0xF900] =	vst v63  }
0x88: {  	_ = 	snop  }
0x89: {  	[hbm4b:s13+s4] =	stream.indirect_vreg.scatter [tilespmem:s31], [sflag:$0x3], $0x80, v4, vm0, $0x2000b8;
	[tilespmem:$0xF900] =	vst v63  }
0x8a: {  	_ = 	snop  }
0x8b: {  	[hbm4b:s7+s4] =	stream.indirect_vreg.scatter [tilespmem:s0], [sflag:$0x3], $0x80, v3, vm0, $0x2000b8;
	[tilespmem:$0xF900] =	vst v63  }
0x8c: {  	_ = 	snop  }
0x8d: {  	[hbm4b:s12+s4] =	stream.indirect_vreg.scatter [tilespmem:s3], [sflag:$0x3], $0x80, v3, vm0, $0x2000b8;
	[tilespmem:$0xF900] =	vst v63  }
0x8e: {  	_ = 	snop  }
0x8f: {  	[hbm4b:s13+s4] =	stream.indirect_vreg.scatter [tilespmem:s2], [sflag:$0x3], $0x80, v3, vm0, $0x2000b8;
	[tilespmem:$0xF900] =	vst v63  }
0x90: {  	v3 =	vld [tilespmem:$0x3890];
	_ =	sdelay $0x4  }
0x91: {  	v61 =	vshrl.u32 v3, $0x3  }
0x92: {  	v4 =	vmul.u32 $0x30, v61  }
0x93: {  	v3 =	vand.u32 $0x7, v3  }
0x94: {  	v3 =	vor.u32 v3, v4  }
0x95: {  	v4 =	vperm.xlane v3, v0;
	_ =	sdelay $0x1  }
0x96: {  	v4 =	vadd.s32 v1, v4;
	_ =	sdelay $0x3  }
0x97: {  	v3 =	vperm.xlane v3, v2  }
0x98: {  	[hbm4b:s7+s4] =	stream.indirect_vreg.scatter [tilespmem:s1], [sflag:$0x3], $0x80, v4, vm0, $0x2000b8;
	[tilespmem:$0xF900] =	vst v63  }
0x99: {  	v3 =	vadd.s32 v1, v3  }
0x9a: {  	[hbm4b:s12+s4] =	stream.indirect_vreg.scatter [tilespmem:s6], [sflag:$0x3], $0x80, v4, vm0, $0x2000b8;
	[tilespmem:$0xF900] =	vst v63  }
0x9b: {  	_ = 	snop  }
0x9c: {  	[hbm4b:s13+s4] =	stream.indirect_vreg.scatter [tilespmem:s8], [sflag:$0x3], $0x80, v4, vm0, $0x2000b8;
	[tilespmem:$0xF900] =	vst v63  }
0x9d: {  	_ = 	snop  }
0x9e: {  	[hbm4b:s7+s4] =	stream.indirect_vreg.scatter [tilespmem:s5], [sflag:$0x3], $0x80, v3, vm0, $0x2000b8;
	[tilespmem:$0xF900] =	vst v63  }
0x9f: {  	_ = 	snop  }
0xa0: {  	[hbm4b:s12+s4] =	stream.indirect_vreg.scatter [tilespmem:s16], [sflag:$0x3], $0x80, v3, vm0, $0x2000b8;
	[tilespmem:$0xF900] =	vst v63  }
0xa1: {  	_ = 	snop  }
0xa2: {  	[hbm4b:s13+s4] =	stream.indirect_vreg.scatter [tilespmem:s18], [sflag:$0x3], $0x80, v3, vm0, $0x2000b8;
	[tilespmem:$0xF900] =	vst v63  }
0xa3: {  	v3 =	vld [tilespmem:$0x38A0];
	_ =	sdelay $0x4  }
0xa4: {  	v62 =	vshrl.u32 v3, $0x3  }
0xa5: {  	v4 =	vmul.u32 $0x30, v62  }
0xa6: {  	v3 =	vand.u32 $0x7, v3  }
0xa7: {  	v3 =	vor.u32 v3, v4  }
0xa8: {  	v4 =	vperm.xlane v3, v0;
	_ =	sdelay $0x1  }
0xa9: {  	v4 =	vadd.s32 v1, v4;
	_ =	sdelay $0x3  }
0xaa: {  	v3 =	vperm.xlane v3, v2  }
0xab: {  	[hbm4b:s7+s4] =	stream.indirect_vreg.scatter [tilespmem:s9], [sflag:$0x3], $0x80, v4, vm0, $0x2000b8;
	[tilespmem:$0xF900] =	vst v63  }
0xac: {  	v3 =	vadd.s32 v1, v3  }
0xad: {  	[hbm4b:s12+s4] =	stream.indirect_vreg.scatter [tilespmem:s10], [sflag:$0x3], $0x80, v4, vm0, $0x2000b8;
	[tilespmem:$0xF900] =	vst v63  }
0xae: {  	_ = 	snop  }
0xaf: {  	[hbm4b:s13+s4] =	stream.indirect_vreg.scatter [tilespmem:s11], [sflag:$0x3], $0x80, v4, vm0, $0x2000b8;
	[tilespmem:$0xF900] =	vst v63  }
0xb0: {  	_ = 	snop  }
0xb1: {  	[hbm4b:s7+s4] =	stream.indirect_vreg.scatter [tilespmem:s15], [sflag:$0x3], $0x80, v3, vm0, $0x2000b8;
	[tilespmem:$0xF900] =	vst v63  }
0xb2: {  	_ = 	snop  }
0xb3: {  	[hbm4b:s12+s4] =	stream.indirect_vreg.scatter [tilespmem:s20], [sflag:$0x3], $0x80, v3, vm0, $0x2000b8;
	[tilespmem:$0xF900] =	vst v63  }
0xb4: {  	_ = 	snop  }
0xb5: {  	[hbm4b:s13+s4] =	stream.indirect_vreg.scatter [tilespmem:s21], [sflag:$0x3], $0x80, v3, vm0, $0x2000b8;
	[tilespmem:$0xF900] =	vst v63  }
0xb6: {  	v3 =	vld [tilespmem:$0x38B0];
	_ =	sdelay $0x4  }
0xb7: {  	v63 =	vshrl.u32 v3, $0x3  }
0xb8: {  	v4 =	vmul.u32 $0x30, v63  }
0xb9: {  	v3 =	vand.u32 $0x7, v3  }
0xba: {  	v3 =	vor.u32 v3, v4  }
0xbb: {  	v4 =	vperm.xlane v3, v0;
	_ =	sdelay $0x1  }
0xbc: {  	v4 =	vadd.s32 v1, v4;
	_ =	sdelay $0x3  }
0xbd: {  	v3 =	vperm.xlane v3, v2  }
0xbe: {  	[hbm4b:s7+s4] =	stream.indirect_vreg.scatter [tilespmem:s28], [sflag:$0x3], $0x80, v4, vm0, $0x2000b8;
	[tilespmem:$0xF900] =	vst v63  }
0xbf: {  	v3 =	vadd.s32 v1, v3  }
0xc0: {  	[hbm4b:s12+s4] =	stream.indirect_vreg.scatter [tilespmem:s29], [sflag:$0x3], $0x80, v4, vm0, $0x2000b8;
	[tilespmem:$0xF900] =	vst v63  }
0xc1: {  	_ = 	snop  }
0xc2: {  	[hbm4b:s13+s4] =	stream.indirect_vreg.scatter [tilespmem:s23], [sflag:$0x3], $0x80, v4, vm0, $0x2000b8;
	[tilespmem:$0xF900] =	vst v63  }
0xc3: {  	_ = 	snop  }
0xc4: {  	[hbm4b:s7+s4] =	stream.indirect_vreg.scatter [tilespmem:s24], [sflag:$0x3], $0x80, v3, vm0, $0x2000b8;
	[tilespmem:$0xF900] =	vst v63  }
0xc5: {  	_ = 	snop  }
0xc6: {  	[hbm4b:s12+s4] =	stream.indirect_vreg.scatter [tilespmem:s25], [sflag:$0x3], $0x80, v3, vm0, $0x2000b8;
	[tilespmem:$0xF900] =	vst v63  }
.Ltmp2:
0xc7: {  	_ = 	snop;
	(pc) =	sbr.rel @p0 .LBB2_5-.Ltmp2, $4  }
0xc8: {  	_ = 	snop  }
0xc9: {  	[hbm4b:s13+s4] =	stream.indirect_vreg.scatter [tilespmem:s26], [sflag:$0x3], $0x80, v3, vm0, $0x2000b8;
	[tilespmem:$0xF900] =	vst v63  }
0xca: {  	_ =	strace $0x90000048  }
0xcb: {  	_ =	strace $0x80000049  }
0xcc: {  	s23 =	simm.s32 $0x0;
	s24 =	rddreg [dreg:$0x0]  }
0xcd: {  	[tilespmem:s23], [sflag:$0x4] =	stream.linear.gather [hbm4b:s24+s23], $0x800, $0x200038;
	[tilespmem:$0xF900] =	vst v63  }
0xce: {  	s1 =	rddreg [dreg:$0x4];
	s0 =	simm.s32 $0x800  }
0xcf: {  	[tilespmem:s0], [sflag:$0x5] =	stream.linear.gather [hbm4b:s1+s23], $0x800, $0x200038;
	[tilespmem:$0xF900] =	vst v63  }
0xd0: {  	s25 =	rddreg [dreg:$0x1];
	s30 =	simm.s32 $0x1000  }
0xd1: {  	[tilespmem:s30], [sflag:$0x6] =	stream.linear.gather [hbm4b:s25+s23], $0x800, $0x200038;
	[tilespmem:$0xF900] =	vst v63  }
0xd2: {  	s0 =	rddreg [dreg:$0x5];
	s1 =	simm.s32 $0x1800  }
0xd3: {  	[tilespmem:s1], [sflag:$0x7] =	stream.linear.gather [hbm4b:s0+s23], $0x800, $0x200038;
	[tilespmem:$0xF900] =	vst v63  }
0xd4: {  	s23 =	simm.s32 $0x4  }
0xd5: {  	_ =	swait.ge [sflag:s23], $0x800  }
0xd6: {  	[sflag:s23] =	ssyncset.done $0x0  }
0xd7: {  	s24 =	simm.s32 $0x5;
	[sflag:s23] =	ssyncadd.s32 $0xFFFFF800  }
0xd8: {  	_ =	swait.ge [sflag:s24], $0x800  }
0xd9: {  	[sflag:s24] =	ssyncset.done $0x0  }
0xda: {  	s25 =	simm.s32 $0x6;
	[sflag:s24] =	ssyncadd.s32 $0xFFFFF800  }
0xdb: {  	_ =	swait.ge [sflag:s25], $0x800  }
0xdc: {  	[sflag:s25] =	ssyncset.done $0x0  }
0xdd: {  	s30 =	simm.s32 $0x7;
	[sflag:s25] =	ssyncadd.s32 $0xFFFFF800  }
0xde: {  	_ =	swait.ge [sflag:s30], $0x800  }
0xdf: {  	[sflag:s30] =	ssyncset.done $0x0  }
0xe0: {  	s25 =	simm.s32 $0x0;
	[sflag:s30] =	ssyncadd.s32 $0xFFFFF800  }
0xe1: {  	v3 =	vld [tilespmem:s25+$0x0];
	_ =	sdelay $0x2  }
0xe2: {  	v4 =	vld [tilespmem:s25+$0x1000];
	_ =	sdelay $0x4  }
0xe3: {  	[tilespmem:v3+s14+$0x0] =	vst.idx.msk $0xffff, v4  }
0xe4: {  	v3 =	vld [tilespmem:s25+$0x800];
	_ =	sdelay $0x2  }
0xe5: {  	s23 =	simm.s32 $0x40;
	s24 =	simm.s32 $0x80;
	v4 =	vld [tilespmem:s25+$0x1800]  }
.LBB2_3:
0xe6: {  	_ =	sdelay $0x2  }
0xe7: {  	p1 =	sne.s32 s24, $0x1FC0  }
0xe8: {  	s25 =	sshra.s32 s23, $0x2;
	s23 =	smov.u32 s24;
	s24 =	sadd.s32 $0x40, s24;
	[tilespmem:v3+s14+$0x0] =	vst.idx.msk $0xffff, v4  }
0xe9: {  	v3 =	vld [tilespmem:s25+$0x0];
	_ =	sdelay $0x2  }
0xea: {  	v4 =	vld [tilespmem:s25+$0x1000];
	_ =	sdelay $0x4  }
.Ltmp3:
0xeb: {  	[tilespmem:v3+s14+$0x0] =	vst.idx.msk $0xffff, v4;
	(pc) =	sbr.rel @p1 .LBB2_3-.Ltmp3, $2  }
0xec: {  	v3 =	vld [tilespmem:s25+$0x800];
	_ =	sdelay $0x2  }
0xed: {  	v4 =	vld [tilespmem:s25+$0x1800]  }
0xee: {  	_ =	sdelay $0x4  }
0xef: {  	s23 =	sshra.s32 s23, $0x2;
	[tilespmem:v3+s14+$0x0] =	vst.idx.msk $0xffff, v4  }
0xf0: {  	v3 =	vld [tilespmem:s23+$0x0];
	_ =	sdelay $0x2  }
0xf1: {  	v4 =	vld [tilespmem:s23+$0x1000];
	_ =	sdelay $0x4  }
0xf2: {  	[tilespmem:v3+s14+$0x0] =	vst.idx.msk $0xffff, v4  }
0xf3: {  	v3 =	vld [tilespmem:s23+$0x800];
	_ =	sdelay $0x2  }
0xf4: {  	v4 =	vld [tilespmem:s23+$0x1800];
	_ =	sdelay $0x4  }
.Ltmp4:
0xf5: {  	s25 =	rddreg [dreg:$0x6];
	[tilespmem:v3+s14+$0x0] =	vst.idx.msk $0xffff, v4;
	(pc) =	sbr.rel .LBB2_5-.Ltmp4, $4  }
0xf6: {  	[hbm4b:s25+s4] =	stream.linear.scatter [tilespmem:s14], [sflag:$0x8], $0x1800, $0x200038;
	[tilespmem:$0xF900] =	vst v63  }
0xf7: {  	_ =	swait.ge [sflag:s17], $0x1800  }
0xf8: {  	[sflag:s17] =	ssyncset.done $0x0  }
0xf9: {  	s30 =	simm.s32 $0x4100;
	[sflag:s17] =	ssyncadd.s32 $0xFFFFE800  }
.LBB2_6:
0xfa: {  	_ =	sfence.sel $0x180000  }
0xfb: {  	[bflag:$0x0] =	sbarrier.arrive $0xFFFF  }
0xfc: {  	_ =	strace $0x90000047  }
0xfd: {  	s0 =	stileid.u32;
	[bflag:$0x2] =	sbarrier.arrive $0xFFFF  }
0xfe: {  	p0 =	sne.s32 s0, $0x0;
	s0 =	rddreg [dreg:$0x3]  }
0xff: {  	s0 =	sadd.s32 @!p0 $0x100000, s0  }
0x100: {  	[sflag:s0] =	ssyncadd.tile.s32 @!p0 $0x1;
	_ =	shalt  }
.Lfunc_end2:
_tile_overlayer_lowered:
.L_overlay_start_2:
0x101: {  	(tag) =	ssettag $0x2  }
0x102: {  	s0 =	rddreg [dreg:$0x0];
	s2 =	stileid.u32  }
0x103: {  	s1 =	rddreg [dreg:$0x1];
	p0 =	sne.s32 s2, $0x0  }
0x104: {  	s3 =	rddreg [dreg:$0x2];
	[bflag:$0x3] =	sbarrier.arrive $0xFFFF;
	s2 =	simm.s32 @!p0 $0x1C08  }
0x105: {  	[timem:s3], [sflag:s2] =	dma.local @!p0 [hbm:s0], s1  }
0x106: {  	s0 =	simm.s32 @!p0 $0x8  }
0x107: {  	_ =	swait.ge @!p0 [sflag:s0], s1  }
0x108: {  	s1 =	ssub.s32 @!p0 $0x0, s1;
	[sflag:s0] =	ssyncset.done @!p0 $0x0  }
0x109: {  	[sflag:s0] =	ssyncadd.s32 @!p0 s1  }
0x10a: {  	[bflag:$0x3] =	sbarrier.arrive $0xFFFF  }
0x10b: {  	_ =	shalt  }

// kernel: kernel.9.cloned.1.call-start
scs
__scs_entry_jumppad:
0x0: {  	(pc) =	sbr.rel $0x88, $3  }
0x1: {  	(tag) =	ssettag $0x0;
	lr =	simm.s32 $0x1  }
0x2: {  	[smem:$0x3F9C] =	sst lr;
	_ =	strace $0xD0000000  }
0x3: {  	_ = 	snop  }
0x4: {  	_ = 	snop  }
0x5: {  	_ = 	snop  }
0x6: {  	_ = 	snop  }
0x7: {  	_ = 	snop  }
__scs_overlays_trampoline_lowered:
0x8: {  	[smem:$0x3FAB] =	sst s0  }
0x9: {  	[smem:$0x3FAC] =	sst s1  }
0xa: {  	[smem:$0x3FAD] =	sst s2  }
0xb: {  	[smem:$0x3FAE] =	sst s3  }
0xc: {  	[smem:$0x3FAF] =	sst s4  }
0xd: {  	[smem:$0x3FB0] =	sst s5  }
0xe: {  	[smem:$0x3FB1] =	sst s6  }
0xf: {  	[smem:$0x3FB2] =	sst s7  }
0x10: {  	[smem:$0x3FB3] =	sst s8  }
0x11: {  	[smem:$0x3FB4] =	sst s9;
	s0 =	simm.s32 @!p0 $0x0  }
0x12: {  	s1 =	sld [smem:$0x3F9A];
	s0 =	simm.s32 @p0 $0x1  }
0x13: {  	[smem:$0x3FB5] =	sst s0;
	s0 =	simm.s32 @!p1 $0x0  }
0x14: {  	s2 =	sld [smem:$0x3F99];
	s0 =	simm.s32 @p1 $0x1  }
0x15: {  	[smem:$0x3FB6] =	sst s0;
	s0 =	simm.s32 @!p2 $0x0  }
0x16: {  	s3 =	sld [smem:$0x3FDB];
	s0 =	simm.s32 @p2 $0x1  }
0x17: {  	s4 =	simm.s32 $0x1BF5;
	[smem:$0x3FB8] =	sst s0  }
0x18: {  	s0 =	sld [smem:$0x3F9B];
	_ =	swait.ge [sflag:s4], $0x0  }
0x19: {  	s7 =	sld [smem:$0x3F9C]  }
0x1a: {  	s8 =	sadd.s32 $0xFFFFE003, lr  }
0x1b: {  	s9 =	sadd.s32 $0xFFFFFEF7, lr;
	s5 =	simm.s32 $0xFFFFFFFF;
	p2 =	slt.u32 s8, $0xFFFFF086  }
0x1c: {  	p1 =	slt.u32 s9, $0xF7A;
	s5 =	simm.s32 @!p2 $0x0  }
0x1d: {  	s5 =	simm.s32 @p1 $0x1;
	p0 =	seq.s32 s7, s2  }
0x1e: {  	s7 =	smul.u32 @!p0 $0xF7A, s2;
	p2 =	seq.s32 @!p0 s5, $0x0  }
0x1f: {  	s9 =	smul.u32 $0xF7A, s1;
	s8 =	simm.s32 @!p0 $0x1BF5;
	p2 =	por !p2, p0  }
0x20: {  	[sflag:s8] =	ssyncset.s32 @!p0 $0xFFFFF086;
	s6 =	sadd.s32 @!p0 s3, s7;
	s7 =	simm.s32 @!p0 $0x108  }
0x21: {  	s3 =	sadd.s32 s3, s9;
	s6 =	sadd.s32 @!p0 $0x88, s6;
	s7 =	simm.s32 @p2 $0x1082  }
0x22: {  	[simem:s7], [sflag:s8] =	dma.local @!p0 [hbm:s6], $0xF7A  }
0x23: {  	s9 =	sor.u32 $0xD0000000, s2;
	s6 =	simm.s32 $0x108;
	_ =	swait.ge @!p0 [sflag:s8], $0x0  }
0x24: {  	s3 =	sadd.s32 $0x88, s3;
	s6 =	simm.s32 @!p1 $0x1082;
	[sflag:s4] =	ssyncset.s32 $0xFFFFF086  }
0x25: {  	[simem:s6], [sflag:s4] =	dma.local [hbm:s3], $0xF7A  }
0x26: {  	[smem:$0x3F9C] =	sst s1;
	(tag) =	ssettag s2;
	_ =	strace s9  }
0x27: {  	s1 =	sld [smem:$0x3FAC]  }
0x28: {  	s2 =	sld [smem:$0x3FAD]  }
0x29: {  	s4 =	sld [smem:$0x3FAF]  }
0x2a: {  	p0 =	seq.s32 s5, $0x0;
	s5 =	sld [smem:$0x3FB0]  }
0x2b: {  	s6 =	sld [smem:$0x3FB1]  }
0x2c: {  	s7 =	sld [smem:$0x3FB2]  }
0x2d: {  	s3 =	simm.s32 $0x108;
	s8 =	sld [smem:$0x3FB3]  }
0x2e: {  	s3 =	simm.s32 @!p0 $0x1082;
	s9 =	sld [smem:$0x3FB4]  }
0x2f: {  	lr =	sadd.s32 s0, s3;
	s0 =	sld [smem:$0x3FAB]  }
0x30: {  	s3 =	sld [smem:$0x3FAE]  }
0x31: {  	[smem:$0x3FB7] =	sst s10  }
0x32: {  	s10 =	sld [smem:$0x3FB5];
	_ =	sdelay $0x3  }
0x33: {  	p0 =	seq.s32 s10, $0x1;
	s10 =	sld [smem:$0x3FB7];
	_ =	sdelay $0x3  }
0x34: {  	[smem:$0x3FB7] =	sst s10  }
0x35: {  	s10 =	sld [smem:$0x3FB6];
	_ =	sdelay $0x3  }
0x36: {  	p1 =	seq.s32 s10, $0x1;
	s10 =	sld [smem:$0x3FB7];
	_ =	sdelay $0x3  }
0x37: {  	[smem:$0x3FB7] =	sst s10  }
0x38: {  	s10 =	sld [smem:$0x3FB8]  }
0x39: {  	_ = 	snop;
	(pc) =	sbr.ind lr, $3  }
0x3a: {  	_ = 	snop  }
0x3b: {  	_ = 	snop  }
0x3c: {  	p2 =	seq.s32 s10, $0x1;
	s10 =	sld [smem:$0x3FB7]  }
0x3d: {  	_ =	shalt  }
0x3e: {  	_ =	shalt  }
0x3f: {  	_ =	shalt  }
0x40: {  	_ =	shalt  }
0x41: {  	_ =	shalt  }
0x42: {  	_ =	shalt  }
0x43: {  	_ =	shalt  }
0x44: {  	_ =	shalt  }
0x45: {  	_ =	shalt  }
0x46: {  	_ =	shalt  }
0x47: {  	_ =	shalt  }
0x48: {  	_ =	shalt  }
0x49: {  	_ =	shalt  }
0x4a: {  	_ =	shalt  }
0x4b: {  	_ =	shalt  }
0x4c: {  	_ =	shalt  }
0x4d: {  	_ =	shalt  }
0x4e: {  	_ =	shalt  }
0x4f: {  	_ =	shalt  }
0x50: {  	_ =	shalt  }
0x51: {  	_ =	shalt  }
0x52: {  	_ =	shalt  }
0x53: {  	_ =	shalt  }
0x54: {  	_ =	shalt  }
0x55: {  	_ =	shalt  }
0x56: {  	_ =	shalt  }
0x57: {  	_ =	shalt  }
0x58: {  	_ =	shalt  }
0x59: {  	_ =	shalt  }
0x5a: {  	_ =	shalt  }
0x5b: {  	_ =	shalt  }
0x5c: {  	_ =	shalt  }
0x5d: {  	_ =	shalt  }
0x5e: {  	_ =	shalt  }
0x5f: {  	_ =	shalt  }
0x60: {  	_ =	shalt  }
0x61: {  	_ =	shalt  }
0x62: {  	_ =	shalt  }
0x63: {  	_ =	shalt  }
0x64: {  	_ =	shalt  }
0x65: {  	_ =	shalt  }
0x66: {  	_ =	shalt  }
0x67: {  	_ =	shalt  }
0x68: {  	_ =	shalt  }
0x69: {  	_ =	shalt  }
0x6a: {  	_ =	shalt  }
0x6b: {  	_ =	shalt  }
0x6c: {  	_ =	shalt  }
0x6d: {  	_ =	shalt  }
0x6e: {  	_ =	shalt  }
0x6f: {  	_ =	shalt  }
0x70: {  	_ =	shalt  }
0x71: {  	_ =	shalt  }
0x72: {  	_ =	shalt  }
0x73: {  	_ =	shalt  }
0x74: {  	_ =	shalt  }
0x75: {  	_ =	shalt  }
0x76: {  	_ =	shalt  }
0x77: {  	_ =	shalt  }
0x78: {  	_ =	shalt  }
0x79: {  	_ =	shalt  }
0x7a: {  	_ =	shalt  }
0x7b: {  	_ =	shalt  }
0x7c: {  	_ =	shalt  }
0x7d: {  	_ =	shalt  }
0x7e: {  	_ =	shalt  }
0x7f: {  	_ =	shalt  }
0x80: {  	_ =	shalt  }
0x81: {  	_ =	shalt  }
0x82: {  	_ =	shalt  }
0x83: {  	_ =	shalt  }
0x84: {  	_ =	shalt  }
0x85: {  	_ =	shalt  }
0x86: {  	_ =	shalt  }
0x87: {  	_ =	shalt  }
.Lfunc_end0:
.L_simem_size_0:
called_computation.1_lowered:
.L_overlay_start_0:
0x88: {  	s2 =	sld [smem:$0x3FD9]  }
0x89: {  	s3 =	sld [smem:$0x3FFE];
	_ =	sdelay $0x1  }
0x8a: {  	s1 =	srdreg.scid  }
0x8b: {  	s0 =	sand.u32 $0x1, s1  }
0x8c: {  	s14 =	sshll.u32 s0, $0xA;
	s2 =	sadd.s32 s3, s2  }
0x8d: {  	s2 =	sadd.s32 s2, s14  }
0x8e: {  	[smem:$0x3FC3] =	sst s2  }
0x8f: {  	_ = 	snop  }
0x90: {  	s2 =	sld [smem:$0x3FD0];
	_ =	sdelay $0x2  }
0x91: {  	s15 =	simm.s32 $0xA;
	s4 =	simm.s32 $0x10  }
0x92: {  	[smem:s4], [sflag:s15] =	dma.local [hbm:s2], $0x1  }
0x93: {  	_ =	swait.eq [sflag:s15], $0x1  }
0x94: {  	[sflag:s15] =	ssyncset.done $0x0  }
0x95: {  	[sflag:s15] =	ssyncadd.s32 $0xFFFFFFFF  }
0x96: {  	s16 =	sld [smem:$0x10];
	(tm) =	ssettm $0x1  }
0x97: {  	s17 =	sld [smem:$0x3FFB];
	_ =	sdelay $0x3  }
0x98: {  	_ =	strace s17  }
0x99: {  	s3 =	sld [smem:$0x3FFC];
	_ =	sdelay $0x3  }
0x9a: {  	_ =	strace s3  }
0x9b: {  	s3 =	sld [smem:$0x3FFD];
	_ =	sdelay $0x3  }
0x9c: {  	_ =	strace s3  }
0x9d: {  	_ =	strace $0x8FFFFFFF  }
0x9e: {  	s18 =	sld [smem:$0x3FDB];
	_ =	sdelay $0x1  }
0x9f: {  	s19 =	simm.s32 $_scs_section_size  }
0xa0: {  	s5 =	simm.s32 $_size__tile_overlayer_lowered;
	s6 =	simm.s32 $_tile_overlayer_lowered  }
0xa1: {  	s22 =	simm.s32 $0x1BFF;
	s21 =	sshll.u32 s6, $0x1;
	s3 =	sadd.s32 s19, s18  }
0xa2: {  	s7 =	simm.s32 $0x0;
	s20 =	sshll.u32 s5, $0x1;
	s5 =	sadd.s32 s21, s3  }
0xa3: {  	[timem:s7], [sflag:s22] =	dma.local [hbm:s5], s20  }
0xa4: {  	_ =	swait.ge [sflag:s22], s20  }
0xa5: {  	s4 =	ssub.s32 $0x0, s20;
	[sflag:s22] =	ssyncset.done $0x0  }
0xa6: {  	[sflag:s22] =	ssyncadd.s32 s4;
	_ =	sdelay $0x1  }
0xa7: {  	s23 =	simm.s32 $0x1B8B  }
0xa8: {  	_ =	swait.ge [sflag:s23], $0x1  }
0xa9: {  	[sflag:s23] =	ssyncset.done $0x0  }
0xaa: {  	s25 =	simm.s32 $0x1B8E;
	s24 =	sld [smem:$0x3FFE];
	[sflag:s23] =	ssyncadd.s32 $0xFFFFFFFF  }
0xab: {  	s26 =	simm.s32 $execute0_lowered;
	[smem:$0x3FD2] =	sst s25  }
0xac: {  	s5 =	sshll.u32 s26, $0x1;
	_ =	strace $0x8000004C;
	[dreg:$0x1] =	wrdreg $0xFFFFFFFF  }
0xad: {  	s28 =	simm.s32 $_size_execute0_lowered;
	s3 =	sadd.s32 s3, s5;
	[dreg:$0x0] =	wrdreg $0x0  }
0xae: {  	s5 =	sshll.u32 s28, $0x1;
	[dreg:$0x2] =	wrdreg s3  }
0xaf: {  	[dreg:$0x3] =	wrdreg s5  }
0xb0: {  	[dreg:$0x4] =	wrdreg $0xC0  }
0xb1: {  	_ =	task [dreg:s7], $0x5FFFF  }
0xb2: {  	[dreg:$0x1] =	wrdreg $0xFFFFFFFF  }
0xb3: {  	[dreg:$0x0] =	wrdreg $0x60  }
0xb4: {  	[dreg:$0x2] =	wrdreg s24  }
0xb5: {  	[dreg:$0x3] =	wrdreg s16  }
0xb6: {  	[dreg:$0x4] =	wrdreg $0x9  }
0xb7: {  	_ =	task.clear_ibuf [dreg:s7], $0x5FFFF;
	_ =	strace $0x9000004C  }
0xb8: {  	s29 =	simm.s32 $0x9;
	_ =	strace $0x8000004E  }
0xb9: {  	_ =	swait.ge [sflag:s29], $0x1  }
0xba: {  	[sflag:s29] =	ssyncadd.s32 $0xFFFFFFFF  }
0xbb: {  	_ =	strace $0x9000004E  }
0xbc: {  	_ =	sfence  }
0xbd: {  	s30 =	sld [smem:$0x0];
	_ =	sdelay $0x2  }
0xbe: {  	s31 =	sshll.u32 s1, $0xD;
	s1 =	sshrl.u32 s1, $0x2  }
0xbf: {  	s3 =	sand.u32 $0x4000, s31;
	s1 =	sadd.s32 s1, s30  }
0xc0: {  	s0 =	sor.u32 s3, s0;
	s1 =	sshll.u32 s1, $0x11  }
0xc1: {  	s0 =	sor.u32 s1, s0  }
0xc2: {  	s0 =	sadd.s32 $0x8F2B, s0  }
0xc3: {  	[sflag:s0] =	ssyncadd.remote.s32 $0x1  }
0xc4: {  	_ =	sfence.sel $0xFFFF  }
0xc5: {  	[dreg:$0x0] =	wrdreg $0xFFFFFFFF;
	(pc) =	sbr.abs _section_cstart, $3  }
0xc6: {  	[dreg:$0x1] =	wrdreg $0xFFFFFFFF  }
0xc7: {  	_ =	task.clear_ibuf [dreg:s7], $0x2FFFF;
	_ =	strace $0x9FFFFFFF  }
0xc8: {  	(tm) =	ssettm $0x7FFFFFFF  }
0xc9: {  	_ =	shalt  }
tec
execute0_lowered:
.L_overlay_start_1:
0x0: {  	(tag) =	ssettag $0x1  }
0x1: {  	s0 =	rddreg [dreg:$0x0]  }
0x2: {  	s2 =	rddreg [dreg:$0x1]  }
0x3: {  	s1 =	simm.s32 $0x0;
	s4 =	srdreg.scid;
	s6 =	stileid.u32  }
0x4: {  	s13 =	simm.s32 $0x7;
	s17 =	simm.s32 $0x200;
	s23 =	simm.s32 $0x6200  }
0x5: {  	s24 =	simm.s32 $0x15200;
	s25 =	simm.s32 $0x15A00;
	s28 =	simm.s32 $0x16A00  }
0x6: {  	s29 =	simm.s32 $0x17200;
	s30 =	simm.s32 $0x17A00;
	s31 =	simm.s32 $0x1  }
0x7: {  	s14 =	simm.s32 $0x4;
	s15 =	simm.s32 $0x5;
	s16 =	simm.s32 $0x6  }
0x8: {  	s18 =	simm.s32 $0x0;
	[smem:$0x7FF] =	sst s1;
	s3 =	sadd.s32 $0x90E00, s0  }
0x9: {  	s4 =	sand.u32 $0x1, s4;
	s6 =	sshll.u32 s6, $0x4;
	s7 =	sadd.s32 $0x200, s0  }
0xa: {  	s9 =	sadd.s32 $0x91000, s0;
	s5 =	ssub.s32 $0x2, s4;
	s4 =	sshll.u32 s4, $0x3  }
0xb: {  	_ =	strace $0x8000004D;
	s8 =	sshrl.u32 s5, $0x1;
	s6 =	sor.u32 s4, s6  }
0xc: {  	s12 =	ssub.s32 s5, s8;
	s26 =	sor.u32 $0x4, s6;
	s10 =	smul.u32 $0x300, s6  }
0xd: {  	s4 =	sadd.s32 s0, s6;
	s5 =	sadd.s32 s7, s6;
	s8 =	sadd.s32 $0x90F00, s0  }
0xe: {  	v2 =	vlaneseq.u32;
	s11 =	smul.u32 $0x300, s26;
	s6 =	sadd.s32 s0, s26;
	s7 =	sadd.s32 s7, s26  }
0xf: {  	vm0 =	vmmov $0xffff;
	v1 =	vshrl.u32 v2, $0x3;
	s12 =	smax.u32 s12, $0x1;
	s26 =	simm.s32 $0x16200;
	s0 =	simm.s32 $0x2  }
0x10: {  	v0 =	vand.u32 $0x7, v2;
	v2 =	vor.u32 $0x8, v2;
	v1 =	vmul.u32 $0x8, v1;
	s10 =	sadd.s32 s2, s10;
	s11 =	sadd.s32 s2, s11;
	s2 =	simm.s32 $0x3  }
.LBB2_1:
0x11: {  	[tilespmem:s1], [sflag:$0x7] =	stream.linear.gather [hbm4b:s4+s1], $0x20, $0x38;
	[tilespmem:$0x18200] =	vst v63  }
0x12: {  	_ =	swait.ge [sflag:s13], $0x20  }
0x13: {  	[sflag:s13] =	ssyncset.done $0x0  }
0x14: {  	s19 =	simm.s32 $0x80;
	[sflag:s13] =	ssyncadd.s32 $0xFFFFFFE0  }
0x15: {  	[tilespmem:s19], [sflag:$0x7] =	stream.linear.gather [hbm4b:s5+s1], $0x20, $0x38;
	[tilespmem:$0x18200] =	vst v63  }
0x16: {  	_ =	swait.ge [sflag:s13], $0x20  }
0x17: {  	[sflag:s13] =	ssyncset.done $0x0  }
0x18: {  	s20 =	simm.s32 $0x100;
	[sflag:s13] =	ssyncadd.s32 $0xFFFFFFE0  }
0x19: {  	[tilespmem:s20], [sflag:$0x7] =	stream.linear.gather [hbm4b:s6+s1], $0x20, $0x38;
	[tilespmem:$0x18200] =	vst v63  }
0x1a: {  	_ =	swait.ge [sflag:s13], $0x20  }
0x1b: {  	[sflag:s13] =	ssyncset.done $0x0  }
0x1c: {  	s21 =	simm.s32 $0x180;
	[sflag:s13] =	ssyncadd.s32 $0xFFFFFFE0  }
0x1d: {  	[tilespmem:s21], [sflag:$0x7] =	stream.linear.gather [hbm4b:s7+s1], $0x20, $0x38;
	[tilespmem:$0x18200] =	vst v63  }
0x1e: {  	_ =	swait.ge [sflag:s13], $0x20  }
0x1f: {  	[sflag:s13] =	ssyncset.done $0x0  }
0x20: {  	[sflag:s13] =	ssyncadd.s32 $0xFFFFFFE0  }
0x21: {  	v3 =	vld [tilespmem:$0x0];
	_ =	sdelay $0x4  }
0x22: {  	v4 =	vshrl.u32 v3, $0x3  }
0x23: {  	v4 =	vmul.u32 $0x30, v4  }
0x24: {  	v3 =	vand.u32 $0x7, v3  }
0x25: {  	v3 =	vor.u32 v3, v4  }
0x26: {  	v4 =	vperm.xlane v3, v0;
	_ =	sdelay $0x1  }
0x27: {  	v4 =	vadd.s32 v1, v4;
	_ =	sdelay $0x3  }
0x28: {  	v3 =	vperm.xlane v3, v2  }
0x29: {  	[tilespmem:s17], [sflag:$0x1] =	stream.indirect_vreg.gather [hbm4b:s3+s1], $0x80, v4, vm0, $0xb8;
	[tilespmem:$0x18200] =	vst v63  }
0x2a: {  	s22 =	simm.s32 $0xA00;
	v3 =	vadd.s32 v1, v3  }
0x2b: {  	[tilespmem:s22], [sflag:$0x1] =	stream.indirect_vreg.gather [hbm4b:s8+s1], $0x80, v4, vm0, $0xb8;
	[tilespmem:$0x18200] =	vst v63  }
0x2c: {  	s20 =	simm.s32 $0x1200  }
0x2d: {  	[tilespmem:s20], [sflag:$0x1] =	stream.indirect_vreg.gather [hbm4b:s9+s1], $0x80, v4, vm0, $0xb8;
	[tilespmem:$0x18200] =	vst v63  }
0x2e: {  	s21 =	simm.s32 $0x1A00  }
0x2f: {  	[tilespmem:s21], [sflag:$0x1] =	stream.indirect_vreg.gather [hbm4b:s3+s1], $0x80, v3, vm0, $0xb8;
	[tilespmem:$0x18200] =	vst v63  }
0x30: {  	s22 =	simm.s32 $0x2200  }
0x31: {  	[tilespmem:s22], [sflag:$0x1] =	stream.indirect_vreg.gather [hbm4b:s8+s1], $0x80, v3, vm0, $0xb8;
	[tilespmem:$0x18200] =	vst v63  }
0x32: {  	s20 =	simm.s32 $0x2A00  }
0x33: {  	[tilespmem:s20], [sflag:$0x1] =	stream.indirect_vreg.gather [hbm4b:s9+s1], $0x80, v3, vm0, $0xb8;
	[tilespmem:$0x18200] =	vst v63  }
0x34: {  	v3 =	vld [tilespmem:$0x10];
	_ =	sdelay $0x4  }
0x35: {  	v57 =	vshrl.u32 v3, $0x3  }
0x36: {  	v4 =	vmul.u32 $0x30, v57  }
0x37: {  	v3 =	vand.u32 $0x7, v3  }
0x38: {  	v3 =	vor.u32 v3, v4  }
0x39: {  	v4 =	vperm.xlane v3, v0;
	_ =	sdelay $0x1  }
0x3a: {  	v4 =	vadd.s32 v1, v4;
	_ =	sdelay $0x3  }
0x3b: {  	s21 =	simm.s32 $0x3200;
	v3 =	vperm.xlane v3, v2  }
0x3c: {  	[tilespmem:s21], [sflag:$0x1] =	stream.indirect_vreg.gather [hbm4b:s3+s1], $0x80, v4, vm0, $0xb8;
	[tilespmem:$0x18200] =	vst v63  }
0x3d: {  	s22 =	simm.s32 $0x3A00;
	v3 =	vadd.s32 v1, v3  }
0x3e: {  	[tilespmem:s22], [sflag:$0x1] =	stream.indirect_vreg.gather [hbm4b:s8+s1], $0x80, v4, vm0, $0xb8;
	[tilespmem:$0x18200] =	vst v63  }
0x3f: {  	s20 =	simm.s32 $0x4200  }
0x40: {  	[tilespmem:s20], [sflag:$0x1] =	stream.indirect_vreg.gather [hbm4b:s9+s1], $0x80, v4, vm0, $0xb8;
	[tilespmem:$0x18200] =	vst v63  }
0x41: {  	s21 =	simm.s32 $0x4A00  }
0x42: {  	[tilespmem:s21], [sflag:$0x1] =	stream.indirect_vreg.gather [hbm4b:s3+s1], $0x80, v3, vm0, $0xb8;
	[tilespmem:$0x18200] =	vst v63  }
0x43: {  	s22 =	simm.s32 $0x5200  }
0x44: {  	[tilespmem:s22], [sflag:$0x1] =	stream.indirect_vreg.gather [hbm4b:s8+s1], $0x80, v3, vm0, $0xb8;
	[tilespmem:$0x18200] =	vst v63  }
0x45: {  	s20 =	simm.s32 $0x5A00  }
0x46: {  	[tilespmem:s20], [sflag:$0x1] =	stream.indirect_vreg.gather [hbm4b:s9+s1], $0x80, v3, vm0, $0xb8;
	[tilespmem:$0x18200] =	vst v63  }
0x47: {  	v3 =	vld [tilespmem:$0x80];
	_ =	sdelay $0x4  }
0x48: {  	v58 =	vshrl.u32 v3, $0x3  }
0x49: {  	v4 =	vmul.u32 $0x30, v58  }
0x4a: {  	v3 =	vand.u32 $0x7, v3  }
0x4b: {  	v3 =	vor.u32 v3, v4  }
0x4c: {  	v4 =	vperm.xlane v3, v0;
	_ =	sdelay $0x1  }
0x4d: {  	v4 =	vadd.s32 v1, v4;
	_ =	sdelay $0x3  }
0x4e: {  	s21 =	simm.s32 $0xC200;
	v3 =	vperm.xlane v3, v2  }
0x4f: {  	[tilespmem:s21], [sflag:$0x2] =	stream.indirect_vreg.gather [hbm4b:s3+s1], $0x80, v4, vm0, $0xb8;
	[tilespmem:$0x18200] =	vst v63  }
0x50: {  	s22 =	simm.s32 $0xCA00;
	v3 =	vadd.s32 v1, v3  }
0x51: {  	[tilespmem:s22], [sflag:$0x2] =	stream.indirect_vreg.gather [hbm4b:s8+s1], $0x80, v4, vm0, $0xb8;
	[tilespmem:$0x18200] =	vst v63  }
0x52: {  	s20 =	simm.s32 $0xD200  }
0x53: {  	[tilespmem:s20], [sflag:$0x2] =	stream.indirect_vreg.gather [hbm4b:s9+s1], $0x80, v4, vm0, $0xb8;
	[tilespmem:$0x18200] =	vst v63  }
0x54: {  	s21 =	simm.s32 $0xDA00  }
0x55: {  	[tilespmem:s21], [sflag:$0x2] =	stream.indirect_vreg.gather [hbm4b:s3+s1], $0x80, v3, vm0, $0xb8;
	[tilespmem:$0x18200] =	vst v63  }
0x56: {  	s22 =	simm.s32 $0xE200  }
0x57: {  	[tilespmem:s22], [sflag:$0x2] =	stream.indirect_vreg.gather [hbm4b:s8+s1], $0x80, v3, vm0, $0xb8;
	[tilespmem:$0x18200] =	vst v63  }
0x58: {  	s20 =	simm.s32 $0xEA00  }
0x59: {  	[tilespmem:s20], [sflag:$0x2] =	stream.indirect_vreg.gather [hbm4b:s9+s1], $0x80, v3, vm0, $0xb8;
	[tilespmem:$0x18200] =	vst v63  }
0x5a: {  	v3 =	vld [tilespmem:$0x90];
	_ =	sdelay $0x4  }
0x5b: {  	v59 =	vshrl.u32 v3, $0x3  }
0x5c: {  	v4 =	vmul.u32 $0x30, v59  }
0x5d: {  	v3 =	vand.u32 $0x7, v3  }
0x5e: {  	v3 =	vor.u32 v3, v4  }
0x5f: {  	v4 =	vperm.xlane v3, v0;
	_ =	sdelay $0x1  }
0x60: {  	v4 =	vadd.s32 v1, v4;
	_ =	sdelay $0x3  }
0x61: {  	s21 =	simm.s32 $0xF200;
	v3 =	vperm.xlane v3, v2  }
0x62: {  	[tilespmem:s21], [sflag:$0x2] =	stream.indirect_vreg.gather [hbm4b:s3+s1], $0x80, v4, vm0, $0xb8;
	[tilespmem:$0x18200] =	vst v63  }
0x63: {  	s22 =	simm.s32 $0xFA00;
	v3 =	vadd.s32 v1, v3  }
0x64: {  	[tilespmem:s22], [sflag:$0x2] =	stream.indirect_vreg.gather [hbm4b:s8+s1], $0x80, v4, vm0, $0xb8;
	[tilespmem:$0x18200] =	vst v63  }
0x65: {  	s20 =	simm.s32 $0x10200  }
0x66: {  	[tilespmem:s20], [sflag:$0x2] =	stream.indirect_vreg.gather [hbm4b:s9+s1], $0x80, v4, vm0, $0xb8;
	[tilespmem:$0x18200] =	vst v63  }
0x67: {  	s21 =	simm.s32 $0x10A00  }
0x68: {  	[tilespmem:s21], [sflag:$0x2] =	stream.indirect_vreg.gather [hbm4b:s3+s1], $0x80, v3, vm0, $0xb8;
	[tilespmem:$0x18200] =	vst v63  }
0x69: {  	s22 =	simm.s32 $0x11200  }
0x6a: {  	[tilespmem:s22], [sflag:$0x2] =	stream.indirect_vreg.gather [hbm4b:s8+s1], $0x80, v3, vm0, $0xb8;
	[tilespmem:$0x18200] =	vst v63  }
0x6b: {  	s20 =	simm.s32 $0x11A00  }
0x6c: {  	[tilespmem:s20], [sflag:$0x2] =	stream.indirect_vreg.gather [hbm4b:s9+s1], $0x80, v3, vm0, $0xb8;
	[tilespmem:$0x18200] =	vst v63  }
0x6d: {  	v3 =	vld [tilespmem:$0x100];
	_ =	sdelay $0x4  }
0x6e: {  	v60 =	vshrl.u32 v3, $0x3  }
0x6f: {  	v4 =	vmul.u32 $0x30, v60  }
0x70: {  	v3 =	vand.u32 $0x7, v3  }
0x71: {  	v3 =	vor.u32 v3, v4  }
0x72: {  	v4 =	vperm.xlane v3, v0;
	_ =	sdelay $0x1  }
0x73: {  	v4 =	vadd.s32 v1, v4;
	_ =	sdelay $0x3  }
0x74: {  	v3 =	vperm.xlane v3, v2  }
0x75: {  	[tilespmem:s23], [sflag:$0x3] =	stream.indirect_vreg.gather [hbm4b:s3+s1], $0x80, v4, vm0, $0xb8;
	[tilespmem:$0x18200] =	vst v63  }
0x76: {  	s21 =	simm.s32 $0x6A00;
	v3 =	vadd.s32 v1, v3  }
0x77: {  	[tilespmem:s21], [sflag:$0x3] =	stream.indirect_vreg.gather [hbm4b:s8+s1], $0x80, v4, vm0, $0xb8;
	[tilespmem:$0x18200] =	vst v63  }
0x78: {  	s22 =	simm.s32 $0x7200  }
0x79: {  	[tilespmem:s22], [sflag:$0x3] =	stream.indirect_vreg.gather [hbm4b:s9+s1], $0x80, v4, vm0, $0xb8;
	[tilespmem:$0x18200] =	vst v63  }
0x7a: {  	s20 =	simm.s32 $0x7A00  }
0x7b: {  	[tilespmem:s20], [sflag:$0x3] =	stream.indirect_vreg.gather [hbm4b:s3+s1], $0x80, v3, vm0, $0xb8;
	[tilespmem:$0x18200] =	vst v63  }
0x7c: {  	s21 =	simm.s32 $0x8200  }
0x7d: {  	[tilespmem:s21], [sflag:$0x3] =	stream.indirect_vreg.gather [hbm4b:s8+s1], $0x80, v3, vm0, $0xb8;
	[tilespmem:$0x18200] =	vst v63  }
0x7e: {  	s22 =	simm.s32 $0x8A00  }
0x7f: {  	[tilespmem:s22], [sflag:$0x3] =	stream.indirect_vreg.gather [hbm4b:s9+s1], $0x80, v3, vm0, $0xb8;
	[tilespmem:$0x18200] =	vst v63  }
0x80: {  	v3 =	vld [tilespmem:$0x110];
	_ =	sdelay $0x4  }
0x81: {  	v61 =	vshrl.u32 v3, $0x3  }
0x82: {  	v4 =	vmul.u32 $0x30, v61  }
0x83: {  	v3 =	vand.u32 $0x7, v3  }
0x84: {  	v3 =	vor.u32 v3, v4  }
0x85: {  	v4 =	vperm.xlane v3, v0;
	_ =	sdelay $0x1  }
0x86: {  	v4 =	vadd.s32 v1, v4;
	_ =	sdelay $0x3  }
0x87: {  	s20 =	simm.s32 $0x9200;
	v3 =	vperm.xlane v3, v2  }
0x88: {  	[tilespmem:s20], [sflag:$0x3] =	stream.indirect_vreg.gather [hbm4b:s3+s1], $0x80, v4, vm0, $0xb8;
	[tilespmem:$0x18200] =	vst v63  }
0x89: {  	s21 =	simm.s32 $0x9A00;
	v3 =	vadd.s32 v1, v3  }
0x8a: {  	[tilespmem:s21], [sflag:$0x3] =	stream.indirect_vreg.gather [hbm4b:s8+s1], $0x80, v4, vm0, $0xb8;
	[tilespmem:$0x18200] =	vst v63  }
0x8b: {  	s22 =	simm.s32 $0xA200  }
0x8c: {  	[tilespmem:s22], [sflag:$0x3] =	stream.indirect_vreg.gather [hbm4b:s9+s1], $0x80, v4, vm0, $0xb8;
	[tilespmem:$0x18200] =	vst v63  }
0x8d: {  	s20 =	simm.s32 $0xAA00  }
0x8e: {  	[tilespmem:s20], [sflag:$0x3] =	stream.indirect_vreg.gather [hbm4b:s3+s1], $0x80, v3, vm0, $0xb8;
	[tilespmem:$0x18200] =	vst v63  }
0x8f: {  	s21 =	simm.s32 $0xB200  }
0x90: {  	[tilespmem:s21], [sflag:$0x3] =	stream.indirect_vreg.gather [hbm4b:s8+s1], $0x80, v3, vm0, $0xb8;
	[tilespmem:$0x18200] =	vst v63  }
0x91: {  	s22 =	simm.s32 $0xBA00  }
0x92: {  	[tilespmem:s22], [sflag:$0x3] =	stream.indirect_vreg.gather [hbm4b:s9+s1], $0x80, v3, vm0, $0xb8;
	[tilespmem:$0x18200] =	vst v63  }
0x93: {  	v3 =	vld [tilespmem:$0x180];
	_ =	sdelay $0x4  }
0x94: {  	v62 =	vshrl.u32 v3, $0x3  }
0x95: {  	v4 =	vmul.u32 $0x30, v62  }
0x96: {  	v3 =	vand.u32 $0x7, v3  }
0x97: {  	v3 =	vor.u32 v3, v4  }
0x98: {  	v4 =	vperm.xlane v3, v0;
	_ =	sdelay $0x1  }
0x99: {  	v4 =	vadd.s32 v1, v4;
	_ =	sdelay $0x3  }
0x9a: {  	s20 =	simm.s32 $0x12200;
	v3 =	vperm.xlane v3, v2  }
0x9b: {  	[tilespmem:s20], [sflag:$0x4] =	stream.indirect_vreg.gather [hbm4b:s3+s1], $0x80, v4, vm0, $0xb8;
	[tilespmem:$0x18200] =	vst v63  }
0x9c: {  	s21 =	simm.s32 $0x12A00;
	v3 =	vadd.s32 v1, v3  }
0x9d: {  	[tilespmem:s21], [sflag:$0x4] =	stream.indirect_vreg.gather [hbm4b:s8+s1], $0x80, v4, vm0, $0xb8;
	[tilespmem:$0x18200] =	vst v63  }
0x9e: {  	s22 =	simm.s32 $0x13200  }
0x9f: {  	[tilespmem:s22], [sflag:$0x4] =	stream.indirect_vreg.gather [hbm4b:s9+s1], $0x80, v4, vm0, $0xb8;
	[tilespmem:$0x18200] =	vst v63  }
0xa0: {  	s20 =	simm.s32 $0x13A00  }
0xa1: {  	[tilespmem:s20], [sflag:$0x4] =	stream.indirect_vreg.gather [hbm4b:s3+s1], $0x80, v3, vm0, $0xb8;
	[tilespmem:$0x18200] =	vst v63  }
0xa2: {  	s21 =	simm.s32 $0x14200  }
0xa3: {  	[tilespmem:s21], [sflag:$0x4] =	stream.indirect_vreg.gather [hbm4b:s8+s1], $0x80, v3, vm0, $0xb8;
	[tilespmem:$0x18200] =	vst v63  }
0xa4: {  	s22 =	simm.s32 $0x14A00  }
0xa5: {  	[tilespmem:s22], [sflag:$0x4] =	stream.indirect_vreg.gather [hbm4b:s9+s1], $0x80, v3, vm0, $0xb8;
	[tilespmem:$0x18200] =	vst v63  }
0xa6: {  	v3 =	vld [tilespmem:$0x190];
	_ =	sdelay $0x4  }
0xa7: {  	v63 =	vshrl.u32 v3, $0x3  }
0xa8: {  	v4 =	vmul.u32 $0x30, v63  }
0xa9: {  	v3 =	vand.u32 $0x7, v3  }
0xaa: {  	v3 =	vor.u32 v3, v4  }
0xab: {  	v4 =	vperm.xlane v3, v0;
	_ =	sdelay $0x1  }
0xac: {  	v4 =	vadd.s32 v1, v4;
	_ =	sdelay $0x3  }
0xad: {  	v3 =	vperm.xlane v3, v2  }
0xae: {  	[tilespmem:s24], [sflag:$0x4] =	stream.indirect_vreg.gather [hbm4b:s3+s1], $0x80, v4, vm0, $0xb8;
	[tilespmem:$0x18200] =	vst v63  }
0xaf: {  	v3 =	vadd.s32 v1, v3  }
0xb0: {  	[tilespmem:s25], [sflag:$0x4] =	stream.indirect_vreg.gather [hbm4b:s8+s1], $0x80, v4, vm0, $0xb8;
	[tilespmem:$0x18200] =	vst v63  }
0xb1: {  	_ = 	snop  }
0xb2: {  	[tilespmem:s26], [sflag:$0x4] =	stream.indirect_vreg.gather [hbm4b:s9+s1], $0x80, v4, vm0, $0xb8;
	[tilespmem:$0x18200] =	vst v63  }
0xb3: {  	_ = 	snop  }
0xb4: {  	[tilespmem:s28], [sflag:$0x4] =	stream.indirect_vreg.gather [hbm4b:s3+s1], $0x80, v3, vm0, $0xb8;
	[tilespmem:$0x18200] =	vst v63  }
0xb5: {  	_ = 	snop  }
0xb6: {  	[tilespmem:s29], [sflag:$0x4] =	stream.indirect_vreg.gather [hbm4b:s8+s1], $0x80, v3, vm0, $0xb8;
	[tilespmem:$0x18200] =	vst v63  }
0xb7: {  	_ = 	snop  }
0xb8: {  	[tilespmem:s30], [sflag:$0x4] =	stream.indirect_vreg.gather [hbm4b:s9+s1], $0x80, v3, vm0, $0xb8;
	[tilespmem:$0x18200] =	vst v63  }
0xb9: {  	_ =	swait.ge [sflag:s31], $0x6000  }
0xba: {  	[sflag:s31] =	ssyncset.done $0x0  }
0xbb: {  	[sflag:s31] =	ssyncadd.s32 $0xFFFFA000  }
0xbc: {  	_ =	swait.ge [sflag:s0], $0x6000  }
0xbd: {  	[sflag:s0] =	ssyncset.done $0x0  }
0xbe: {  	s19 =	simm.s32 $0x0;
	s20 =	simm.s32 $0x0;
	[sflag:s0] =	ssyncadd.s32 $0xFFFFA000  }
.LBB2_2:
0xbf: {  	s21 =	sand.u32 $0x70, s20;
	s22 =	sand.u32 $0x1C00, s19  }
0xc0: {  	s21 =	sor.u32 s21, s22  }
0xc1: {  	v3 =	vld [tilespmem:s21+$0x200]  }
0xc2: {  	v4 =	vld [tilespmem:s21+$0xC200]  }
0xc3: {  	v5 =	vld [tilespmem:s21+$0x280]  }
0xc4: {  	v6 =	vld [tilespmem:s21+$0xC280]  }
0xc5: {  	v7 =	vld [tilespmem:s21+$0x300]  }
0xc6: {  	v8 =	vld [tilespmem:s21+$0xC300]  }
0xc7: {  	v9 =	vld [tilespmem:s21+$0x380]  }
0xc8: {  	v10 =	vld [tilespmem:s21+$0xC380]  }
0xc9: {  	v11 =	vld [tilespmem:s21+$0x400]  }
0xca: {  	v12 =	vld [tilespmem:s21+$0xC400]  }
0xcb: {  	v13 =	vld [tilespmem:s21+$0x480]  }
0xcc: {  	v14 =	vld [tilespmem:s21+$0xC480]  }
0xcd: {  	v50 =	vld [tilespmem:s21+$0x500];
	v3 =	vadd.f32 v4, v3  }
0xce: {  	v51 =	vld [tilespmem:s21+$0xC500];
	v5 =	vadd.f32 v6, v5  }
0xcf: {  	[tilespmem:s21+$0x200] =	vst v3;
	v3 =	vadd.f32 v8, v7  }
0xd0: {  	v52 =	vadd.f32 v10, v9;
	[tilespmem:s21+$0x280] =	vst v5  }
0xd1: {  	[tilespmem:s21+$0x300] =	vst v3;
	v3 =	vadd.f32 v12, v11  }
0xd2: {  	v53 =	vadd.f32 v14, v13;
	[tilespmem:s21+$0x380] =	vst v52  }
0xd3: {  	[tilespmem:s21+$0x400] =	vst v3;
	v3 =	vadd.f32 v51, v50  }
0xd4: {  	s22 =	sor.u32 s19, s20;
	[tilespmem:s21+$0x480] =	vst v53  }
0xd5: {  	s22 =	sor.u32 $0x380, s22;
	[tilespmem:s21+$0x500] =	vst v3  }
0xd6: {  	v3 =	vld [tilespmem:s22+$0x200]  }
0xd7: {  	v54 =	vld [tilespmem:s22+$0xC200];
	_ =	sdelay $0x4  }
0xd8: {  	v3 =	vadd.f32 v54, v3;
	_ =	sdelay $0x1  }
0xd9: {  	[tilespmem:s22+$0x200] =	vst v3  }
0xda: {  	v3 =	vld [tilespmem:s21+$0x1A00]  }
0xdb: {  	v55 =	vld [tilespmem:s21+$0xDA00]  }
0xdc: {  	v56 =	vld [tilespmem:s21+$0x1A80]  }
0xdd: {  	v57 =	vld [tilespmem:s21+$0xDA80]  }
0xde: {  	v58 =	vld [tilespmem:s21+$0x1B00]  }
0xdf: {  	v59 =	vld [tilespmem:s21+$0xDB00]  }
0xe0: {  	v60 =	vld [tilespmem:s21+$0x1B80]  }
0xe1: {  	v61 =	vld [tilespmem:s21+$0xDB80]  }
0xe2: {  	v62 =	vld [tilespmem:s21+$0x1C00]  }
0xe3: {  	v63 =	vld [tilespmem:s21+$0xDC00]  }
0xe4: {  	v33 =	vld [tilespmem:s21+$0x1C80]  }
0xe5: {  	v34 =	vld [tilespmem:s21+$0xDC80]  }
0xe6: {  	v15 =	vld [tilespmem:s21+$0x1D00]  }
0xe7: {  	v16 =	vld [tilespmem:s21+$0xDD00]  }
0xe8: {  	v17 =	vld [tilespmem:s21+$0x1D80]  }
0xe9: {  	v18 =	vld [tilespmem:s21+$0xDD80]  }
0xea: {  	v19 =	vld [tilespmem:s21+$0x3200]  }
0xeb: {  	v20 =	vld [tilespmem:s21+$0xF200]  }
0xec: {  	v21 =	vld [tilespmem:s21+$0x3280]  }
0xed: {  	v22 =	vld [tilespmem:s21+$0xF280]  }
0xee: {  	v23 =	vld [tilespmem:s21+$0x3300]  }
0xef: {  	v24 =	vld [tilespmem:s21+$0xF300]  }
0xf0: {  	v25 =	vld [tilespmem:s21+$0x3380]  }
0xf1: {  	v26 =	vld [tilespmem:s21+$0xF380]  }
0xf2: {  	v27 =	vld [tilespmem:s21+$0x3400]  }
0xf3: {  	v28 =	vld [tilespmem:s21+$0xF400]  }
0xf4: {  	v29 =	vld [tilespmem:s21+$0x3480]  }
0xf5: {  	v30 =	vld [tilespmem:s21+$0xF480]  }
0xf6: {  	v31 =	vld [tilespmem:s21+$0x3500]  }
0xf7: {  	v35 =	vld [tilespmem:s21+$0xF500];
	v3 =	vadd.f32 v55, v3  }
0xf8: {  	v36 =	vld [tilespmem:s21+$0x3580];
	v5 =	vadd.f32 v57, v56  }
0xf9: {  	v37 =	vld [tilespmem:s21+$0xF580];
	v38 =	vadd.f32 v61, v60;
	[tilespmem:s21+$0x1A00] =	vst v3  }
0xfa: {  	v39 =	vld [tilespmem:s21+$0x4A00];
	v3 =	vadd.f32 v59, v58;
	[tilespmem:s21+$0x1A80] =	vst v5  }
0xfb: {  	v40 =	vld [tilespmem:s21+$0x10A00];
	v41 =	vadd.f32 v34, v33;
	[tilespmem:s21+$0x1B80] =	vst v38  }
0xfc: {  	v42 =	vld [tilespmem:s21+$0x4A80];
	[tilespmem:s21+$0x1B00] =	vst v3;
	v3 =	vadd.f32 v63, v62  }
0xfd: {  	v43 =	vld [tilespmem:s21+$0x10A80];
	v44 =	vadd.f32 v18, v17;
	[tilespmem:s21+$0x1C80] =	vst v41  }
0xfe: {  	v45 =	vld [tilespmem:s21+$0x4B00];
	[tilespmem:s21+$0x1C00] =	vst v3;
	v3 =	vadd.f32 v16, v15  }
0xff: {  	v46 =	vld [tilespmem:s21+$0x10B00];
	v47 =	vadd.f32 v22, v21;
	[tilespmem:s21+$0x1D80] =	vst v44  }
0x100: {  	v48 =	vld [tilespmem:s21+$0x4B80];
	[tilespmem:s21+$0x1D00] =	vst v3;
	v3 =	vadd.f32 v20, v19  }
0x101: {  	v49 =	vld [tilespmem:s21+$0x10B80];
	v50 =	vadd.f32 v26, v25;
	[tilespmem:s21+$0x3280] =	vst v47  }
0x102: {  	v51 =	vld [tilespmem:s21+$0x4C00];
	[tilespmem:s21+$0x3200] =	vst v3;
	v3 =	vadd.f32 v24, v23  }
0x103: {  	v52 =	vld [tilespmem:s21+$0x10C00];
	v53 =	vadd.f32 v30, v29;
	[tilespmem:s21+$0x3380] =	vst v50  }
0x104: {  	v54 =	vld [tilespmem:s21+$0x4C80];
	[tilespmem:s21+$0x3300] =	vst v3;
	v3 =	vadd.f32 v28, v27  }
0x105: {  	v55 =	vld [tilespmem:s21+$0x10C80];
	v56 =	vadd.f32 v37, v36;
	[tilespmem:s21+$0x3480] =	vst v53  }
0x106: {  	v57 =	vld [tilespmem:s21+$0x4D00];
	[tilespmem:s21+$0x3400] =	vst v3;
	v3 =	vadd.f32 v35, v31  }
0x107: {  	v60 =	vld [tilespmem:s21+$0x4D80];
	[tilespmem:s21+$0x3580] =	vst v56;
	v59 =	vadd.f32 v43, v42  }
0x108: {  	v61 =	vld [tilespmem:s21+$0x10D80];
	[tilespmem:s21+$0x3500] =	vst v3;
	v3 =	vadd.f32 v40, v39  }
0x109: {  	v58 =	vld [tilespmem:s21+$0x10D00];
	[tilespmem:s21+$0x4A80] =	vst v59;
	v62 =	vadd.f32 v49, v48  }
0x10a: {  	[tilespmem:s21+$0x4A00] =	vst v3;
	v3 =	vadd.f32 v46, v45  }
0x10b: {  	p0 =	sne.s32 s20, $0x2F0;
	v4 =	vadd.f32 v55, v54;
	[tilespmem:s21+$0x4B80] =	vst v62  }
.Ltmp0:
0x10c: {  	[tilespmem:s21+$0x4B00] =	vst v3;
	v3 =	vadd.f32 v52, v51;
	(pc) =	sbr.rel @p0 .LBB2_2-.Ltmp0, $4  }
0x10d: {  	v63 =	vadd.f32 v61, v60;
	[tilespmem:s21+$0x4C80] =	vst v4  }
0x10e: {  	[tilespmem:s21+$0x4C00] =	vst v3;
	v3 =	vadd.f32 v58, v57  }
0x10f: {  	[tilespmem:s21+$0x4D80] =	vst v63  }
0x110: {  	s19 =	sadd.s32 $0x80, s19;
	s20 =	sadd.s32 $0x10, s20;
	[tilespmem:s21+$0x4D00] =	vst v3  }
0x111: {  	s19 =	simm.s32 $0x0  }
0x112: {  	[hbm4b:s10+s19] =	stream.linear.scatter [tilespmem:s17], [sflag:$0x5], $0x6000, $0x38;
	[tilespmem:$0x18200] =	vst v63  }
0x113: {  	_ =	swait.ge [sflag:s2], $0x6000  }
0x114: {  	[sflag:s2] =	ssyncset.done $0x0  }
0x115: {  	[sflag:s2] =	ssyncadd.s32 $0xFFFFA000  }
0x116: {  	_ =	swait.ge [sflag:s14], $0x6000  }
0x117: {  	[sflag:s14] =	ssyncset.done $0x0  }
0x118: {  	s20 =	simm.s32 $0x0;
	[sflag:s14] =	ssyncadd.s32 $0xFFFFA000  }
.LBB2_4:
0x119: {  	s21 =	sand.u32 $0x70, s20;
	s22 =	sand.u32 $0x1C00, s19  }
0x11a: {  	s21 =	sor.u32 s21, s22  }
0x11b: {  	v3 =	vld [tilespmem:s21+$0x6200]  }
0x11c: {  	v4 =	vld [tilespmem:s21+$0x12200]  }
0x11d: {  	v5 =	vld [tilespmem:s21+$0x6280]  }
0x11e: {  	v6 =	vld [tilespmem:s21+$0x12280]  }
0x11f: {  	v7 =	vld [tilespmem:s21+$0x6300]  }
0x120: {  	v8 =	vld [tilespmem:s21+$0x12300]  }
0x121: {  	v9 =	vld [tilespmem:s21+$0x6380]  }
0x122: {  	v10 =	vld [tilespmem:s21+$0x12380]  }
0x123: {  	v11 =	vld [tilespmem:s21+$0x6400]  }
0x124: {  	v12 =	vld [tilespmem:s21+$0x12400]  }
0x125: {  	v13 =	vld [tilespmem:s21+$0x6480]  }
0x126: {  	v14 =	vld [tilespmem:s21+$0x12480]  }
0x127: {  	v50 =	vld [tilespmem:s21+$0x6500];
	v3 =	vadd.f32 v4, v3  }
0x128: {  	v51 =	vld [tilespmem:s21+$0x12500];
	v5 =	vadd.f32 v6, v5  }
0x129: {  	[tilespmem:s21+$0x6200] =	vst v3;
	v3 =	vadd.f32 v8, v7  }
0x12a: {  	v52 =	vadd.f32 v10, v9;
	[tilespmem:s21+$0x6280] =	vst v5  }
0x12b: {  	[tilespmem:s21+$0x6300] =	vst v3;
	v3 =	vadd.f32 v12, v11  }
0x12c: {  	v53 =	vadd.f32 v14, v13;
	[tilespmem:s21+$0x6380] =	vst v52  }
0x12d: {  	[tilespmem:s21+$0x6400] =	vst v3;
	v3 =	vadd.f32 v51, v50  }
0x12e: {  	s22 =	sor.u32 s19, s20;
	[tilespmem:s21+$0x6480] =	vst v53  }
0x12f: {  	s22 =	sor.u32 $0x6380, s22;
	[tilespmem:s21+$0x6500] =	vst v3  }
0x130: {  	v3 =	vld [tilespmem:s22+$0x200]  }
0x131: {  	v54 =	vld [tilespmem:s22+$0xC200];
	_ =	sdelay $0x4  }
0x132: {  	v3 =	vadd.f32 v54, v3;
	_ =	sdelay $0x1  }
0x133: {  	[tilespmem:s22+$0x200] =	vst v3  }
0x134: {  	v3 =	vld [tilespmem:s21+$0x7A00]  }
0x135: {  	v55 =	vld [tilespmem:s21+$0x13A00]  }
0x136: {  	v56 =	vld [tilespmem:s21+$0x7A80]  }
0x137: {  	v57 =	vld [tilespmem:s21+$0x13A80]  }
0x138: {  	v58 =	vld [tilespmem:s21+$0x7B00]  }
0x139: {  	v59 =	vld [tilespmem:s21+$0x13B00]  }
0x13a: {  	v60 =	vld [tilespmem:s21+$0x7B80]  }
0x13b: {  	v61 =	vld [tilespmem:s21+$0x13B80]  }
0x13c: {  	v62 =	vld [tilespmem:s21+$0x7C00]  }
0x13d: {  	v63 =	vld [tilespmem:s21+$0x13C00]  }
0x13e: {  	v33 =	vld [tilespmem:s21+$0x7C80]  }
0x13f: {  	v34 =	vld [tilespmem:s21+$0x13C80]  }
0x140: {  	v15 =	vld [tilespmem:s21+$0x7D00]  }
0x141: {  	v16 =	vld [tilespmem:s21+$0x13D00]  }
0x142: {  	v17 =	vld [tilespmem:s21+$0x7D80]  }
0x143: {  	v18 =	vld [tilespmem:s21+$0x13D80]  }
0x144: {  	v19 =	vld [tilespmem:s21+$0x9200]  }
0x145: {  	v20 =	vld [tilespmem:s21+$0x15200]  }
0x146: {  	v21 =	vld [tilespmem:s21+$0x9280]  }
0x147: {  	v22 =	vld [tilespmem:s21+$0x15280]  }
0x148: {  	v23 =	vld [tilespmem:s21+$0x9300]  }
0x149: {  	v24 =	vld [tilespmem:s21+$0x15300]  }
0x14a: {  	v25 =	vld [tilespmem:s21+$0x9380]  }
0x14b: {  	v26 =	vld [tilespmem:s21+$0x15380]  }
0x14c: {  	v27 =	vld [tilespmem:s21+$0x9400]  }
0x14d: {  	v28 =	vld [tilespmem:s21+$0x15400]  }
0x14e: {  	v29 =	vld [tilespmem:s21+$0x9480]  }
0x14f: {  	v30 =	vld [tilespmem:s21+$0x15480]  }
0x150: {  	v31 =	vld [tilespmem:s21+$0x9500]  }
0x151: {  	v35 =	vld [tilespmem:s21+$0x15500];
	v3 =	vadd.f32 v55, v3  }
0x152: {  	v36 =	vld [tilespmem:s21+$0x9580];
	v5 =	vadd.f32 v57, v56  }
0x153: {  	v37 =	vld [tilespmem:s21+$0x15580];
	v38 =	vadd.f32 v61, v60;
	[tilespmem:s21+$0x7A00] =	vst v3  }
0x154: {  	v39 =	vld [tilespmem:s21+$0xAA00];
	v3 =	vadd.f32 v59, v58;
	[tilespmem:s21+$0x7A80] =	vst v5  }
0x155: {  	v40 =	vld [tilespmem:s21+$0x16A00];
	v41 =	vadd.f32 v34, v33;
	[tilespmem:s21+$0x7B80] =	vst v38  }
0x156: {  	v42 =	vld [tilespmem:s21+$0xAA80];
	[tilespmem:s21+$0x7B00] =	vst v3;
	v3 =	vadd.f32 v63, v62  }
0x157: {  	v43 =	vld [tilespmem:s21+$0x16A80];
	v44 =	vadd.f32 v18, v17;
	[tilespmem:s21+$0x7C80] =	vst v41  }
0x158: {  	v45 =	vld [tilespmem:s21+$0xAB00];
	[tilespmem:s21+$0x7C00] =	vst v3;
	v3 =	vadd.f32 v16, v15  }
0x159: {  	v46 =	vld [tilespmem:s21+$0x16B00];
	v47 =	vadd.f32 v22, v21;
	[tilespmem:s21+$0x7D80] =	vst v44  }
0x15a: {  	v48 =	vld [tilespmem:s21+$0xAB80];
	[tilespmem:s21+$0x7D00] =	vst v3;
	v3 =	vadd.f32 v20, v19  }
0x15b: {  	v49 =	vld [tilespmem:s21+$0x16B80];
	v50 =	vadd.f32 v26, v25;
	[tilespmem:s21+$0x9280] =	vst v47  }
0x15c: {  	v51 =	vld [tilespmem:s21+$0xAC00];
	[tilespmem:s21+$0x9200] =	vst v3;
	v3 =	vadd.f32 v24, v23  }
0x15d: {  	v52 =	vld [tilespmem:s21+$0x16C00];
	v53 =	vadd.f32 v30, v29;
	[tilespmem:s21+$0x9380] =	vst v50  }
0x15e: {  	v54 =	vld [tilespmem:s21+$0xAC80];
	[tilespmem:s21+$0x9300] =	vst v3;
	v3 =	vadd.f32 v28, v27  }
0x15f: {  	v55 =	vld [tilespmem:s21+$0x16C80];
	v56 =	vadd.f32 v37, v36;
	[tilespmem:s21+$0x9480] =	vst v53  }
0x160: {  	v57 =	vld [tilespmem:s21+$0xAD00];
	[tilespmem:s21+$0x9400] =	vst v3;
	v3 =	vadd.f32 v35, v31  }
0x161: {  	v60 =	vld [tilespmem:s21+$0xAD80];
	[tilespmem:s21+$0x9580] =	vst v56;
	v59 =	vadd.f32 v43, v42  }
0x162: {  	v61 =	vld [tilespmem:s21+$0x16D80];
	[tilespmem:s21+$0x9500] =	vst v3;
	v3 =	vadd.f32 v40, v39  }
0x163: {  	v58 =	vld [tilespmem:s21+$0x16D00];
	[tilespmem:s21+$0xAA80] =	vst v59;
	v62 =	vadd.f32 v49, v48  }
0x164: {  	[tilespmem:s21+$0xAA00] =	vst v3;
	v3 =	vadd.f32 v46, v45  }
0x165: {  	p0 =	sne.s32 s20, $0x2F0;
	v4 =	vadd.f32 v55, v54;
	[tilespmem:s21+$0xAB80] =	vst v62  }
.Ltmp1:
0x166: {  	[tilespmem:s21+$0xAB00] =	vst v3;
	v3 =	vadd.f32 v52, v51;
	(pc) =	sbr.rel @p0 .LBB2_4-.Ltmp1, $4  }
0x167: {  	v63 =	vadd.f32 v61, v60;
	[tilespmem:s21+$0xAC80] =	vst v4  }
0x168: {  	[tilespmem:s21+$0xAC00] =	vst v3;
	v3 =	vadd.f32 v58, v57  }
0x169: {  	[tilespmem:s21+$0xAD80] =	vst v63  }
0x16a: {  	s19 =	sadd.s32 $0x80, s19;
	s20 =	sadd.s32 $0x10, s20;
	[tilespmem:s21+$0xAD00] =	vst v3  }
0x16b: {  	[hbm4b:s11+s1] =	stream.linear.scatter [tilespmem:s23], [sflag:$0x6], $0x6000, $0x38;
	[tilespmem:$0x18200] =	vst v63  }
0x16c: {  	s18 =	sadd.s32 $0x1, s18  }
0x16d: {  	_ =	swait.ge [sflag:s15], $0x6000;
	p0 =	sne.s32 s18, s12  }
.Ltmp2:
0x16e: {  	[sflag:s15] =	ssyncset.done $0x0;
	(pc) =	sbr.rel @p0 .LBB2_1-.Ltmp2, $4  }
0x16f: {  	[sflag:s15] =	ssyncadd.s32 $0xFFFFA000  }
0x170: {  	_ =	swait.ge [sflag:s16], $0x6000  }
0x171: {  	[sflag:s16] =	ssyncset.done $0x0  }
0x172: {  	[sflag:s16] =	ssyncadd.s32 $0xFFFFA000  }
0x173: {  	_ =	sfence.sel $0x180000  }
0x174: {  	[bflag:$0x0] =	sbarrier.arrive $0xFFFF  }
0x175: {  	_ =	strace $0x9000004D  }
0x176: {  	s0 =	stileid.u32;
	[bflag:$0x2] =	sbarrier.arrive $0xFFFF  }
0x177: {  	p0 =	sne.s32 s0, $0x0;
	s0 =	rddreg [dreg:$0x2]  }
0x178: {  	s0 =	sadd.s32 @!p0 $0x100000, s0  }
0x179: {  	[sflag:s0] =	ssyncadd.tile.s32 @!p0 $0x1;
	_ =	shalt  }
.Lfunc_end2:
_tile_overlayer_lowered:
.L_overlay_start_2:
0x17a: {  	(tag) =	ssettag $0x2  }
0x17b: {  	s0 =	rddreg [dreg:$0x0];
	s2 =	stileid.u32  }
0x17c: {  	s1 =	rddreg [dreg:$0x1];
	p0 =	sne.s32 s2, $0x0  }
0x17d: {  	s3 =	rddreg [dreg:$0x2];
	[bflag:$0x3] =	sbarrier.arrive $0xFFFF;
	s2 =	simm.s32 @!p0 $0x1C07  }
0x17e: {  	[timem:s3], [sflag:s2] =	dma.local @!p0 [hbm:s0], s1  }
0x17f: {  	s0 =	simm.s32 @!p0 $0x7  }
0x180: {  	_ =	swait.ge @!p0 [sflag:s0], s1  }
0x181: {  	s1 =	ssub.s32 @!p0 $0x0, s1;
	[sflag:s0] =	ssyncset.done @!p0 $0x0  }
0x182: {  	[sflag:s0] =	ssyncadd.s32 @!p0 s1  }
0x183: {  	[bflag:$0x3] =	sbarrier.arrive $0xFFFF  }
0x184: {  	_ =	shalt  }

</sc_bundles>
